<compile_context>
chip_gen: v7x
topology: tpu7x:2x2x1
jax: 0.10.2.dev20260603
libtpu: 0.0.44.dev20260713+nightly
codegen_flags: <defaults>
</compile_context>

<pallas_src>
import functools

import jax
import jax.numpy as jnp
from jax import lax
from jax.experimental import pallas as pl
from jax.experimental.pallas import tpu as pltpu, tpu_sc as plsc

_VEC = 16
_LANE = 128
_G = 4
_RCHUNK = 64


@functools.lru_cache(maxsize=None)
def _make_gather(V, D, B):
    info = plsc.get_sparse_core_info()
    nw = info.num_cores * info.num_subcores
    b_per_w = B // nw
    n_steps = b_per_w // _G
    mesh = plsc.VectorSubcoreMesh(core_axis_name="c", subcore_axis_name="s")

    @functools.partial(
        pl.kernel,
        mesh=mesh,
        compiler_params=pltpu.CompilerParams(
            use_tc_tiling_on_sc=True, needs_layout_passes=False
        ),
        out_type=jax.ShapeDtypeStruct((B, D), jnp.float32),
        scratch_types=[
            pltpu.VMEM((b_per_w,), jnp.int32),
            pltpu.VMEM((2, _G, D // 8, 8, _LANE), jnp.float32),
            pltpu.VMEM((_RCHUNK, D), jnp.float32),
            pltpu.SemaphoreType.DMA,
        ],
    )
    def k(table_hbm, idx_hbm, out_hbm, idx_v, slabs_v, rows_v, sem):
        wid = lax.axis_index("s") * info.num_cores + lax.axis_index("c")
        base = wid * b_per_w
        pltpu.sync_copy(idx_hbm.at[pl.ds(base, b_per_w)], idx_v)
        lanes = lax.iota(jnp.int32, _VEC)

        per_vec = _VEC // _G
        pv_shift = per_vec.bit_length() - 1

        def extract(c, g):
            vec = idx_v[
                pl.ds(lax.shift_left(lax.shift_right_logical(c, pv_shift), 4), _VEC)
            ]
            lane_id = lax.bitwise_and(c, per_vec - 1) * _G + g
            return jnp.sum(jnp.where(lanes == lane_id, vec, 0))

        def fire(c):
            par = lax.bitwise_and(c, 1)
            for g in range(_G):
                r = extract(c, g)
                blk = lax.shift_right_logical(r, 7) * _LANE
                for t in range(D // 8):
                    pltpu.async_copy(
                        table_hbm.at[pl.ds(t * 8, 8), pl.ds(blk, _LANE)],
                        slabs_v.at[par, g, t],
                        sem,
                    )

        def step(c, carry):
            @pl.when(c + 1 < n_steps)
            def _():
                fire(c + 1)

            par = lax.bitwise_and(c, 1)
            for g in range(_G):
                for t in range(D // 8):
                    pltpu.make_async_copy(
                        table_hbm.at[pl.ds(0, 8), pl.ds(0, _LANE)],
                        slabs_v.at[par, g, t],
                        sem,
                    ).wait()
            pv = jnp.full((_VEC,), par, jnp.int32)
            steps_per_chunk = _RCHUNK // _G
            jc = lax.rem(c, steps_per_chunk)
            for g in range(_G):
                r = extract(c, g)
                lane = jnp.full((_VEC,), lax.bitwise_and(r, _LANE - 1))
                gv = jnp.full((_VEC,), g, jnp.int32)
                j = jc * _G + g
                for f in range(D // _VEC):
                    feats = lanes + f * _VEC
                    t_vec = lax.shift_right_logical(feats, 3)
                    s_vec = lax.bitwise_and(feats, 7)
                    vals = plsc.load_gather(
                        slabs_v, [pv, gv, t_vec, s_vec, lane]
                    )
                    rows_v[j, pl.ds(f * _VEC, _VEC)] = vals

            @pl.when(jc == steps_per_chunk - 1)
            def _():
                chunk = lax.div(c, steps_per_chunk)
                pltpu.sync_copy(
                    rows_v, out_hbm.at[pl.ds(base + chunk * _RCHUNK, _RCHUNK)]
                )

            return carry

        fire(0)
        lax.fori_loop(0, n_steps, step, 0)

    return k


@jax.jit
def kernel(source, hidden, cell, emb):
    V, D = emb.shape
    B = source.shape[0]
    return _make_gather(V, D, B)(emb.T, source)

# --- scband reference (transcript-rebuilt; emitter-appended) ---
"""Pipeline reference for scband-decoder-31645319037697 (READ-ONLY COPY).

The authoritative reference and input builder live on the scoring server;
editing this copy changes nothing except your own understanding.
"""

import jax, jax.numpy as jnp
import numpy as np

VOCAB = 1000000
HIDDEN = 64
BATCH = 16384


def setup_inputs(seed: int = 0) -> dict:
    key = jax.random.key(seed)
    k1, k2, k3, k4 = jax.random.split(key, 4)
    source = jax.random.randint(k1, (BATCH,), 0, VOCAB, dtype=jnp.int64 if jax.config.jax_enable_x64 else jnp.int32).astype(jnp.int32)
    hidden = jax.random.normal(k2, (BATCH, HIDDEN), dtype=jnp.float32)
    cell = jax.random.normal(k3, (BATCH, HIDDEN), dtype=jnp.float32)
    emb = jax.random.normal(k4, (VOCAB, HIDDEN), dtype=jnp.float32) * 0.02
    # nn.Embedding(padding_idx=0): row 0 initialized to zeros
    emb = emb.at[0].set(0.0)
    return {"source": source, "hidden": hidden, "cell": cell, "emb": emb}


def reference(source, hidden, cell, emb):
    # embedded = self.embedding(source)  -> gather rows of the table
    embedded = jnp.take(emb, source, axis=0)
    return embedded

if __name__ == "__main__":
    import jax
    _d = setup_inputs()
    print(jax.jit(kernel)(*tuple(_d.values())))

</pallas_src>

<mosaic_0001>
#map = affine_map<(d0, d1) -> (0, 0)>
#map1 = affine_map<(d0, d1) -> (0)>
module attributes {stable_mosaic.version = 14 : i64} {
  func.func @k(%arg0: i32, %arg1: i32, %arg2: memref<64x1000000xf32, #tpu.memory_space<hbm>>, %arg3: memref<16384xi32, #tpu.memory_space<hbm>>, %arg4: memref<16384x64xf32, #tpu.memory_space<hbm>>, %arg5: memref<512xi32, #tpu.memory_space<vmem>>, %arg6: memref<2x4x8x8x128xf32, #tpu.memory_space<vmem>>, %arg7: memref<64x64xf32, #tpu.memory_space<vmem>>, %arg8: memref<!tpu.dma_semaphore, #tpu.memory_space<semaphore_mem>>) attributes {dimension_semantics = [#tpu.dimension_semantics<core_parallel>, #tpu.dimension_semantics<subcore_parallel>], iteration_bounds = array<i64: 2, 16>, scalar_prefetch = 0 : i64, scratch_operands = 4 : i64, tpu.core_type = #tpu.core_type<sc_vector_subcore>, window_params = [{transform_indices = #map}, {transform_indices = #map1}, {transform_indices = #map}]} {
    %mul3A = arith.constant 2 : i32
    %mul3A_0 = arith.muli %arg1, %mul3A : i32
    %add3A = arith.addi %mul3A_0, %arg0 : i32
    %mul3A_1 = arith.constant 512 : i32
    %mul3A_2 = arith.muli %add3A, %mul3A_1 : i32
    "tpu.region"() ({
      %run_scoped3A = tpu.sem_alloc : memref<!tpu.dma_semaphore, #tpu.memory_space<semaphore_mem>>
      %dma_start3A_557 = tpu.memref_slice %arg3[%mul3A_2] : memref<16384xi32, #tpu.memory_space<hbm>> -> memref<512xi32, #tpu.memory_space<hbm>>
      %dma_start3A_558 = tpu.memref_slice %arg3[%mul3A_2] : memref<16384xi32, #tpu.memory_space<hbm>> -> memref<512xi32, #tpu.memory_space<hbm>>
      tpu.enqueue_dma source(%dma_start3A_558 : memref<512xi32, #tpu.memory_space<hbm>>) target(%arg5 : memref<512xi32, #tpu.memory_space<vmem>>) target_semaphore(%run_scoped3A : memref<!tpu.dma_semaphore, #tpu.memory_space<semaphore_mem>>)
      %dma_wait3A = tpu.memref_slice %arg3[%mul3A_2] : memref<16384xi32, #tpu.memory_space<hbm>> -> memref<512xi32, #tpu.memory_space<hbm>>
      %dma_wait3A_559 = tpu.memref_slice %arg3[%mul3A_2] : memref<16384xi32, #tpu.memory_space<hbm>> -> memref<512xi32, #tpu.memory_space<hbm>>
      tpu.wait_dma2 semaphore(%run_scoped3A : memref<!tpu.dma_semaphore, #tpu.memory_space<semaphore_mem>>) src(%dma_wait3A_559 : memref<512xi32, #tpu.memory_space<hbm>>) dst(%arg5 : memref<512xi32, #tpu.memory_space<vmem>>)
      tpu.yield
    }) : () -> ()
    %iota3A = tpu.iota {dimensions = array<i32: 0>} : vector<16xi32>
    %and3A = arith.constant 0 : i32
    %and3A_3 = arith.constant 1 : i32
    %and3A_4 = arith.andi %and3A, %and3A_3 : i32
    %shift_right_logical3A = arith.constant 0 : i32
    %shift_right_logical3A_5 = arith.constant 2 : i32
    %shift_right_logical3A_6 = arith.shrui %shift_right_logical3A, %shift_right_logical3A_5 : i32
    %shift_left3A = arith.constant 4 : i32
    %shift_left3A_7 = arith.shli %shift_right_logical3A_6, %shift_left3A : i32
    %get3A = arith.index_cast %shift_left3A_7 : i32 to index
    %get3A_8 = tpu.vector_load %arg5[%get3A] {strides = array<i32>} : memref<512xi32, #tpu.memory_space<vmem>>, vector<16xi32>,
    %and3A_9 = arith.constant 0 : i32
    %and3A_10 = arith.constant 3 : i32
    %and3A_11 = arith.andi %and3A_9, %and3A_10 : i32
    %mul3A_12 = arith.constant 4 : i32
    %mul3A_13 = arith.muli %and3A_11, %mul3A_12 : i32
    %add3A_14 = arith.constant 0 : i32
    %add3A_15 = arith.addi %mul3A_13, %add3A_14 : i32
    %eq3A = vector.broadcast %add3A_15 : i32 to vector<16xi32>
    %eq3A_16 = arith.cmpi eq, %iota3A, %eq3A : vector<16xi32>
    %jit3A = arith.constant 0 : i32
    %broadcast_in_dim3A = vector.broadcast %jit3A : i32 to vector<16xi32>
    %select_n3A = arith.select %eq3A_16, %get3A_8, %broadcast_in_dim3A : vector<16xi1>, vector<16xi32>
    %reduce_sum3A = arith.constant true
    %reduce_sum3A_17 = vector.broadcast %reduce_sum3A : i1 to vector<16xi1>
    %reduce_sum3A_18 = tpu.scan <sum>, %select_n3A masked %reduce_sum3A_17 : vector<16xi32>, vector<16xi1> -> vector<16xi32>
    %reduce_sum3A_19 = vector.extract %reduce_sum3A_18[15] : i32 from vector<16xi32>
    %shift_right_logical3A_20 = arith.constant 7 : i32
    %shift_right_logical3A_21 = arith.shrui %reduce_sum3A_19, %shift_right_logical3A_20 : i32
    %mul3A_22 = arith.constant 128 : i32
    %mul3A_23 = arith.muli %shift_right_logical3A_21, %mul3A_22 : i32
    %dma_start3A = arith.constant 0 : i32
    %dma_start3A_24 = arith.constant 0 : i32
    %dma_start3A_25 = arith.constant 0 : i32
    %dma_start3A_26 = arith.constant 0 : i32
    %dma_start3A_27 = tpu.memref_slice %arg6[%and3A_4, %dma_start3A, %dma_start3A_24, %dma_start3A_25, %dma_start3A_26] : memref<2x4x8x8x128xf32, #tpu.memory_space<vmem>> -> memref<1x1x1x8x128xf32, #tpu.memory_space<vmem>>
    %dma_start3A_28 = tpu.memref_squeeze %dma_start3A_27 : memref<1x1x1x8x128xf32, #tpu.memory_space<vmem>> -> memref<8x128xf32, #tpu.memory_space<vmem>>
    %dma_start3A_29 = arith.constant 0 : i32
    %dma_start3A_30 = tpu.memref_slice %arg2[%dma_start3A_29, %mul3A_23] : memref<64x1000000xf32, #tpu.memory_space<hbm>> -> memref<8x128xf32, #tpu.memory_space<hbm>>
    %dma_start3A_31 = arith.constant 0 : i32
    %dma_start3A_32 = arith.constant 0 : i32
    %dma_start3A_33 = tpu.memref_slice %arg6[%and3A_4, %dma_start3A, %dma_start3A_24, %dma_start3A_31, %dma_start3A_32] : memref<2x4x8x8x128xf32, #tpu.memory_space<vmem>> -> memref<1x1x1x8x128xf32, #tpu.memory_space<vmem>>
    %dma_start3A_34 = tpu.memref_squeeze %dma_start3A_33 : memref<1x1x1x8x128xf32, #tpu.memory_space<vmem>> -> memref<8x128xf32, #tpu.memory_space<vmem>>
    %dma_start3A_35 = arith.constant 0 : i32
    %dma_start3A_36 = tpu.memref_slice %arg2[%dma_start3A_35, %mul3A_23] : memref<64x1000000xf32, #tpu.memory_space<hbm>> -> memref<8x128xf32, #tpu.memory_space<hbm>>
    tpu.enqueue_dma source(%dma_start3A_36 : memref<8x128xf32, #tpu.memory_space<hbm>>) target(%dma_start3A_34 : memref<8x128xf32, #tpu.memory_space<vmem>>) target_semaphore(%arg8 : memref<!tpu.dma_semaphore, #tpu.memory_space<semaphore_mem>>)
    %dma_start3A_37 = arith.constant 0 : i32
    %dma_start3A_38 = arith.constant 1 : i32
    %dma_start3A_39 = arith.constant 0 : i32
    %dma_start3A_40 = arith.constant 0 : i32
    %dma_start3A_41 = tpu.memref_slice %arg6[%and3A_4, %dma_start3A_37, %dma_start3A_38, %dma_start3A_39, %dma_start3A_40] : memref<2x4x8x8x128xf32, #tpu.memory_space<vmem>> -> memref<1x1x1x8x128xf32, #tpu.memory_space<vmem>>
    %dma_start3A_42 = tpu.memref_squeeze %dma_start3A_41 : memref<1x1x1x8x128xf32, #tpu.memory_space<vmem>> -> memref<8x128xf32, #tpu.memory_space<vmem>>
    %dma_start3A_43 = arith.constant 8 : i32
    %dma_start3A_44 = tpu.memref_slice %arg2[%dma_start3A_43, %mul3A_23] : memref<64x1000000xf32, #tpu.memory_space<hbm>> -> memref<8x128xf32, #tpu.memory_space<hbm>>
    %dma_start3A_45 = arith.constant 0 : i32
    %dma_start3A_46 = arith.constant 0 : i32
    %dma_start3A_47 = tpu.memref_slice %arg6[%and3A_4, %dma_start3A_37, %dma_start3A_38, %dma_start3A_45, %dma_start3A_46] : memref<2x4x8x8x128xf32, #tpu.memory_space<vmem>> -> memref<1x1x1x8x128xf32, #tpu.memory_space<vmem>>
    %dma_start3A_48 = tpu.memref_squeeze %dma_start3A_47 : memref<1x1x1x8x128xf32, #tpu.memory_space<vmem>> -> memref<8x128xf32, #tpu.memory_space<vmem>>
    %dma_start3A_49 = arith.constant 8 : i32
    %dma_start3A_50 = tpu.memref_slice %arg2[%dma_start3A_49, %mul3A_23] : memref<64x1000000xf32, #tpu.memory_space<hbm>> -> memref<8x128xf32, #tpu.memory_space<hbm>>
    tpu.enqueue_dma source(%dma_start3A_50 : memref<8x128xf32, #tpu.memory_space<hbm>>) target(%dma_start3A_48 : memref<8x128xf32, #tpu.memory_space<vmem>>) target_semaphore(%arg8 : memref<!tpu.dma_semaphore, #tpu.memory_space<semaphore_mem>>)
    %dma_start3A_51 = arith.constant 0 : i32
    %dma_start3A_52 = arith.constant 2 : i32
    %dma_start3A_53 = arith.constant 0 : i32
    %dma_start3A_54 = arith.constant 0 : i32
    %dma_start3A_55 = tpu.memref_slice %arg6[%and3A_4, %dma_start3A_51, %dma_start3A_52, %dma_start3A_53, %dma_start3A_54] : memref<2x4x8x8x128xf32, #tpu.memory_space<vmem>> -> memref<1x1x1x8x128xf32, #tpu.memory_space<vmem>>
    %dma_start3A_56 = tpu.memref_squeeze %dma_start3A_55 : memref<1x1x1x8x128xf32, #tpu.memory_space<vmem>> -> memref<8x128xf32, #tpu.memory_space<vmem>>
    %dma_start3A_57 = arith.constant 16 : i32
    %dma_start3A_58 = tpu.memref_slice %arg2[%dma_start3A_57, %mul3A_23] : memref<64x1000000xf32, #tpu.memory_space<hbm>> -> memref<8x128xf32, #tpu.memory_space<hbm>>
    %dma_start3A_59 = arith.constant 0 : i32
    %dma_start3A_60 = arith.constant 0 : i32
    %dma_start3A_61 = tpu.memref_slice %arg6[%and3A_4, %dma_start3A_51, %dma_start3A_52, %dma_start3A_59, %dma_start3A_60] : memref<2x4x8x8x128xf32, #tpu.memory_space<vmem>> -> memref<1x1x1x8x128xf32, #tpu.memory_space<vmem>>
    %dma_start3A_62 = tpu.memref_squeeze %dma_start3A_61 : memref<1x1x1x8x128xf32, #tpu.memory_space<vmem>> -> memref<8x128xf32, #tpu.memory_space<vmem>>
    %dma_start3A_63 = arith.constant 16 : i32
    %dma_start3A_64 = tpu.memref_slice %arg2[%dma_start3A_63, %mul3A_23] : memref<64x1000000xf32, #tpu.memory_space<hbm>> -> memref<8x128xf32, #tpu.memory_space<hbm>>
    tpu.enqueue_dma source(%dma_start3A_64 : memref<8x128xf32, #tpu.memory_space<hbm>>) target(%dma_start3A_62 : memref<8x128xf32, #tpu.memory_space<vmem>>) target_semaphore(%arg8 : memref<!tpu.dma_semaphore, #tpu.memory_space<semaphore_mem>>)
    %dma_start3A_65 = arith.constant 0 : i32
    %dma_start3A_66 = arith.constant 3 : i32
    %dma_start3A_67 = arith.constant 0 : i32
    %dma_start3A_68 = arith.constant 0 : i32
    %dma_start3A_69 = tpu.memref_slice %arg6[%and3A_4, %dma_start3A_65, %dma_start3A_66, %dma_start3A_67, %dma_start3A_68] : memref<2x4x8x8x128xf32, #tpu.memory_space<vmem>> -> memref<1x1x1x8x128xf32, #tpu.memory_space<vmem>>
    %dma_start3A_70 = tpu.memref_squeeze %dma_start3A_69 : memref<1x1x1x8x128xf32, #tpu.memory_space<vmem>> -> memref<8x128xf32, #tpu.memory_space<vmem>>
    %dma_start3A_71 = arith.constant 24 : i32
    %dma_start3A_72 = tpu.memref_slice %arg2[%dma_start3A_71, %mul3A_23] : memref<64x1000000xf32, #tpu.memory_space<hbm>> -> memref<8x128xf32, #tpu.memory_space<hbm>>
    %dma_start3A_73 = arith.constant 0 : i32
    %dma_start3A_74 = arith.constant 0 : i32
    %dma_start3A_75 = tpu.memref_slice %arg6[%and3A_4, %dma_start3A_65, %dma_start3A_66, %dma_start3A_73, %dma_start3A_74] : memref<2x4x8x8x128xf32, #tpu.memory_space<vmem>> -> memref<1x1x1x8x128xf32, #tpu.memory_space<vmem>>
    %dma_start3A_76 = tpu.memref_squeeze %dma_start3A_75 : memref<1x1x1x8x128xf32, #tpu.memory_space<vmem>> -> memref<8x128xf32, #tpu.memory_space<vmem>>
    %dma_start3A_77 = arith.constant 24 : i32
    %dma_start3A_78 = tpu.memref_slice %arg2[%dma_start3A_77, %mul3A_23] : memref<64x1000000xf32, #tpu.memory_space<hbm>> -> memref<8x128xf32, #tpu.memory_space<hbm>>
    tpu.enqueue_dma source(%dma_start3A_78 : memref<8x128xf32, #tpu.memory_space<hbm>>) target(%dma_start3A_76 : memref<8x128xf32, #tpu.memory_space<vmem>>) target_semaphore(%arg8 : memref<!tpu.dma_semaphore, #tpu.memory_space<semaphore_mem>>)
    %dma_start3A_79 = arith.constant 0 : i32
    %dma_start3A_80 = arith.constant 4 : i32
    %dma_start3A_81 = arith.constant 0 : i32
    %dma_start3A_82 = arith.constant 0 : i32
    %dma_start3A_83 = tpu.memref_slice %arg6[%and3A_4, %dma_start3A_79, %dma_start3A_80, %dma_start3A_81, %dma_start3A_82] : memref<2x4x8x8x128xf32, #tpu.memory_space<vmem>> -> memref<1x1x1x8x128xf32, #tpu.memory_space<vmem>>
    %dma_start3A_84 = tpu.memref_squeeze %dma_start3A_83 : memref<1x1x1x8x128xf32, #tpu.memory_space<vmem>> -> memref<8x128xf32, #tpu.memory_space<vmem>>
    %dma_start3A_85 = arith.constant 32 : i32
    %dma_start3A_86 = tpu.memref_slice %arg2[%dma_start3A_85, %mul3A_23] : memref<64x1000000xf32, #tpu.memory_space<hbm>> -> memref<8x128xf32, #tpu.memory_space<hbm>>
    %dma_start3A_87 = arith.constant 0 : i32
    %dma_start3A_88 = arith.constant 0 : i32
    %dma_start3A_89 = tpu.memref_slice %arg6[%and3A_4, %dma_start3A_79, %dma_start3A_80, %dma_start3A_87, %dma_start3A_88] : memref<2x4x8x8x128xf32, #tpu.memory_space<vmem>> -> memref<1x1x1x8x128xf32, #tpu.memory_space<vmem>>
    %dma_start3A_90 = tpu.memref_squeeze %dma_start3A_89 : memref<1x1x1x8x128xf32, #tpu.memory_space<vmem>> -> memref<8x128xf32, #tpu.memory_space<vmem>>
    %dma_start3A_91 = arith.constant 32 : i32
    %dma_start3A_92 = tpu.memref_slice %arg2[%dma_start3A_91, %mul3A_23] : memref<64x1000000xf32, #tpu.memory_space<hbm>> -> memref<8x128xf32, #tpu.memory_space<hbm>>
    tpu.enqueue_dma source(%dma_start3A_92 : memref<8x128xf32, #tpu.memory_space<hbm>>) target(%dma_start3A_90 : memref<8x128xf32, #tpu.memory_space<vmem>>) target_semaphore(%arg8 : memref<!tpu.dma_semaphore, #tpu.memory_space<semaphore_mem>>)
    %dma_start3A_93 = arith.constant 0 : i32
    %dma_start3A_94 = arith.constant 5 : i32
    %dma_start3A_95 = arith.constant 0 : i32
    %dma_start3A_96 = arith.constant 0 : i32
    %dma_start3A_97 = tpu.memref_slice %arg6[%and3A_4, %dma_start3A_93, %dma_start3A_94, %dma_start3A_95, %dma_start3A_96] : memref<2x4x8x8x128xf32, #tpu.memory_space<vmem>> -> memref<1x1x1x8x128xf32, #tpu.memory_space<vmem>>
    %dma_start3A_98 = tpu.memref_squeeze %dma_start3A_97 : memref<1x1x1x8x128xf32, #tpu.memory_space<vmem>> -> memref<8x128xf32, #tpu.memory_space<vmem>>
    %dma_start3A_99 = arith.constant 40 : i32
    %dma_start3A_100 = tpu.memref_slice %arg2[%dma_start3A_99, %mul3A_23] : memref<64x1000000xf32, #tpu.memory_space<hbm>> -> memref<8x128xf32, #tpu.memory_space<hbm>>
    %dma_start3A_101 = arith.constant 0 : i32
    %dma_start3A_102 = arith.constant 0 : i32
    %dma_start3A_103 = tpu.memref_slice %arg6[%and3A_4, %dma_start3A_93, %dma_start3A_94, %dma_start3A_101, %dma_start3A_102] : memref<2x4x8x8x128xf32, #tpu.memory_space<vmem>> -> memref<1x1x1x8x128xf32, #tpu.memory_space<vmem>>
    %dma_start3A_104 = tpu.memref_squeeze %dma_start3A_103 : memref<1x1x1x8x128xf32, #tpu.memory_space<vmem>> -> memref<8x128xf32, #tpu.memory_space<vmem>>
    %dma_start3A_105 = arith.constant 40 : i32
    %dma_start3A_106 = tpu.memref_slice %arg2[%dma_start3A_105, %mul3A_23] : memref<64x1000000xf32, #tpu.memory_space<hbm>> -> memref<8x128xf32, #tpu.memory_space<hbm>>
    tpu.enqueue_dma source(%dma_start3A_106 : memref<8x128xf32, #tpu.memory_space<hbm>>) target(%dma_start3A_104 : memref<8x128xf32, #tpu.memory_space<vmem>>) target_semaphore(%arg8 : memref<!tpu.dma_semaphore, #tpu.memory_space<semaphore_mem>>)
    %dma_start3A_107 = arith.constant 0 : i32
    %dma_start3A_108 = arith.constant 6 : i32
    %dma_start3A_109 = arith.constant 0 : i32
    %dma_start3A_110 = arith.constant 0 : i32
    %dma_start3A_111 = tpu.memref_slice %arg6[%and3A_4, %dma_start3A_107, %dma_start3A_108, %dma_start3A_109, %dma_start3A_110] : memref<2x4x8x8x128xf32, #tpu.memory_space<vmem>> -> memref<1x1x1x8x128xf32, #tpu.memory_space<vmem>>
    %dma_start3A_112 = tpu.memref_squeeze %dma_start3A_111 : memref<1x1x1x8x128xf32, #tpu.memory_space<vmem>> -> memref<8x128xf32, #tpu.memory_space<vmem>>
    %dma_start3A_113 = arith.constant 48 : i32
    %dma_start3A_114 = tpu.memref_slice %arg2[%dma_start3A_113, %mul3A_23] : memref<64x1000000xf32, #tpu.memory_space<hbm>> -> memref<8x128xf32, #tpu.memory_space<hbm>>
    %dma_start3A_115 = arith.constant 0 : i32
    %dma_start3A_116 = arith.constant 0 : i32
    %dma_start3A_117 = tpu.memref_slice %arg6[%and3A_4, %dma_start3A_107, %dma_start3A_108, %dma_start3A_115, %dma_start3A_116] : memref<2x4x8x8x128xf32, #tpu.memory_space<vmem>> -> memref<1x1x1x8x128xf32, #tpu.memory_space<vmem>>
    %dma_start3A_118 = tpu.memref_squeeze %dma_start3A_117 : memref<1x1x1x8x128xf32, #tpu.memory_space<vmem>> -> memref<8x128xf32, #tpu.memory_space<vmem>>
    %dma_start3A_119 = arith.constant 48 : i32
    %dma_start3A_120 = tpu.memref_slice %arg2[%dma_start3A_119, %mul3A_23] : memref<64x1000000xf32, #tpu.memory_space<hbm>> -> memref<8x128xf32, #tpu.memory_space<hbm>>
    tpu.enqueue_dma source(%dma_start3A_120 : memref<8x128xf32, #tpu.memory_space<hbm>>) target(%dma_start3A_118 : memref<8x128xf32, #tpu.memory_space<vmem>>) target_semaphore(%arg8 : memref<!tpu.dma_semaphore, #tpu.memory_space<semaphore_mem>>)
    %dma_start3A_121 = arith.constant 0 : i32
    %dma_start3A_122 = arith.constant 7 : i32
    %dma_start3A_123 = arith.constant 0 : i32
    %dma_start3A_124 = arith.constant 0 : i32
    %dma_start3A_125 = tpu.memref_slice %arg6[%and3A_4, %dma_start3A_121, %dma_start3A_122, %dma_start3A_123, %dma_start3A_124] : memref<2x4x8x8x128xf32, #tpu.memory_space<vmem>> -> memref<1x1x1x8x128xf32, #tpu.memory_space<vmem>>
    %dma_start3A_126 = tpu.memref_squeeze %dma_start3A_125 : memref<1x1x1x8x128xf32, #tpu.memory_space<vmem>> -> memref<8x128xf32, #tpu.memory_space<vmem>>
    %dma_start3A_127 = arith.constant 56 : i32
    %dma_start3A_128 = tpu.memref_slice %arg2[%dma_start3A_127, %mul3A_23] : memref<64x1000000xf32, #tpu.memory_space<hbm>> -> memref<8x128xf32, #tpu.memory_space<hbm>>
    %dma_start3A_129 = arith.constant 0 : i32
    %dma_start3A_130 = arith.constant 0 : i32
    %dma_start3A_131 = tpu.memref_slice %arg6[%and3A_4, %dma_start3A_121, %dma_start3A_122, %dma_start3A_129, %dma_start3A_130] : memref<2x4x8x8x128xf32, #tpu.memory_space<vmem>> -> memref<1x1x1x8x128xf32, #tpu.memory_space<vmem>>
    %dma_start3A_132 = tpu.memref_squeeze %dma_start3A_131 : memref<1x1x1x8x128xf32, #tpu.memory_space<vmem>> -> memref<8x128xf32, #tpu.memory_space<vmem>>
    %dma_start3A_133 = arith.constant 56 : i32
    %dma_start3A_134 = tpu.memref_slice %arg2[%dma_start3A_133, %mul3A_23] : memref<64x1000000xf32, #tpu.memory_space<hbm>> -> memref<8x128xf32, #tpu.memory_space<hbm>>
    tpu.enqueue_dma source(%dma_start3A_134 : memref<8x128xf32, #tpu.memory_space<hbm>>) target(%dma_start3A_132 : memref<8x128xf32, #tpu.memory_space<vmem>>) target_semaphore(%arg8 : memref<!tpu.dma_semaphore, #tpu.memory_space<semaphore_mem>>)
    %shift_right_logical3A_135 = arith.constant 0 : i32
    %shift_right_logical3A_136 = arith.constant 2 : i32
    %shift_right_logical3A_137 = arith.shrui %shift_right_logical3A_135, %shift_right_logical3A_136 : i32
    %shift_left3A_138 = arith.constant 4 : i32
    %shift_left3A_139 = arith.shli %shift_right_logical3A_137, %shift_left3A_138 : i32
    %get3A_140 = arith.index_cast %shift_left3A_139 : i32 to index
    %get3A_141 = tpu.vector_load %arg5[%get3A_140] {strides = array<i32>} : memref<512xi32, #tpu.memory_space<vmem>>, vector<16xi32>,
    %and3A_142 = arith.constant 0 : i32
    %and3A_143 = arith.constant 3 : i32
    %and3A_144 = arith.andi %and3A_142, %and3A_143 : i32
    %mul3A_145 = arith.constant 4 : i32
    %mul3A_146 = arith.muli %and3A_144, %mul3A_145 : i32
    %add3A_147 = arith.constant 1 : i32
    %add3A_148 = arith.addi %mul3A_146, %add3A_147 : i32
    %eq3A_149 = vector.broadcast %add3A_148 : i32 to vector<16xi32>
    %eq3A_150 = arith.cmpi eq, %iota3A, %eq3A_149 : vector<16xi32>
    %jit3A_151 = arith.constant 0 : i32
    %broadcast_in_dim3A_152 = vector.broadcast %jit3A_151 : i32 to vector<16xi32>
    %select_n3A_153 = arith.select %eq3A_150, %get3A_141, %broadcast_in_dim3A_152 : vector<16xi1>, vector<16xi32>
    %reduce_sum3A_154 = arith.constant true
    %reduce_sum3A_155 = vector.broadcast %reduce_sum3A_154 : i1 to vector<16xi1>
    %reduce_sum3A_156 = tpu.scan <sum>, %select_n3A_153 masked %reduce_sum3A_155 : vector<16xi32>, vector<16xi1> -> vector<16xi32>
    %reduce_sum3A_157 = vector.extract %reduce_sum3A_156[15] : i32 from vector<16xi32>
    %shift_right_logical3A_158 = arith.constant 7 : i32
    %shift_right_logical3A_159 = arith.shrui %reduce_sum3A_157, %shift_right_logical3A_158 : i32
    %mul3A_160 = arith.constant 128 : i32
    %mul3A_161 = arith.muli %shift_right_logical3A_159, %mul3A_160 : i32
    %dma_start3A_162 = arith.constant 1 : i32
    %dma_start3A_163 = arith.constant 0 : i32
    %dma_start3A_164 = arith.constant 0 : i32
    %dma_start3A_165 = arith.constant 0 : i32
    %dma_start3A_166 = tpu.memref_slice %arg6[%and3A_4, %dma_start3A_162, %dma_start3A_163, %dma_start3A_164, %dma_start3A_165] : memref<2x4x8x8x128xf32, #tpu.memory_space<vmem>> -> memref<1x1x1x8x128xf32, #tpu.memory_space<vmem>>
    %dma_start3A_167 = tpu.memref_squeeze %dma_start3A_166 : memref<1x1x1x8x128xf32, #tpu.memory_space<vmem>> -> memref<8x128xf32, #tpu.memory_space<vmem>>
    %dma_start3A_168 = arith.constant 0 : i32
    %dma_start3A_169 = tpu.memref_slice %arg2[%dma_start3A_168, %mul3A_161] : memref<64x1000000xf32, #tpu.memory_space<hbm>> -> memref<8x128xf32, #tpu.memory_space<hbm>>
    %dma_start3A_170 = arith.constant 0 : i32
    %dma_start3A_171 = arith.constant 0 : i32
    %dma_start3A_172 = tpu.memref_slice %arg6[%and3A_4, %dma_start3A_162, %dma_start3A_163, %dma_start3A_170, %dma_start3A_171] : memref<2x4x8x8x128xf32, #tpu.memory_space<vmem>> -> memref<1x1x1x8x128xf32, #tpu.memory_space<vmem>>
    %dma_start3A_173 = tpu.memref_squeeze %dma_start3A_172 : memref<1x1x1x8x128xf32, #tpu.memory_space<vmem>> -> memref<8x128xf32, #tpu.memory_space<vmem>>
    %dma_start3A_174 = arith.constant 0 : i32
    %dma_start3A_175 = tpu.memref_slice %arg2[%dma_start3A_174, %mul3A_161] : memref<64x1000000xf32, #tpu.memory_space<hbm>> -> memref<8x128xf32, #tpu.memory_space<hbm>>
    tpu.enqueue_dma source(%dma_start3A_175 : memref<8x128xf32, #tpu.memory_space<hbm>>) target(%dma_start3A_173 : memref<8x128xf32, #tpu.memory_space<vmem>>) target_semaphore(%arg8 : memref<!tpu.dma_semaphore, #tpu.memory_space<semaphore_mem>>)
    %dma_start3A_176 = arith.constant 1 : i32
    %dma_start3A_177 = arith.constant 1 : i32
    %dma_start3A_178 = arith.constant 0 : i32
    %dma_start3A_179 = arith.constant 0 : i32
    %dma_start3A_180 = tpu.memref_slice %arg6[%and3A_4, %dma_start3A_176, %dma_start3A_177, %dma_start3A_178, %dma_start3A_179] : memref<2x4x8x8x128xf32, #tpu.memory_space<vmem>> -> memref<1x1x1x8x128xf32, #tpu.memory_space<vmem>>
    %dma_start3A_181 = tpu.memref_squeeze %dma_start3A_180 : memref<1x1x1x8x128xf32, #tpu.memory_space<vmem>> -> memref<8x128xf32, #tpu.memory_space<vmem>>
    %dma_start3A_182 = arith.constant 8 : i32
    %dma_start3A_183 = tpu.memref_slice %arg2[%dma_start3A_182, %mul3A_161] : memref<64x1000000xf32, #tpu.memory_space<hbm>> -> memref<8x128xf32, #tpu.memory_space<hbm>>
    %dma_start3A_184 = arith.constant 0 : i32
    %dma_start3A_185 = arith.constant 0 : i32
    %dma_start3A_186 = tpu.memref_slice %arg6[%and3A_4, %dma_start3A_176, %dma_start3A_177, %dma_start3A_184, %dma_start3A_185] : memref<2x4x8x8x128xf32, #tpu.memory_space<vmem>> -> memref<1x1x1x8x128xf32, #tpu.memory_space<vmem>>
    %dma_start3A_187 = tpu.memref_squeeze %dma_start3A_186 : memref<1x1x1x8x128xf32, #tpu.memory_space<vmem>> -> memref<8x128xf32, #tpu.memory_space<vmem>>
    %dma_start3A_188 = arith.constant 8 : i32
    %dma_start3A_189 = tpu.memref_slice %arg2[%dma_start3A_188, %mul3A_161] : memref<64x1000000xf32, #tpu.memory_space<hbm>> -> memref<8x128xf32, #tpu.memory_space<hbm>>
    tpu.enqueue_dma source(%dma_start3A_189 : memref<8x128xf32, #tpu.memory_space<hbm>>) target(%dma_start3A_187 : memref<8x128xf32, #tpu.memory_space<vmem>>) target_semaphore(%arg8 : memref<!tpu.dma_semaphore, #tpu.memory_space<semaphore_mem>>)
    %dma_start3A_190 = arith.constant 1 : i32
    %dma_start3A_191 = arith.constant 2 : i32
    %dma_start3A_192 = arith.constant 0 : i32
    %dma_start3A_193 = arith.constant 0 : i32
    %dma_start3A_194 = tpu.memref_slice %arg6[%and3A_4, %dma_start3A_190, %dma_start3A_191, %dma_start3A_192, %dma_start3A_193] : memref<2x4x8x8x128xf32, #tpu.memory_space<vmem>> -> memref<1x1x1x8x128xf32, #tpu.memory_space<vmem>>
    %dma_start3A_195 = tpu.memref_squeeze %dma_start3A_194 : memref<1x1x1x8x128xf32, #tpu.memory_space<vmem>> -> memref<8x128xf32, #tpu.memory_space<vmem>>
    %dma_start3A_196 = arith.constant 16 : i32
    %dma_start3A_197 = tpu.memref_slice %arg2[%dma_start3A_196, %mul3A_161] : memref<64x1000000xf32, #tpu.memory_space<hbm>> -> memref<8x128xf32, #tpu.memory_space<hbm>>
    %dma_start3A_198 = arith.constant 0 : i32
    %dma_start3A_199 = arith.constant 0 : i32
    %dma_start3A_200 = tpu.memref_slice %arg6[%and3A_4, %dma_start3A_190, %dma_start3A_191, %dma_start3A_198, %dma_start3A_199] : memref<2x4x8x8x128xf32, #tpu.memory_space<vmem>> -> memref<1x1x1x8x128xf32, #tpu.memory_space<vmem>>
    %dma_start3A_201 = tpu.memref_squeeze %dma_start3A_200 : memref<1x1x1x8x128xf32, #tpu.memory_space<vmem>> -> memref<8x128xf32, #tpu.memory_space<vmem>>
    %dma_start3A_202 = arith.constant 16 : i32
    %dma_start3A_203 = tpu.memref_slice %arg2[%dma_start3A_202, %mul3A_161] : memref<64x1000000xf32, #tpu.memory_space<hbm>> -> memref<8x128xf32, #tpu.memory_space<hbm>>
    tpu.enqueue_dma source(%dma_start3A_203 : memref<8x128xf32, #tpu.memory_space<hbm>>) target(%dma_start3A_201 : memref<8x128xf32, #tpu.memory_space<vmem>>) target_semaphore(%arg8 : memref<!tpu.dma_semaphore, #tpu.memory_space<semaphore_mem>>)
    %dma_start3A_204 = arith.constant 1 : i32
    %dma_start3A_205 = arith.constant 3 : i32
    %dma_start3A_206 = arith.constant 0 : i32
    %dma_start3A_207 = arith.constant 0 : i32
    %dma_start3A_208 = tpu.memref_slice %arg6[%and3A_4, %dma_start3A_204, %dma_start3A_205, %dma_start3A_206, %dma_start3A_207] : memref<2x4x8x8x128xf32, #tpu.memory_space<vmem>> -> memref<1x1x1x8x128xf32, #tpu.memory_space<vmem>>
    %dma_start3A_209 = tpu.memref_squeeze %dma_start3A_208 : memref<1x1x1x8x128xf32, #tpu.memory_space<vmem>> -> memref<8x128xf32, #tpu.memory_space<vmem>>
    %dma_start3A_210 = arith.constant 24 : i32
    %dma_start3A_211 = tpu.memref_slice %arg2[%dma_start3A_210, %mul3A_161] : memref<64x1000000xf32, #tpu.memory_space<hbm>> -> memref<8x128xf32, #tpu.memory_space<hbm>>
    %dma_start3A_212 = arith.constant 0 : i32
    %dma_start3A_213 = arith.constant 0 : i32
    %dma_start3A_214 = tpu.memref_slice %arg6[%and3A_4, %dma_start3A_204, %dma_start3A_205, %dma_start3A_212, %dma_start3A_213] : memref<2x4x8x8x128xf32, #tpu.memory_space<vmem>> -> memref<1x1x1x8x128xf32, #tpu.memory_space<vmem>>
    %dma_start3A_215 = tpu.memref_squeeze %dma_start3A_214 : memref<1x1x1x8x128xf32, #tpu.memory_space<vmem>> -> memref<8x128xf32, #tpu.memory_space<vmem>>
    %dma_start3A_216 = arith.constant 24 : i32
    %dma_start3A_217 = tpu.memref_slice %arg2[%dma_start3A_216, %mul3A_161] : memref<64x1000000xf32, #tpu.memory_space<hbm>> -> memref<8x128xf32, #tpu.memory_space<hbm>>
    tpu.enqueue_dma source(%dma_start3A_217 : memref<8x128xf32, #tpu.memory_space<hbm>>) target(%dma_start3A_215 : memref<8x128xf32, #tpu.memory_space<vmem>>) target_semaphore(%arg8 : memref<!tpu.dma_semaphore, #tpu.memory_space<semaphore_mem>>)
    %dma_start3A_218 = arith.constant 1 : i32
    %dma_start3A_219 = arith.constant 4 : i32
    %dma_start3A_220 = arith.constant 0 : i32
    %dma_start3A_221 = arith.constant 0 : i32
    %dma_start3A_222 = tpu.memref_slice %arg6[%and3A_4, %dma_start3A_218, %dma_start3A_219, %dma_start3A_220, %dma_start3A_221] : memref<2x4x8x8x128xf32, #tpu.memory_space<vmem>> -> memref<1x1x1x8x128xf32, #tpu.memory_space<vmem>>
    %dma_start3A_223 = tpu.memref_squeeze %dma_start3A_222 : memref<1x1x1x8x128xf32, #tpu.memory_space<vmem>> -> memref<8x128xf32, #tpu.memory_space<vmem>>
    %dma_start3A_224 = arith.constant 32 : i32
    %dma_start3A_225 = tpu.memref_slice %arg2[%dma_start3A_224, %mul3A_161] : memref<64x1000000xf32, #tpu.memory_space<hbm>> -> memref<8x128xf32, #tpu.memory_space<hbm>>
    %dma_start3A_226 = arith.constant 0 : i32
    %dma_start3A_227 = arith.constant 0 : i32
    %dma_start3A_228 = tpu.memref_slice %arg6[%and3A_4, %dma_start3A_218, %dma_start3A_219, %dma_start3A_226, %dma_start3A_227] : memref<2x4x8x8x128xf32, #tpu.memory_space<vmem>> -> memref<1x1x1x8x128xf32, #tpu.memory_space<vmem>>
    %dma_start3A_229 = tpu.memref_squeeze %dma_start3A_228 : memref<1x1x1x8x128xf32, #tpu.memory_space<vmem>> -> memref<8x128xf32, #tpu.memory_space<vmem>>
    %dma_start3A_230 = arith.constant 32 : i32
    %dma_start3A_231 = tpu.memref_slice %arg2[%dma_start3A_230, %mul3A_161] : memref<64x1000000xf32, #tpu.memory_space<hbm>> -> memref<8x128xf32, #tpu.memory_space<hbm>>
    tpu.enqueue_dma source(%dma_start3A_231 : memref<8x128xf32, #tpu.memory_space<hbm>>) target(%dma_start3A_229 : memref<8x128xf32, #tpu.memory_space<vmem>>) target_semaphore(%arg8 : memref<!tpu.dma_semaphore, #tpu.memory_space<semaphore_mem>>)
    %dma_start3A_232 = arith.constant 1 : i32
    %dma_start3A_233 = arith.constant 5 : i32
    %dma_start3A_234 = arith.constant 0 : i32
    %dma_start3A_235 = arith.constant 0 : i32
    %dma_start3A_236 = tpu.memref_slice %arg6[%and3A_4, %dma_start3A_232, %dma_start3A_233, %dma_start3A_234, %dma_start3A_235] : memref<2x4x8x8x128xf32, #tpu.memory_space<vmem>> -> memref<1x1x1x8x128xf32, #tpu.memory_space<vmem>>
    %dma_start3A_237 = tpu.memref_squeeze %dma_start3A_236 : memref<1x1x1x8x128xf32, #tpu.memory_space<vmem>> -> memref<8x128xf32, #tpu.memory_space<vmem>>
    %dma_start3A_238 = arith.constant 40 : i32
    %dma_start3A_239 = tpu.memref_slice %arg2[%dma_start3A_238, %mul3A_161] : memref<64x1000000xf32, #tpu.memory_space<hbm>> -> memref<8x128xf32, #tpu.memory_space<hbm>>
    %dma_start3A_240 = arith.constant 0 : i32
    %dma_start3A_241 = arith.constant 0 : i32
    %dma_start3A_242 = tpu.memref_slice %arg6[%and3A_4, %dma_start3A_232, %dma_start3A_233, %dma_start3A_240, %dma_start3A_241] : memref<2x4x8x8x128xf32, #tpu.memory_space<vmem>> -> memref<1x1x1x8x128xf32, #tpu.memory_space<vmem>>
    %dma_start3A_243 = tpu.memref_squeeze %dma_start3A_242 : memref<1x1x1x8x128xf32, #tpu.memory_space<vmem>> -> memref<8x128xf32, #tpu.memory_space<vmem>>
    %dma_start3A_244 = arith.constant 40 : i32
    %dma_start3A_245 = tpu.memref_slice %arg2[%dma_start3A_244, %mul3A_161] : memref<64x1000000xf32, #tpu.memory_space<hbm>> -> memref<8x128xf32, #tpu.memory_space<hbm>>
    tpu.enqueue_dma source(%dma_start3A_245 : memref<8x128xf32, #tpu.memory_space<hbm>>) target(%dma_start3A_243 : memref<8x128xf32, #tpu.memory_space<vmem>>) target_semaphore(%arg8 : memref<!tpu.dma_semaphore, #tpu.memory_space<semaphore_mem>>)
    %dma_start3A_246 = arith.constant 1 : i32
    %dma_start3A_247 = arith.constant 6 : i32
    %dma_start3A_248 = arith.constant 0 : i32
    %dma_start3A_249 = arith.constant 0 : i32
    %dma_start3A_250 = tpu.memref_slice %arg6[%and3A_4, %dma_start3A_246, %dma_start3A_247, %dma_start3A_248, %dma_start3A_249] : memref<2x4x8x8x128xf32, #tpu.memory_space<vmem>> -> memref<1x1x1x8x128xf32, #tpu.memory_space<vmem>>
    %dma_start3A_251 = tpu.memref_squeeze %dma_start3A_250 : memref<1x1x1x8x128xf32, #tpu.memory_space<vmem>> -> memref<8x128xf32, #tpu.memory_space<vmem>>
    %dma_start3A_252 = arith.constant 48 : i32
    %dma_start3A_253 = tpu.memref_slice %arg2[%dma_start3A_252, %mul3A_161] : memref<64x1000000xf32, #tpu.memory_space<hbm>> -> memref<8x128xf32, #tpu.memory_space<hbm>>
    %dma_start3A_254 = arith.constant 0 : i32
    %dma_start3A_255 = arith.constant 0 : i32
    %dma_start3A_256 = tpu.memref_slice %arg6[%and3A_4, %dma_start3A_246, %dma_start3A_247, %dma_start3A_254, %dma_start3A_255] : memref<2x4x8x8x128xf32, #tpu.memory_space<vmem>> -> memref<1x1x1x8x128xf32, #tpu.memory_space<vmem>>
    %dma_start3A_257 = tpu.memref_squeeze %dma_start3A_256 : memref<1x1x1x8x128xf32, #tpu.memory_space<vmem>> -> memref<8x128xf32, #tpu.memory_space<vmem>>
    %dma_start3A_258 = arith.constant 48 : i32
    %dma_start3A_259 = tpu.memref_slice %arg2[%dma_start3A_258, %mul3A_161] : memref<64x1000000xf32, #tpu.memory_space<hbm>> -> memref<8x128xf32, #tpu.memory_space<hbm>>
    tpu.enqueue_dma source(%dma_start3A_259 : memref<8x128xf32, #tpu.memory_space<hbm>>) target(%dma_start3A_257 : memref<8x128xf32, #tpu.memory_space<vmem>>) target_semaphore(%arg8 : memref<!tpu.dma_semaphore, #tpu.memory_space<semaphore_mem>>)
    %dma_start3A_260 = arith.constant 1 : i32
    %dma_start3A_261 = arith.constant 7 : i32
    %dma_start3A_262 = arith.constant 0 : i32
    %dma_start3A_263 = arith.constant 0 : i32
    %dma_start3A_264 = tpu.memref_slice %arg6[%and3A_4, %dma_start3A_260, %dma_start3A_261, %dma_start3A_262, %dma_start3A_263] : memref<2x4x8x8x128xf32, #tpu.memory_space<vmem>> -> memref<1x1x1x8x128xf32, #tpu.memory_space<vmem>>
    %dma_start3A_265 = tpu.memref_squeeze %dma_start3A_264 : memref<1x1x1x8x128xf32, #tpu.memory_space<vmem>> -> memref<8x128xf32, #tpu.memory_space<vmem>>
    %dma_start3A_266 = arith.constant 56 : i32
    %dma_start3A_267 = tpu.memref_slice %arg2[%dma_start3A_266, %mul3A_161] : memref<64x1000000xf32, #tpu.memory_space<hbm>> -> memref<8x128xf32, #tpu.memory_space<hbm>>
    %dma_start3A_268 = arith.constant 0 : i32
    %dma_start3A_269 = arith.constant 0 : i32
    %dma_start3A_270 = tpu.memref_slice %arg6[%and3A_4, %dma_start3A_260, %dma_start3A_261, %dma_start3A_268, %dma_start3A_269] : memref<2x4x8x8x128xf32, #tpu.memory_space<vmem>> -> memref<1x1x1x8x128xf32, #tpu.memory_space<vmem>>
    %dma_start3A_271 = tpu.memref_squeeze %dma_start3A_270 : memref<1x1x1x8x128xf32, #tpu.memory_space<vmem>> -> memref<8x128xf32, #tpu.memory_space<vmem>>
    %dma_start3A_272 = arith.constant 56 : i32
    %dma_start3A_273 = tpu.memref_slice %arg2[%dma_start3A_272, %mul3A_161] : memref<64x1000000xf32, #tpu.memory_space<hbm>> -> memref<8x128xf32, #tpu.memory_space<hbm>>
    tpu.enqueue_dma source(%dma_start3A_273 : memref<8x128xf32, #tpu.memory_space<hbm>>) target(%dma_start3A_271 : memref<8x128xf32, #tpu.memory_space<vmem>>) target_semaphore(%arg8 : memref<!tpu.dma_semaphore, #tpu.memory_space<semaphore_mem>>)
    %shift_right_logical3A_274 = arith.constant 0 : i32
    %shift_right_logical3A_275 = arith.constant 2 : i32
    %shift_right_logical3A_276 = arith.shrui %shift_right_logical3A_274, %shift_right_logical3A_275 : i32
    %shift_left3A_277 = arith.constant 4 : i32
    %shift_left3A_278 = arith.shli %shift_right_logical3A_276, %shift_left3A_277 : i32
    %get3A_279 = arith.index_cast %shift_left3A_278 : i32 to index
    %get3A_280 = tpu.vector_load %arg5[%get3A_279] {strides = array<i32>} : memref<512xi32, #tpu.memory_space<vmem>>, vector<16xi32>,
    %and3A_281 = arith.constant 0 : i32
    %and3A_282 = arith.constant 3 : i32
    %and3A_283 = arith.andi %and3A_281, %and3A_282 : i32
    %mul3A_284 = arith.constant 4 : i32
    %mul3A_285 = arith.muli %and3A_283, %mul3A_284 : i32
    %add3A_286 = arith.constant 2 : i32
    %add3A_287 = arith.addi %mul3A_285, %add3A_286 : i32
    %eq3A_288 = vector.broadcast %add3A_287 : i32 to vector<16xi32>
    %eq3A_289 = arith.cmpi eq, %iota3A, %eq3A_288 : vector<16xi32>
    %jit3A_290 = arith.constant 0 : i32
    %broadcast_in_dim3A_291 = vector.broadcast %jit3A_290 : i32 to vector<16xi32>
    %select_n3A_292 = arith.select %eq3A_289, %get3A_280, %broadcast_in_dim3A_291 : vector<16xi1>, vector<16xi32>
    %reduce_sum3A_293 = arith.constant true
    %reduce_sum3A_294 = vector.broadcast %reduce_sum3A_293 : i1 to vector<16xi1>
    %reduce_sum3A_295 = tpu.scan <sum>, %select_n3A_292 masked %reduce_sum3A_294 : vector<16xi32>, vector<16xi1> -> vector<16xi32>
    %reduce_sum3A_296 = vector.extract %reduce_sum3A_295[15] : i32 from vector<16xi32>
    %shift_right_logical3A_297 = arith.constant 7 : i32
    %shift_right_logical3A_298 = arith.shrui %reduce_sum3A_296, %shift_right_logical3A_297 : i32
    %mul3A_299 = arith.constant 128 : i32
    %mul3A_300 = arith.muli %shift_right_logical3A_298, %mul3A_299 : i32
    %dma_start3A_301 = arith.constant 2 : i32
    %dma_start3A_302 = arith.constant 0 : i32
    %dma_start3A_303 = arith.constant 0 : i32
    %dma_start3A_304 = arith.constant 0 : i32
    %dma_start3A_305 = tpu.memref_slice %arg6[%and3A_4, %dma_start3A_301, %dma_start3A_302, %dma_start3A_303, %dma_start3A_304] : memref<2x4x8x8x128xf32, #tpu.memory_space<vmem>> -> memref<1x1x1x8x128xf32, #tpu.memory_space<vmem>>
    %dma_start3A_306 = tpu.memref_squeeze %dma_start3A_305 : memref<1x1x1x8x128xf32, #tpu.memory_space<vmem>> -> memref<8x128xf32, #tpu.memory_space<vmem>>
    %dma_start3A_307 = arith.constant 0 : i32
    %dma_start3A_308 = tpu.memref_slice %arg2[%dma_start3A_307, %mul3A_300] : memref<64x1000000xf32, #tpu.memory_space<hbm>> -> memref<8x128xf32, #tpu.memory_space<hbm>>
    %dma_start3A_309 = arith.constant 0 : i32
    %dma_start3A_310 = arith.constant 0 : i32
    %dma_start3A_311 = tpu.memref_slice %arg6[%and3A_4, %dma_start3A_301, %dma_start3A_302, %dma_start3A_309, %dma_start3A_310] : memref<2x4x8x8x128xf32, #tpu.memory_space<vmem>> -> memref<1x1x1x8x128xf32, #tpu.memory_space<vmem>>
    %dma_start3A_312 = tpu.memref_squeeze %dma_start3A_311 : memref<1x1x1x8x128xf32, #tpu.memory_space<vmem>> -> memref<8x128xf32, #tpu.memory_space<vmem>>
    %dma_start3A_313 = arith.constant 0 : i32
    %dma_start3A_314 = tpu.memref_slice %arg2[%dma_start3A_313, %mul3A_300] : memref<64x1000000xf32, #tpu.memory_space<hbm>> -> memref<8x128xf32, #tpu.memory_space<hbm>>
    tpu.enqueue_dma source(%dma_start3A_314 : memref<8x128xf32, #tpu.memory_space<hbm>>) target(%dma_start3A_312 : memref<8x128xf32, #tpu.memory_space<vmem>>) target_semaphore(%arg8 : memref<!tpu.dma_semaphore, #tpu.memory_space<semaphore_mem>>)
    %dma_start3A_315 = arith.constant 2 : i32
    %dma_start3A_316 = arith.constant 1 : i32
    %dma_start3A_317 = arith.constant 0 : i32
    %dma_start3A_318 = arith.constant 0 : i32
    %dma_start3A_319 = tpu.memref_slice %arg6[%and3A_4, %dma_start3A_315, %dma_start3A_316, %dma_start3A_317, %dma_start3A_318] : memref<2x4x8x8x128xf32, #tpu.memory_space<vmem>> -> memref<1x1x1x8x128xf32, #tpu.memory_space<vmem>>
    %dma_start3A_320 = tpu.memref_squeeze %dma_start3A_319 : memref<1x1x1x8x128xf32, #tpu.memory_space<vmem>> -> memref<8x128xf32, #tpu.memory_space<vmem>>
    %dma_start3A_321 = arith.constant 8 : i32
    %dma_start3A_322 = tpu.memref_slice %arg2[%dma_start3A_321, %mul3A_300] : memref<64x1000000xf32, #tpu.memory_space<hbm>> -> memref<8x128xf32, #tpu.memory_space<hbm>>
    %dma_start3A_323 = arith.constant 0 : i32
    %dma_start3A_324 = arith.constant 0 : i32
    %dma_start3A_325 = tpu.memref_slice %arg6[%and3A_4, %dma_start3A_315, %dma_start3A_316, %dma_start3A_323, %dma_start3A_324] : memref<2x4x8x8x128xf32, #tpu.memory_space<vmem>> -> memref<1x1x1x8x128xf32, #tpu.memory_space<vmem>>
    %dma_start3A_326 = tpu.memref_squeeze %dma_start3A_325 : memref<1x1x1x8x128xf32, #tpu.memory_space<vmem>> -> memref<8x128xf32, #tpu.memory_space<vmem>>
    %dma_start3A_327 = arith.constant 8 : i32
    %dma_start3A_328 = tpu.memref_slice %arg2[%dma_start3A_327, %mul3A_300] : memref<64x1000000xf32, #tpu.memory_space<hbm>> -> memref<8x128xf32, #tpu.memory_space<hbm>>
    tpu.enqueue_dma source(%dma_start3A_328 : memref<8x128xf32, #tpu.memory_space<hbm>>) target(%dma_start3A_326 : memref<8x128xf32, #tpu.memory_space<vmem>>) target_semaphore(%arg8 : memref<!tpu.dma_semaphore, #tpu.memory_space<semaphore_mem>>)
    %dma_start3A_329 = arith.constant 2 : i32
    %dma_start3A_330 = arith.constant 2 : i32
    %dma_start3A_331 = arith.constant 0 : i32
    %dma_start3A_332 = arith.constant 0 : i32
    %dma_start3A_333 = tpu.memref_slice %arg6[%and3A_4, %dma_start3A_329, %dma_start3A_330, %dma_start3A_331, %dma_start3A_332] : memref<2x4x8x8x128xf32, #tpu.memory_space<vmem>> -> memref<1x1x1x8x128xf32, #tpu.memory_space<vmem>>
    %dma_start3A_334 = tpu.memref_squeeze %dma_start3A_333 : memref<1x1x1x8x128xf32, #tpu.memory_space<vmem>> -> memref<8x128xf32, #tpu.memory_space<vmem>>
    %dma_start3A_335 = arith.constant 16 : i32
    %dma_start3A_336 = tpu.memref_slice %arg2[%dma_start3A_335, %mul3A_300] : memref<64x1000000xf32, #tpu.memory_space<hbm>> -> memref<8x128xf32, #tpu.memory_space<hbm>>
    %dma_start3A_337 = arith.constant 0 : i32
    %dma_start3A_338 = arith.constant 0 : i32
    %dma_start3A_339 = tpu.memref_slice %arg6[%and3A_4, %dma_start3A_329, %dma_start3A_330, %dma_start3A_337, %dma_start3A_338] : memref<2x4x8x8x128xf32, #tpu.memory_space<vmem>> -> memref<1x1x1x8x128xf32, #tpu.memory_space<vmem>>
    %dma_start3A_340 = tpu.memref_squeeze %dma_start3A_339 : memref<1x1x1x8x128xf32, #tpu.memory_space<vmem>> -> memref<8x128xf32, #tpu.memory_space<vmem>>
    %dma_start3A_341 = arith.constant 16 : i32
    %dma_start3A_342 = tpu.memref_slice %arg2[%dma_start3A_341, %mul3A_300] : memref<64x1000000xf32, #tpu.memory_space<hbm>> -> memref<8x128xf32, #tpu.memory_space<hbm>>
    tpu.enqueue_dma source(%dma_start3A_342 : memref<8x128xf32, #tpu.memory_space<hbm>>) target(%dma_start3A_340 : memref<8x128xf32, #tpu.memory_space<vmem>>) target_semaphore(%arg8 : memref<!tpu.dma_semaphore, #tpu.memory_space<semaphore_mem>>)
    %dma_start3A_343 = arith.constant 2 : i32
    %dma_start3A_344 = arith.constant 3 : i32
    %dma_start3A_345 = arith.constant 0 : i32
    %dma_start3A_346 = arith.constant 0 : i32
    %dma_start3A_347 = tpu.memref_slice %arg6[%and3A_4, %dma_start3A_343, %dma_start3A_344, %dma_start3A_345, %dma_start3A_346] : memref<2x4x8x8x128xf32, #tpu.memory_space<vmem>> -> memref<1x1x1x8x128xf32, #tpu.memory_space<vmem>>
    %dma_start3A_348 = tpu.memref_squeeze %dma_start3A_347 : memref<1x1x1x8x128xf32, #tpu.memory_space<vmem>> -> memref<8x128xf32, #tpu.memory_space<vmem>>
    %dma_start3A_349 = arith.constant 24 : i32
    %dma_start3A_350 = tpu.memref_slice %arg2[%dma_start3A_349, %mul3A_300] : memref<64x1000000xf32, #tpu.memory_space<hbm>> -> memref<8x128xf32, #tpu.memory_space<hbm>>
    %dma_start3A_351 = arith.constant 0 : i32
    %dma_start3A_352 = arith.constant 0 : i32
    %dma_start3A_353 = tpu.memref_slice %arg6[%and3A_4, %dma_start3A_343, %dma_start3A_344, %dma_start3A_351, %dma_start3A_352] : memref<2x4x8x8x128xf32, #tpu.memory_space<vmem>> -> memref<1x1x1x8x128xf32, #tpu.memory_space<vmem>>
    %dma_start3A_354 = tpu.memref_squeeze %dma_start3A_353 : memref<1x1x1x8x128xf32, #tpu.memory_space<vmem>> -> memref<8x128xf32, #tpu.memory_space<vmem>>
    %dma_start3A_355 = arith.constant 24 : i32
    %dma_start3A_356 = tpu.memref_slice %arg2[%dma_start3A_355, %mul3A_300] : memref<64x1000000xf32, #tpu.memory_space<hbm>> -> memref<8x128xf32, #tpu.memory_space<hbm>>
    tpu.enqueue_dma source(%dma_start3A_356 : memref<8x128xf32, #tpu.memory_space<hbm>>) target(%dma_start3A_354 : memref<8x128xf32, #tpu.memory_space<vmem>>) target_semaphore(%arg8 : memref<!tpu.dma_semaphore, #tpu.memory_space<semaphore_mem>>)
    %dma_start3A_357 = arith.constant 2 : i32
    %dma_start3A_358 = arith.constant 4 : i32
    %dma_start3A_359 = arith.constant 0 : i32
    %dma_start3A_360 = arith.constant 0 : i32
    %dma_start3A_361 = tpu.memref_slice %arg6[%and3A_4, %dma_start3A_357, %dma_start3A_358, %dma_start3A_359, %dma_start3A_360] : memref<2x4x8x8x128xf32, #tpu.memory_space<vmem>> -> memref<1x1x1x8x128xf32, #tpu.memory_space<vmem>>
    %dma_start3A_362 = tpu.memref_squeeze %dma_start3A_361 : memref<1x1x1x8x128xf32, #tpu.memory_space<vmem>> -> memref<8x128xf32, #tpu.memory_space<vmem>>
    %dma_start3A_363 = arith.constant 32 : i32
    %dma_start3A_364 = tpu.memref_slice %arg2[%dma_start3A_363, %mul3A_300] : memref<64x1000000xf32, #tpu.memory_space<hbm>> -> memref<8x128xf32, #tpu.memory_space<hbm>>
    %dma_start3A_365 = arith.constant 0 : i32
    %dma_start3A_366 = arith.constant 0 : i32
    %dma_start3A_367 = tpu.memref_slice %arg6[%and3A_4, %dma_start3A_357, %dma_start3A_358, %dma_start3A_365, %dma_start3A_366] : memref<2x4x8x8x128xf32, #tpu.memory_space<vmem>> -> memref<1x1x1x8x128xf32, #tpu.memory_space<vmem>>
    %dma_start3A_368 = tpu.memref_squeeze %dma_start3A_367 : memref<1x1x1x8x128xf32, #tpu.memory_space<vmem>> -> memref<8x128xf32, #tpu.memory_space<vmem>>
    %dma_start3A_369 = arith.constant 32 : i32
    %dma_start3A_370 = tpu.memref_slice %arg2[%dma_start3A_369, %mul3A_300] : memref<64x1000000xf32, #tpu.memory_space<hbm>> -> memref<8x128xf32, #tpu.memory_space<hbm>>
    tpu.enqueue_dma source(%dma_start3A_370 : memref<8x128xf32, #tpu.memory_space<hbm>>) target(%dma_start3A_368 : memref<8x128xf32, #tpu.memory_space<vmem>>) target_semaphore(%arg8 : memref<!tpu.dma_semaphore, #tpu.memory_space<semaphore_mem>>)
    %dma_start3A_371 = arith.constant 2 : i32
    %dma_start3A_372 = arith.constant 5 : i32
    %dma_start3A_373 = arith.constant 0 : i32
    %dma_start3A_374 = arith.constant 0 : i32
    %dma_start3A_375 = tpu.memref_slice %arg6[%and3A_4, %dma_start3A_371, %dma_start3A_372, %dma_start3A_373, %dma_start3A_374] : memref<2x4x8x8x128xf32, #tpu.memory_space<vmem>> -> memref<1x1x1x8x128xf32, #tpu.memory_space<vmem>>
    %dma_start3A_376 = tpu.memref_squeeze %dma_start3A_375 : memref<1x1x1x8x128xf32, #tpu.memory_space<vmem>> -> memref<8x128xf32, #tpu.memory_space<vmem>>
    %dma_start3A_377 = arith.constant 40 : i32
    %dma_start3A_378 = tpu.memref_slice %arg2[%dma_start3A_377, %mul3A_300] : memref<64x1000000xf32, #tpu.memory_space<hbm>> -> memref<8x128xf32, #tpu.memory_space<hbm>>
    %dma_start3A_379 = arith.constant 0 : i32
    %dma_start3A_380 = arith.constant 0 : i32
    %dma_start3A_381 = tpu.memref_slice %arg6[%and3A_4, %dma_start3A_371, %dma_start3A_372, %dma_start3A_379, %dma_start3A_380] : memref<2x4x8x8x128xf32, #tpu.memory_space<vmem>> -> memref<1x1x1x8x128xf32, #tpu.memory_space<vmem>>
    %dma_start3A_382 = tpu.memref_squeeze %dma_start3A_381 : memref<1x1x1x8x128xf32, #tpu.memory_space<vmem>> -> memref<8x128xf32, #tpu.memory_space<vmem>>
    %dma_start3A_383 = arith.constant 40 : i32
    %dma_start3A_384 = tpu.memref_slice %arg2[%dma_start3A_383, %mul3A_300] : memref<64x1000000xf32, #tpu.memory_space<hbm>> -> memref<8x128xf32, #tpu.memory_space<hbm>>
    tpu.enqueue_dma source(%dma_start3A_384 : memref<8x128xf32, #tpu.memory_space<hbm>>) target(%dma_start3A_382 : memref<8x128xf32, #tpu.memory_space<vmem>>) target_semaphore(%arg8 : memref<!tpu.dma_semaphore, #tpu.memory_space<semaphore_mem>>)
    %dma_start3A_385 = arith.constant 2 : i32
    %dma_start3A_386 = arith.constant 6 : i32
    %dma_start3A_387 = arith.constant 0 : i32
    %dma_start3A_388 = arith.constant 0 : i32
    %dma_start3A_389 = tpu.memref_slice %arg6[%and3A_4, %dma_start3A_385, %dma_start3A_386, %dma_start3A_387, %dma_start3A_388] : memref<2x4x8x8x128xf32, #tpu.memory_space<vmem>> -> memref<1x1x1x8x128xf32, #tpu.memory_space<vmem>>
    %dma_start3A_390 = tpu.memref_squeeze %dma_start3A_389 : memref<1x1x1x8x128xf32, #tpu.memory_space<vmem>> -> memref<8x128xf32, #tpu.memory_space<vmem>>
    %dma_start3A_391 = arith.constant 48 : i32
    %dma_start3A_392 = tpu.memref_slice %arg2[%dma_start3A_391, %mul3A_300] : memref<64x1000000xf32, #tpu.memory_space<hbm>> -> memref<8x128xf32, #tpu.memory_space<hbm>>
    %dma_start3A_393 = arith.constant 0 : i32
    %dma_start3A_394 = arith.constant 0 : i32
    %dma_start3A_395 = tpu.memref_slice %arg6[%and3A_4, %dma_start3A_385, %dma_start3A_386, %dma_start3A_393, %dma_start3A_394] : memref<2x4x8x8x128xf32, #tpu.memory_space<vmem>> -> memref<1x1x1x8x128xf32, #tpu.memory_space<vmem>>
    %dma_start3A_396 = tpu.memref_squeeze %dma_start3A_395 : memref<1x1x1x8x128xf32, #tpu.memory_space<vmem>> -> memref<8x128xf32, #tpu.memory_space<vmem>>
    %dma_start3A_397 = arith.constant 48 : i32
    %dma_start3A_398 = tpu.memref_slice %arg2[%dma_start3A_397, %mul3A_300] : memref<64x1000000xf32, #tpu.memory_space<hbm>> -> memref<8x128xf32, #tpu.memory_space<hbm>>
    tpu.enqueue_dma source(%dma_start3A_398 : memref<8x128xf32, #tpu.memory_space<hbm>>) target(%dma_start3A_396 : memref<8x128xf32, #tpu.memory_space<vmem>>) target_semaphore(%arg8 : memref<!tpu.dma_semaphore, #tpu.memory_space<semaphore_mem>>)
    %dma_start3A_399 = arith.constant 2 : i32
    %dma_start3A_400 = arith.constant 7 : i32
    %dma_start3A_401 = arith.constant 0 : i32
    %dma_start3A_402 = arith.constant 0 : i32
    %dma_start3A_403 = tpu.memref_slice %arg6[%and3A_4, %dma_start3A_399, %dma_start3A_400, %dma_start3A_401, %dma_start3A_402] : memref<2x4x8x8x128xf32, #tpu.memory_space<vmem>> -> memref<1x1x1x8x128xf32, #tpu.memory_space<vmem>>
    %dma_start3A_404 = tpu.memref_squeeze %dma_start3A_403 : memref<1x1x1x8x128xf32, #tpu.memory_space<vmem>> -> memref<8x128xf32, #tpu.memory_space<vmem>>
    %dma_start3A_405 = arith.constant 56 : i32
    %dma_start3A_406 = tpu.memref_slice %arg2[%dma_start3A_405, %mul3A_300] : memref<64x1000000xf32, #tpu.memory_space<hbm>> -> memref<8x128xf32, #tpu.memory_space<hbm>>
    %dma_start3A_407 = arith.constant 0 : i32
    %dma_start3A_408 = arith.constant 0 : i32
    %dma_start3A_409 = tpu.memref_slice %arg6[%and3A_4, %dma_start3A_399, %dma_start3A_400, %dma_start3A_407, %dma_start3A_408] : memref<2x4x8x8x128xf32, #tpu.memory_space<vmem>> -> memref<1x1x1x8x128xf32, #tpu.memory_space<vmem>>
    %dma_start3A_410 = tpu.memref_squeeze %dma_start3A_409 : memref<1x1x1x8x128xf32, #tpu.memory_space<vmem>> -> memref<8x128xf32, #tpu.memory_space<vmem>>
    %dma_start3A_411 = arith.constant 56 : i32
    %dma_start3A_412 = tpu.memref_slice %arg2[%dma_start3A_411, %mul3A_300] : memref<64x1000000xf32, #tpu.memory_space<hbm>> -> memref<8x128xf32, #tpu.memory_space<hbm>>
    tpu.enqueue_dma source(%dma_start3A_412 : memref<8x128xf32, #tpu.memory_space<hbm>>) target(%dma_start3A_410 : memref<8x128xf32, #tpu.memory_space<vmem>>) target_semaphore(%arg8 : memref<!tpu.dma_semaphore, #tpu.memory_space<semaphore_mem>>)
    %shift_right_logical3A_413 = arith.constant 0 : i32
    %shift_right_logical3A_414 = arith.constant 2 : i32
    %shift_right_logical3A_415 = arith.shrui %shift_right_logical3A_413, %shift_right_logical3A_414 : i32
    %shift_left3A_416 = arith.constant 4 : i32
    %shift_left3A_417 = arith.shli %shift_right_logical3A_415, %shift_left3A_416 : i32
    %get3A_418 = arith.index_cast %shift_left3A_417 : i32 to index
    %get3A_419 = tpu.vector_load %arg5[%get3A_418] {strides = array<i32>} : memref<512xi32, #tpu.memory_space<vmem>>, vector<16xi32>,
    %and3A_420 = arith.constant 0 : i32
    %and3A_421 = arith.constant 3 : i32
    %and3A_422 = arith.andi %and3A_420, %and3A_421 : i32
    %mul3A_423 = arith.constant 4 : i32
    %mul3A_424 = arith.muli %and3A_422, %mul3A_423 : i32
    %add3A_425 = arith.constant 3 : i32
    %add3A_426 = arith.addi %mul3A_424, %add3A_425 : i32
    %eq3A_427 = vector.broadcast %add3A_426 : i32 to vector<16xi32>
    %eq3A_428 = arith.cmpi eq, %iota3A, %eq3A_427 : vector<16xi32>
    %jit3A_429 = arith.constant 0 : i32
    %broadcast_in_dim3A_430 = vector.broadcast %jit3A_429 : i32 to vector<16xi32>
    %select_n3A_431 = arith.select %eq3A_428, %get3A_419, %broadcast_in_dim3A_430 : vector<16xi1>, vector<16xi32>
    %reduce_sum3A_432 = arith.constant true
    %reduce_sum3A_433 = vector.broadcast %reduce_sum3A_432 : i1 to vector<16xi1>
    %reduce_sum3A_434 = tpu.scan <sum>, %select_n3A_431 masked %reduce_sum3A_433 : vector<16xi32>, vector<16xi1> -> vector<16xi32>
    %reduce_sum3A_435 = vector.extract %reduce_sum3A_434[15] : i32 from vector<16xi32>
    %shift_right_logical3A_436 = arith.constant 7 : i32
    %shift_right_logical3A_437 = arith.shrui %reduce_sum3A_435, %shift_right_logical3A_436 : i32
    %mul3A_438 = arith.constant 128 : i32
    %mul3A_439 = arith.muli %shift_right_logical3A_437, %mul3A_438 : i32
    %dma_start3A_440 = arith.constant 3 : i32
    %dma_start3A_441 = arith.constant 0 : i32
    %dma_start3A_442 = arith.constant 0 : i32
    %dma_start3A_443 = arith.constant 0 : i32
    %dma_start3A_444 = tpu.memref_slice %arg6[%and3A_4, %dma_start3A_440, %dma_start3A_441, %dma_start3A_442, %dma_start3A_443] : memref<2x4x8x8x128xf32, #tpu.memory_space<vmem>> -> memref<1x1x1x8x128xf32, #tpu.memory_space<vmem>>
    %dma_start3A_445 = tpu.memref_squeeze %dma_start3A_444 : memref<1x1x1x8x128xf32, #tpu.memory_space<vmem>> -> memref<8x128xf32, #tpu.memory_space<vmem>>
    %dma_start3A_446 = arith.constant 0 : i32
    %dma_start3A_447 = tpu.memref_slice %arg2[%dma_start3A_446, %mul3A_439] : memref<64x1000000xf32, #tpu.memory_space<hbm>> -> memref<8x128xf32, #tpu.memory_space<hbm>>
    %dma_start3A_448 = arith.constant 0 : i32
    %dma_start3A_449 = arith.constant 0 : i32
    %dma_start3A_450 = tpu.memref_slice %arg6[%and3A_4, %dma_start3A_440, %dma_start3A_441, %dma_start3A_448, %dma_start3A_449] : memref<2x4x8x8x128xf32, #tpu.memory_space<vmem>> -> memref<1x1x1x8x128xf32, #tpu.memory_space<vmem>>
    %dma_start3A_451 = tpu.memref_squeeze %dma_start3A_450 : memref<1x1x1x8x128xf32, #tpu.memory_space<vmem>> -> memref<8x128xf32, #tpu.memory_space<vmem>>
    %dma_start3A_452 = arith.constant 0 : i32
    %dma_start3A_453 = tpu.memref_slice %arg2[%dma_start3A_452, %mul3A_439] : memref<64x1000000xf32, #tpu.memory_space<hbm>> -> memref<8x128xf32, #tpu.memory_space<hbm>>
    tpu.enqueue_dma source(%dma_start3A_453 : memref<8x128xf32, #tpu.memory_space<hbm>>) target(%dma_start3A_451 : memref<8x128xf32, #tpu.memory_space<vmem>>) target_semaphore(%arg8 : memref<!tpu.dma_semaphore, #tpu.memory_space<semaphore_mem>>)
    %dma_start3A_454 = arith.constant 3 : i32
    %dma_start3A_455 = arith.constant 1 : i32
    %dma_start3A_456 = arith.constant 0 : i32
    %dma_start3A_457 = arith.constant 0 : i32
    %dma_start3A_458 = tpu.memref_slice %arg6[%and3A_4, %dma_start3A_454, %dma_start3A_455, %dma_start3A_456, %dma_start3A_457] : memref<2x4x8x8x128xf32, #tpu.memory_space<vmem>> -> memref<1x1x1x8x128xf32, #tpu.memory_space<vmem>>
    %dma_start3A_459 = tpu.memref_squeeze %dma_start3A_458 : memref<1x1x1x8x128xf32, #tpu.memory_space<vmem>> -> memref<8x128xf32, #tpu.memory_space<vmem>>
    %dma_start3A_460 = arith.constant 8 : i32
    %dma_start3A_461 = tpu.memref_slice %arg2[%dma_start3A_460, %mul3A_439] : memref<64x1000000xf32, #tpu.memory_space<hbm>> -> memref<8x128xf32, #tpu.memory_space<hbm>>
    %dma_start3A_462 = arith.constant 0 : i32
    %dma_start3A_463 = arith.constant 0 : i32
    %dma_start3A_464 = tpu.memref_slice %arg6[%and3A_4, %dma_start3A_454, %dma_start3A_455, %dma_start3A_462, %dma_start3A_463] : memref<2x4x8x8x128xf32, #tpu.memory_space<vmem>> -> memref<1x1x1x8x128xf32, #tpu.memory_space<vmem>>
    %dma_start3A_465 = tpu.memref_squeeze %dma_start3A_464 : memref<1x1x1x8x128xf32, #tpu.memory_space<vmem>> -> memref<8x128xf32, #tpu.memory_space<vmem>>
    %dma_start3A_466 = arith.constant 8 : i32
    %dma_start3A_467 = tpu.memref_slice %arg2[%dma_start3A_466, %mul3A_439] : memref<64x1000000xf32, #tpu.memory_space<hbm>> -> memref<8x128xf32, #tpu.memory_space<hbm>>
    tpu.enqueue_dma source(%dma_start3A_467 : memref<8x128xf32, #tpu.memory_space<hbm>>) target(%dma_start3A_465 : memref<8x128xf32, #tpu.memory_space<vmem>>) target_semaphore(%arg8 : memref<!tpu.dma_semaphore, #tpu.memory_space<semaphore_mem>>)
    %dma_start3A_468 = arith.constant 3 : i32
    %dma_start3A_469 = arith.constant 2 : i32
    %dma_start3A_470 = arith.constant 0 : i32
    %dma_start3A_471 = arith.constant 0 : i32
    %dma_start3A_472 = tpu.memref_slice %arg6[%and3A_4, %dma_start3A_468, %dma_start3A_469, %dma_start3A_470, %dma_start3A_471] : memref<2x4x8x8x128xf32, #tpu.memory_space<vmem>> -> memref<1x1x1x8x128xf32, #tpu.memory_space<vmem>>
    %dma_start3A_473 = tpu.memref_squeeze %dma_start3A_472 : memref<1x1x1x8x128xf32, #tpu.memory_space<vmem>> -> memref<8x128xf32, #tpu.memory_space<vmem>>
    %dma_start3A_474 = arith.constant 16 : i32
    %dma_start3A_475 = tpu.memref_slice %arg2[%dma_start3A_474, %mul3A_439] : memref<64x1000000xf32, #tpu.memory_space<hbm>> -> memref<8x128xf32, #tpu.memory_space<hbm>>
    %dma_start3A_476 = arith.constant 0 : i32
    %dma_start3A_477 = arith.constant 0 : i32
    %dma_start3A_478 = tpu.memref_slice %arg6[%and3A_4, %dma_start3A_468, %dma_start3A_469, %dma_start3A_476, %dma_start3A_477] : memref<2x4x8x8x128xf32, #tpu.memory_space<vmem>> -> memref<1x1x1x8x128xf32, #tpu.memory_space<vmem>>
    %dma_start3A_479 = tpu.memref_squeeze %dma_start3A_478 : memref<1x1x1x8x128xf32, #tpu.memory_space<vmem>> -> memref<8x128xf32, #tpu.memory_space<vmem>>
    %dma_start3A_480 = arith.constant 16 : i32
    %dma_start3A_481 = tpu.memref_slice %arg2[%dma_start3A_480, %mul3A_439] : memref<64x1000000xf32, #tpu.memory_space<hbm>> -> memref<8x128xf32, #tpu.memory_space<hbm>>
    tpu.enqueue_dma source(%dma_start3A_481 : memref<8x128xf32, #tpu.memory_space<hbm>>) target(%dma_start3A_479 : memref<8x128xf32, #tpu.memory_space<vmem>>) target_semaphore(%arg8 : memref<!tpu.dma_semaphore, #tpu.memory_space<semaphore_mem>>)
    %dma_start3A_482 = arith.constant 3 : i32
    %dma_start3A_483 = arith.constant 3 : i32
    %dma_start3A_484 = arith.constant 0 : i32
    %dma_start3A_485 = arith.constant 0 : i32
    %dma_start3A_486 = tpu.memref_slice %arg6[%and3A_4, %dma_start3A_482, %dma_start3A_483, %dma_start3A_484, %dma_start3A_485] : memref<2x4x8x8x128xf32, #tpu.memory_space<vmem>> -> memref<1x1x1x8x128xf32, #tpu.memory_space<vmem>>
    %dma_start3A_487 = tpu.memref_squeeze %dma_start3A_486 : memref<1x1x1x8x128xf32, #tpu.memory_space<vmem>> -> memref<8x128xf32, #tpu.memory_space<vmem>>
    %dma_start3A_488 = arith.constant 24 : i32
    %dma_start3A_489 = tpu.memref_slice %arg2[%dma_start3A_488, %mul3A_439] : memref<64x1000000xf32, #tpu.memory_space<hbm>> -> memref<8x128xf32, #tpu.memory_space<hbm>>
    %dma_start3A_490 = arith.constant 0 : i32
    %dma_start3A_491 = arith.constant 0 : i32
    %dma_start3A_492 = tpu.memref_slice %arg6[%and3A_4, %dma_start3A_482, %dma_start3A_483, %dma_start3A_490, %dma_start3A_491] : memref<2x4x8x8x128xf32, #tpu.memory_space<vmem>> -> memref<1x1x1x8x128xf32, #tpu.memory_space<vmem>>
    %dma_start3A_493 = tpu.memref_squeeze %dma_start3A_492 : memref<1x1x1x8x128xf32, #tpu.memory_space<vmem>> -> memref<8x128xf32, #tpu.memory_space<vmem>>
    %dma_start3A_494 = arith.constant 24 : i32
    %dma_start3A_495 = tpu.memref_slice %arg2[%dma_start3A_494, %mul3A_439] : memref<64x1000000xf32, #tpu.memory_space<hbm>> -> memref<8x128xf32, #tpu.memory_space<hbm>>
    tpu.enqueue_dma source(%dma_start3A_495 : memref<8x128xf32, #tpu.memory_space<hbm>>) target(%dma_start3A_493 : memref<8x128xf32, #tpu.memory_space<vmem>>) target_semaphore(%arg8 : memref<!tpu.dma_semaphore, #tpu.memory_space<semaphore_mem>>)
    %dma_start3A_496 = arith.constant 3 : i32
    %dma_start3A_497 = arith.constant 4 : i32
    %dma_start3A_498 = arith.constant 0 : i32
    %dma_start3A_499 = arith.constant 0 : i32
    %dma_start3A_500 = tpu.memref_slice %arg6[%and3A_4, %dma_start3A_496, %dma_start3A_497, %dma_start3A_498, %dma_start3A_499] : memref<2x4x8x8x128xf32, #tpu.memory_space<vmem>> -> memref<1x1x1x8x128xf32, #tpu.memory_space<vmem>>
    %dma_start3A_501 = tpu.memref_squeeze %dma_start3A_500 : memref<1x1x1x8x128xf32, #tpu.memory_space<vmem>> -> memref<8x128xf32, #tpu.memory_space<vmem>>
    %dma_start3A_502 = arith.constant 32 : i32
    %dma_start3A_503 = tpu.memref_slice %arg2[%dma_start3A_502, %mul3A_439] : memref<64x1000000xf32, #tpu.memory_space<hbm>> -> memref<8x128xf32, #tpu.memory_space<hbm>>
    %dma_start3A_504 = arith.constant 0 : i32
    %dma_start3A_505 = arith.constant 0 : i32
    %dma_start3A_506 = tpu.memref_slice %arg6[%and3A_4, %dma_start3A_496, %dma_start3A_497, %dma_start3A_504, %dma_start3A_505] : memref<2x4x8x8x128xf32, #tpu.memory_space<vmem>> -> memref<1x1x1x8x128xf32, #tpu.memory_space<vmem>>
    %dma_start3A_507 = tpu.memref_squeeze %dma_start3A_506 : memref<1x1x1x8x128xf32, #tpu.memory_space<vmem>> -> memref<8x128xf32, #tpu.memory_space<vmem>>
    %dma_start3A_508 = arith.constant 32 : i32
    %dma_start3A_509 = tpu.memref_slice %arg2[%dma_start3A_508, %mul3A_439] : memref<64x1000000xf32, #tpu.memory_space<hbm>> -> memref<8x128xf32, #tpu.memory_space<hbm>>
    tpu.enqueue_dma source(%dma_start3A_509 : memref<8x128xf32, #tpu.memory_space<hbm>>) target(%dma_start3A_507 : memref<8x128xf32, #tpu.memory_space<vmem>>) target_semaphore(%arg8 : memref<!tpu.dma_semaphore, #tpu.memory_space<semaphore_mem>>)
    %dma_start3A_510 = arith.constant 3 : i32
    %dma_start3A_511 = arith.constant 5 : i32
    %dma_start3A_512 = arith.constant 0 : i32
    %dma_start3A_513 = arith.constant 0 : i32
    %dma_start3A_514 = tpu.memref_slice %arg6[%and3A_4, %dma_start3A_510, %dma_start3A_511, %dma_start3A_512, %dma_start3A_513] : memref<2x4x8x8x128xf32, #tpu.memory_space<vmem>> -> memref<1x1x1x8x128xf32, #tpu.memory_space<vmem>>
    %dma_start3A_515 = tpu.memref_squeeze %dma_start3A_514 : memref<1x1x1x8x128xf32, #tpu.memory_space<vmem>> -> memref<8x128xf32, #tpu.memory_space<vmem>>
    %dma_start3A_516 = arith.constant 40 : i32
    %dma_start3A_517 = tpu.memref_slice %arg2[%dma_start3A_516, %mul3A_439] : memref<64x1000000xf32, #tpu.memory_space<hbm>> -> memref<8x128xf32, #tpu.memory_space<hbm>>
    %dma_start3A_518 = arith.constant 0 : i32
    %dma_start3A_519 = arith.constant 0 : i32
    %dma_start3A_520 = tpu.memref_slice %arg6[%and3A_4, %dma_start3A_510, %dma_start3A_511, %dma_start3A_518, %dma_start3A_519] : memref<2x4x8x8x128xf32, #tpu.memory_space<vmem>> -> memref<1x1x1x8x128xf32, #tpu.memory_space<vmem>>
    %dma_start3A_521 = tpu.memref_squeeze %dma_start3A_520 : memref<1x1x1x8x128xf32, #tpu.memory_space<vmem>> -> memref<8x128xf32, #tpu.memory_space<vmem>>
    %dma_start3A_522 = arith.constant 40 : i32
    %dma_start3A_523 = tpu.memref_slice %arg2[%dma_start3A_522, %mul3A_439] : memref<64x1000000xf32, #tpu.memory_space<hbm>> -> memref<8x128xf32, #tpu.memory_space<hbm>>
    tpu.enqueue_dma source(%dma_start3A_523 : memref<8x128xf32, #tpu.memory_space<hbm>>) target(%dma_start3A_521 : memref<8x128xf32, #tpu.memory_space<vmem>>) target_semaphore(%arg8 : memref<!tpu.dma_semaphore, #tpu.memory_space<semaphore_mem>>)
    %dma_start3A_524 = arith.constant 3 : i32
    %dma_start3A_525 = arith.constant 6 : i32
    %dma_start3A_526 = arith.constant 0 : i32
    %dma_start3A_527 = arith.constant 0 : i32
    %dma_start3A_528 = tpu.memref_slice %arg6[%and3A_4, %dma_start3A_524, %dma_start3A_525, %dma_start3A_526, %dma_start3A_527] : memref<2x4x8x8x128xf32, #tpu.memory_space<vmem>> -> memref<1x1x1x8x128xf32, #tpu.memory_space<vmem>>
    %dma_start3A_529 = tpu.memref_squeeze %dma_start3A_528 : memref<1x1x1x8x128xf32, #tpu.memory_space<vmem>> -> memref<8x128xf32, #tpu.memory_space<vmem>>
    %dma_start3A_530 = arith.constant 48 : i32
    %dma_start3A_531 = tpu.memref_slice %arg2[%dma_start3A_530, %mul3A_439] : memref<64x1000000xf32, #tpu.memory_space<hbm>> -> memref<8x128xf32, #tpu.memory_space<hbm>>
    %dma_start3A_532 = arith.constant 0 : i32
    %dma_start3A_533 = arith.constant 0 : i32
    %dma_start3A_534 = tpu.memref_slice %arg6[%and3A_4, %dma_start3A_524, %dma_start3A_525, %dma_start3A_532, %dma_start3A_533] : memref<2x4x8x8x128xf32, #tpu.memory_space<vmem>> -> memref<1x1x1x8x128xf32, #tpu.memory_space<vmem>>
    %dma_start3A_535 = tpu.memref_squeeze %dma_start3A_534 : memref<1x1x1x8x128xf32, #tpu.memory_space<vmem>> -> memref<8x128xf32, #tpu.memory_space<vmem>>
    %dma_start3A_536 = arith.constant 48 : i32
    %dma_start3A_537 = tpu.memref_slice %arg2[%dma_start3A_536, %mul3A_439] : memref<64x1000000xf32, #tpu.memory_space<hbm>> -> memref<8x128xf32, #tpu.memory_space<hbm>>
    tpu.enqueue_dma source(%dma_start3A_537 : memref<8x128xf32, #tpu.memory_space<hbm>>) target(%dma_start3A_535 : memref<8x128xf32, #tpu.memory_space<vmem>>) target_semaphore(%arg8 : memref<!tpu.dma_semaphore, #tpu.memory_space<semaphore_mem>>)
    %dma_start3A_538 = arith.constant 3 : i32
    %dma_start3A_539 = arith.constant 7 : i32
    %dma_start3A_540 = arith.constant 0 : i32
    %dma_start3A_541 = arith.constant 0 : i32
    %dma_start3A_542 = tpu.memref_slice %arg6[%and3A_4, %dma_start3A_538, %dma_start3A_539, %dma_start3A_540, %dma_start3A_541] : memref<2x4x8x8x128xf32, #tpu.memory_space<vmem>> -> memref<1x1x1x8x128xf32, #tpu.memory_space<vmem>>
    %dma_start3A_543 = tpu.memref_squeeze %dma_start3A_542 : memref<1x1x1x8x128xf32, #tpu.memory_space<vmem>> -> memref<8x128xf32, #tpu.memory_space<vmem>>
    %dma_start3A_544 = arith.constant 56 : i32
    %dma_start3A_545 = tpu.memref_slice %arg2[%dma_start3A_544, %mul3A_439] : memref<64x1000000xf32, #tpu.memory_space<hbm>> -> memref<8x128xf32, #tpu.memory_space<hbm>>
    %dma_start3A_546 = arith.constant 0 : i32
    %dma_start3A_547 = arith.constant 0 : i32
    %dma_start3A_548 = tpu.memref_slice %arg6[%and3A_4, %dma_start3A_538, %dma_start3A_539, %dma_start3A_546, %dma_start3A_547] : memref<2x4x8x8x128xf32, #tpu.memory_space<vmem>> -> memref<1x1x1x8x128xf32, #tpu.memory_space<vmem>>
    %dma_start3A_549 = tpu.memref_squeeze %dma_start3A_548 : memref<1x1x1x8x128xf32, #tpu.memory_space<vmem>> -> memref<8x128xf32, #tpu.memory_space<vmem>>
    %dma_start3A_550 = arith.constant 56 : i32
    %dma_start3A_551 = tpu.memref_slice %arg2[%dma_start3A_550, %mul3A_439] : memref<64x1000000xf32, #tpu.memory_space<hbm>> -> memref<8x128xf32, #tpu.memory_space<hbm>>
    tpu.enqueue_dma source(%dma_start3A_551 : memref<8x128xf32, #tpu.memory_space<hbm>>) target(%dma_start3A_549 : memref<8x128xf32, #tpu.memory_space<vmem>>) target_semaphore(%arg8 : memref<!tpu.dma_semaphore, #tpu.memory_space<semaphore_mem>>)
    %scan3A = arith.constant 0 : i32
    %scan3A_552 = arith.constant 0 : i32
    %scan3A_553 = arith.constant 128 : i32
    %scan3A_554 = arith.addi %scan3A_552, %scan3A_553 : i32
    %scan3A_555 = arith.constant 1 : i32
    scf.for %scan3A_557 = %scan3A_552 to %scan3A_554 step %scan3A_555  : i32 {
      %add3A_558 = arith.constant 1 : i32
      %add3A_559 = arith.addi %scan3A_557, %add3A_558 : i32
      %lt3A = arith.constant 128 : i32
      %lt3A_560 = arith.cmpi slt, %add3A_559, %lt3A : i32
      %convert_element_type3A = arith.extui %lt3A_560 : i1 to i32
      %cond3A = arith.constant 0 : i32
      %cond3A_561 = arith.cmpi ne, %convert_element_type3A, %cond3A : i32
      scf.if %cond3A_561 {
        %add3A_1408 = arith.constant 1 : i32
        %add3A_1409 = arith.addi %scan3A_557, %add3A_1408 : i32
        %and3A_1410 = arith.constant 1 : i32
        %and3A_1411 = arith.andi %add3A_1409, %and3A_1410 : i32
        %shift_right_logical3A_1412 = arith.constant 2 : i32
        %shift_right_logical3A_1413 = arith.shrui %add3A_1409, %shift_right_logical3A_1412 : i32
        %shift_left3A_1414 = arith.constant 4 : i32
        %shift_left3A_1415 = arith.shli %shift_right_logical3A_1413, %shift_left3A_1414 : i32
        %get3A_1416 = arith.index_cast %shift_left3A_1415 : i32 to index
        %get3A_1417 = tpu.vector_load %arg5[%get3A_1416] {strides = array<i32>} : memref<512xi32, #tpu.memory_space<vmem>>, vector<16xi32>,
        %and3A_1418 = arith.constant 3 : i32
        %and3A_1419 = arith.andi %add3A_1409, %and3A_1418 : i32
        %mul3A_1420 = arith.constant 4 : i32
        %mul3A_1421 = arith.muli %and3A_1419, %mul3A_1420 : i32
        %add3A_1422 = arith.constant 0 : i32
        %add3A_1423 = arith.addi %mul3A_1421, %add3A_1422 : i32
        %eq3A_1424 = vector.broadcast %add3A_1423 : i32 to vector<16xi32>
        %eq3A_1425 = arith.cmpi eq, %iota3A, %eq3A_1424 : vector<16xi32>
        %jit3A_1426 = arith.constant 0 : i32
        %broadcast_in_dim3A_1427 = vector.broadcast %jit3A_1426 : i32 to vector<16xi32>
        %select_n3A_1428 = arith.select %eq3A_1425, %get3A_1417, %broadcast_in_dim3A_1427 : vector<16xi1>, vector<16xi32>
        %reduce_sum3A_1429 = arith.constant true
        %reduce_sum3A_1430 = vector.broadcast %reduce_sum3A_1429 : i1 to vector<16xi1>
        %reduce_sum3A_1431 = tpu.scan <sum>, %select_n3A_1428 masked %reduce_sum3A_1430 : vector<16xi32>, vector<16xi1> -> vector<16xi32>
        %reduce_sum3A_1432 = vector.extract %reduce_sum3A_1431[15] : i32 from vector<16xi32>
        %shift_right_logical3A_1433 = arith.constant 7 : i32
        %shift_right_logical3A_1434 = arith.shrui %reduce_sum3A_1432, %shift_right_logical3A_1433 : i32
        %mul3A_1435 = arith.constant 128 : i32
        %mul3A_1436 = arith.muli %shift_right_logical3A_1434, %mul3A_1435 : i32
        %dma_start3A_1437 = arith.constant 0 : i32
        %dma_start3A_1438 = arith.constant 0 : i32
        %dma_start3A_1439 = arith.constant 0 : i32
        %dma_start3A_1440 = arith.constant 0 : i32
        %dma_start3A_1441 = tpu.memref_slice %arg6[%and3A_1411, %dma_start3A_1437, %dma_start3A_1438, %dma_start3A_1439, %dma_start3A_1440] : memref<2x4x8x8x128xf32, #tpu.memory_space<vmem>> -> memref<1x1x1x8x128xf32, #tpu.memory_space<vmem>>
        %dma_start3A_1442 = tpu.memref_squeeze %dma_start3A_1441 : memref<1x1x1x8x128xf32, #tpu.memory_space<vmem>> -> memref<8x128xf32, #tpu.memory_space<vmem>>
        %dma_start3A_1443 = arith.constant 0 : i32
        %dma_start3A_1444 = tpu.memref_slice %arg2[%dma_start3A_1443, %mul3A_1436] : memref<64x1000000xf32, #tpu.memory_space<hbm>> -> memref<8x128xf32, #tpu.memory_space<hbm>>
        %dma_start3A_1445 = arith.constant 0 : i32
        %dma_start3A_1446 = arith.constant 0 : i32
        %dma_start3A_1447 = tpu.memref_slice %arg6[%and3A_1411, %dma_start3A_1437, %dma_start3A_1438, %dma_start3A_1445, %dma_start3A_1446] : memref<2x4x8x8x128xf32, #tpu.memory_space<vmem>> -> memref<1x1x1x8x128xf32, #tpu.memory_space<vmem>>
        %dma_start3A_1448 = tpu.memref_squeeze %dma_start3A_1447 : memref<1x1x1x8x128xf32, #tpu.memory_space<vmem>> -> memref<8x128xf32, #tpu.memory_space<vmem>>
        %dma_start3A_1449 = arith.constant 0 : i32
        %dma_start3A_1450 = tpu.memref_slice %arg2[%dma_start3A_1449, %mul3A_1436] : memref<64x1000000xf32, #tpu.memory_space<hbm>> -> memref<8x128xf32, #tpu.memory_space<hbm>>
        tpu.enqueue_dma source(%dma_start3A_1450 : memref<8x128xf32, #tpu.memory_space<hbm>>) target(%dma_start3A_1448 : memref<8x128xf32, #tpu.memory_space<vmem>>) target_semaphore(%arg8 : memref<!tpu.dma_semaphore, #tpu.memory_space<semaphore_mem>>)
        %dma_start3A_1451 = arith.constant 0 : i32
        %dma_start3A_1452 = arith.constant 1 : i32
        %dma_start3A_1453 = arith.constant 0 : i32
        %dma_start3A_1454 = arith.constant 0 : i32
        %dma_start3A_1455 = tpu.memref_slice %arg6[%and3A_1411, %dma_start3A_1451, %dma_start3A_1452, %dma_start3A_1453, %dma_start3A_1454] : memref<2x4x8x8x128xf32, #tpu.memory_space<vmem>> -> memref<1x1x1x8x128xf32, #tpu.memory_space<vmem>>
        %dma_start3A_1456 = tpu.memref_squeeze %dma_start3A_1455 : memref<1x1x1x8x128xf32, #tpu.memory_space<vmem>> -> memref<8x128xf32, #tpu.memory_space<vmem>>
        %dma_start3A_1457 = arith.constant 8 : i32
        %dma_start3A_1458 = tpu.memref_slice %arg2[%dma_start3A_1457, %mul3A_1436] : memref<64x1000000xf32, #tpu.memory_space<hbm>> -> memref<8x128xf32, #tpu.memory_space<hbm>>
        %dma_start3A_1459 = arith.constant 0 : i32
        %dma_start3A_1460 = arith.constant 0 : i32
        %dma_start3A_1461 = tpu.memref_slice %arg6[%and3A_1411, %dma_start3A_1451, %dma_start3A_1452, %dma_start3A_1459, %dma_start3A_1460] : memref<2x4x8x8x128xf32, #tpu.memory_space<vmem>> -> memref<1x1x1x8x128xf32, #tpu.memory_space<vmem>>
        %dma_start3A_1462 = tpu.memref_squeeze %dma_start3A_1461 : memref<1x1x1x8x128xf32, #tpu.memory_space<vmem>> -> memref<8x128xf32, #tpu.memory_space<vmem>>
        %dma_start3A_1463 = arith.constant 8 : i32
        %dma_start3A_1464 = tpu.memref_slice %arg2[%dma_start3A_1463, %mul3A_1436] : memref<64x1000000xf32, #tpu.memory_space<hbm>> -> memref<8x128xf32, #tpu.memory_space<hbm>>
        tpu.enqueue_dma source(%dma_start3A_1464 : memref<8x128xf32, #tpu.memory_space<hbm>>) target(%dma_start3A_1462 : memref<8x128xf32, #tpu.memory_space<vmem>>) target_semaphore(%arg8 : memref<!tpu.dma_semaphore, #tpu.memory_space<semaphore_mem>>)
        %dma_start3A_1465 = arith.constant 0 : i32
        %dma_start3A_1466 = arith.constant 2 : i32
        %dma_start3A_1467 = arith.constant 0 : i32
        %dma_start3A_1468 = arith.constant 0 : i32
        %dma_start3A_1469 = tpu.memref_slice %arg6[%and3A_1411, %dma_start3A_1465, %dma_start3A_1466, %dma_start3A_1467, %dma_start3A_1468] : memref<2x4x8x8x128xf32, #tpu.memory_space<vmem>> -> memref<1x1x1x8x128xf32, #tpu.memory_space<vmem>>
        %dma_start3A_1470 = tpu.memref_squeeze %dma_start3A_1469 : memref<1x1x1x8x128xf32, #tpu.memory_space<vmem>> -> memref<8x128xf32, #tpu.memory_space<vmem>>
        %dma_start3A_1471 = arith.constant 16 : i32
        %dma_start3A_1472 = tpu.memref_slice %arg2[%dma_start3A_1471, %mul3A_1436] : memref<64x1000000xf32, #tpu.memory_space<hbm>> -> memref<8x128xf32, #tpu.memory_space<hbm>>
        %dma_start3A_1473 = arith.constant 0 : i32
        %dma_start3A_1474 = arith.constant 0 : i32
        %dma_start3A_1475 = tpu.memref_slice %arg6[%and3A_1411, %dma_start3A_1465, %dma_start3A_1466, %dma_start3A_1473, %dma_start3A_1474] : memref<2x4x8x8x128xf32, #tpu.memory_space<vmem>> -> memref<1x1x1x8x128xf32, #tpu.memory_space<vmem>>
        %dma_start3A_1476 = tpu.memref_squeeze %dma_start3A_1475 : memref<1x1x1x8x128xf32, #tpu.memory_space<vmem>> -> memref<8x128xf32, #tpu.memory_space<vmem>>
        %dma_start3A_1477 = arith.constant 16 : i32
        %dma_start3A_1478 = tpu.memref_slice %arg2[%dma_start3A_1477, %mul3A_1436] : memref<64x1000000xf32, #tpu.memory_space<hbm>> -> memref<8x128xf32, #tpu.memory_space<hbm>>
        tpu.enqueue_dma source(%dma_start3A_1478 : memref<8x128xf32, #tpu.memory_space<hbm>>) target(%dma_start3A_1476 : memref<8x128xf32, #tpu.memory_space<vmem>>) target_semaphore(%arg8 : memref<!tpu.dma_semaphore, #tpu.memory_space<semaphore_mem>>)
        %dma_start3A_1479 = arith.constant 0 : i32
        %dma_start3A_1480 = arith.constant 3 : i32
        %dma_start3A_1481 = arith.constant 0 : i32
        %dma_start3A_1482 = arith.constant 0 : i32
        %dma_start3A_1483 = tpu.memref_slice %arg6[%and3A_1411, %dma_start3A_1479, %dma_start3A_1480, %dma_start3A_1481, %dma_start3A_1482] : memref<2x4x8x8x128xf32, #tpu.memory_space<vmem>> -> memref<1x1x1x8x128xf32, #tpu.memory_space<vmem>>
        %dma_start3A_1484 = tpu.memref_squeeze %dma_start3A_1483 : memref<1x1x1x8x128xf32, #tpu.memory_space<vmem>> -> memref<8x128xf32, #tpu.memory_space<vmem>>
        %dma_start3A_1485 = arith.constant 24 : i32
        %dma_start3A_1486 = tpu.memref_slice %arg2[%dma_start3A_1485, %mul3A_1436] : memref<64x1000000xf32, #tpu.memory_space<hbm>> -> memref<8x128xf32, #tpu.memory_space<hbm>>
        %dma_start3A_1487 = arith.constant 0 : i32
        %dma_start3A_1488 = arith.constant 0 : i32
        %dma_start3A_1489 = tpu.memref_slice %arg6[%and3A_1411, %dma_start3A_1479, %dma_start3A_1480, %dma_start3A_1487, %dma_start3A_1488] : memref<2x4x8x8x128xf32, #tpu.memory_space<vmem>> -> memref<1x1x1x8x128xf32, #tpu.memory_space<vmem>>
        %dma_start3A_1490 = tpu.memref_squeeze %dma_start3A_1489 : memref<1x1x1x8x128xf32, #tpu.memory_space<vmem>> -> memref<8x128xf32, #tpu.memory_space<vmem>>
        %dma_start3A_1491 = arith.constant 24 : i32
        %dma_start3A_1492 = tpu.memref_slice %arg2[%dma_start3A_1491, %mul3A_1436] : memref<64x1000000xf32, #tpu.memory_space<hbm>> -> memref<8x128xf32, #tpu.memory_space<hbm>>
        tpu.enqueue_dma source(%dma_start3A_1492 : memref<8x128xf32, #tpu.memory_space<hbm>>) target(%dma_start3A_1490 : memref<8x128xf32, #tpu.memory_space<vmem>>) target_semaphore(%arg8 : memref<!tpu.dma_semaphore, #tpu.memory_space<semaphore_mem>>)
        %dma_start3A_1493 = arith.constant 0 : i32
        %dma_start3A_1494 = arith.constant 4 : i32
        %dma_start3A_1495 = arith.constant 0 : i32
        %dma_start3A_1496 = arith.constant 0 : i32
        %dma_start3A_1497 = tpu.memref_slice %arg6[%and3A_1411, %dma_start3A_1493, %dma_start3A_1494, %dma_start3A_1495, %dma_start3A_1496] : memref<2x4x8x8x128xf32, #tpu.memory_space<vmem>> -> memref<1x1x1x8x128xf32, #tpu.memory_space<vmem>>
        %dma_start3A_1498 = tpu.memref_squeeze %dma_start3A_1497 : memref<1x1x1x8x128xf32, #tpu.memory_space<vmem>> -> memref<8x128xf32, #tpu.memory_space<vmem>>
        %dma_start3A_1499 = arith.constant 32 : i32
        %dma_start3A_1500 = tpu.memref_slice %arg2[%dma_start3A_1499, %mul3A_1436] : memref<64x1000000xf32, #tpu.memory_space<hbm>> -> memref<8x128xf32, #tpu.memory_space<hbm>>
        %dma_start3A_1501 = arith.constant 0 : i32
        %dma_start3A_1502 = arith.constant 0 : i32
        %dma_start3A_1503 = tpu.memref_slice %arg6[%and3A_1411, %dma_start3A_1493, %dma_start3A_1494, %dma_start3A_1501, %dma_start3A_1502] : memref<2x4x8x8x128xf32, #tpu.memory_space<vmem>> -> memref<1x1x1x8x128xf32, #tpu.memory_space<vmem>>
        %dma_start3A_1504 = tpu.memref_squeeze %dma_start3A_1503 : memref<1x1x1x8x128xf32, #tpu.memory_space<vmem>> -> memref<8x128xf32, #tpu.memory_space<vmem>>
        %dma_start3A_1505 = arith.constant 32 : i32
        %dma_start3A_1506 = tpu.memref_slice %arg2[%dma_start3A_1505, %mul3A_1436] : memref<64x1000000xf32, #tpu.memory_space<hbm>> -> memref<8x128xf32, #tpu.memory_space<hbm>>
        tpu.enqueue_dma source(%dma_start3A_1506 : memref<8x128xf32, #tpu.memory_space<hbm>>) target(%dma_start3A_1504 : memref<8x128xf32, #tpu.memory_space<vmem>>) target_semaphore(%arg8 : memref<!tpu.dma_semaphore, #tpu.memory_space<semaphore_mem>>)
        %dma_start3A_1507 = arith.constant 0 : i32
        %dma_start3A_1508 = arith.constant 5 : i32
        %dma_start3A_1509 = arith.constant 0 : i32
        %dma_start3A_1510 = arith.constant 0 : i32
        %dma_start3A_1511 = tpu.memref_slice %arg6[%and3A_1411, %dma_start3A_1507, %dma_start3A_1508, %dma_start3A_1509, %dma_start3A_1510] : memref<2x4x8x8x128xf32, #tpu.memory_space<vmem>> -> memref<1x1x1x8x128xf32, #tpu.memory_space<vmem>>
        %dma_start3A_1512 = tpu.memref_squeeze %dma_start3A_1511 : memref<1x1x1x8x128xf32, #tpu.memory_space<vmem>> -> memref<8x128xf32, #tpu.memory_space<vmem>>
        %dma_start3A_1513 = arith.constant 40 : i32
        %dma_start3A_1514 = tpu.memref_slice %arg2[%dma_start3A_1513, %mul3A_1436] : memref<64x1000000xf32, #tpu.memory_space<hbm>> -> memref<8x128xf32, #tpu.memory_space<hbm>>
        %dma_start3A_1515 = arith.constant 0 : i32
        %dma_start3A_1516 = arith.constant 0 : i32
        %dma_start3A_1517 = tpu.memref_slice %arg6[%and3A_1411, %dma_start3A_1507, %dma_start3A_1508, %dma_start3A_1515, %dma_start3A_1516] : memref<2x4x8x8x128xf32, #tpu.memory_space<vmem>> -> memref<1x1x1x8x128xf32, #tpu.memory_space<vmem>>
        %dma_start3A_1518 = tpu.memref_squeeze %dma_start3A_1517 : memref<1x1x1x8x128xf32, #tpu.memory_space<vmem>> -> memref<8x128xf32, #tpu.memory_space<vmem>>
        %dma_start3A_1519 = arith.constant 40 : i32
        %dma_start3A_1520 = tpu.memref_slice %arg2[%dma_start3A_1519, %mul3A_1436] : memref<64x1000000xf32, #tpu.memory_space<hbm>> -> memref<8x128xf32, #tpu.memory_space<hbm>>
        tpu.enqueue_dma source(%dma_start3A_1520 : memref<8x128xf32, #tpu.memory_space<hbm>>) target(%dma_start3A_1518 : memref<8x128xf32, #tpu.memory_space<vmem>>) target_semaphore(%arg8 : memref<!tpu.dma_semaphore, #tpu.memory_space<semaphore_mem>>)
        %dma_start3A_1521 = arith.constant 0 : i32
        %dma_start3A_1522 = arith.constant 6 : i32
        %dma_start3A_1523 = arith.constant 0 : i32
        %dma_start3A_1524 = arith.constant 0 : i32
        %dma_start3A_1525 = tpu.memref_slice %arg6[%and3A_1411, %dma_start3A_1521, %dma_start3A_1522, %dma_start3A_1523, %dma_start3A_1524] : memref<2x4x8x8x128xf32, #tpu.memory_space<vmem>> -> memref<1x1x1x8x128xf32, #tpu.memory_space<vmem>>
        %dma_start3A_1526 = tpu.memref_squeeze %dma_start3A_1525 : memref<1x1x1x8x128xf32, #tpu.memory_space<vmem>> -> memref<8x128xf32, #tpu.memory_space<vmem>>
        %dma_start3A_1527 = arith.constant 48 : i32
        %dma_start3A_1528 = tpu.memref_slice %arg2[%dma_start3A_1527, %mul3A_1436] : memref<64x1000000xf32, #tpu.memory_space<hbm>> -> memref<8x128xf32, #tpu.memory_space<hbm>>
        %dma_start3A_1529 = arith.constant 0 : i32
        %dma_start3A_1530 = arith.constant 0 : i32
        %dma_start3A_1531 = tpu.memref_slice %arg6[%and3A_1411, %dma_start3A_1521, %dma_start3A_1522, %dma_start3A_1529, %dma_start3A_1530] : memref<2x4x8x8x128xf32, #tpu.memory_space<vmem>> -> memref<1x1x1x8x128xf32, #tpu.memory_space<vmem>>
        %dma_start3A_1532 = tpu.memref_squeeze %dma_start3A_1531 : memref<1x1x1x8x128xf32, #tpu.memory_space<vmem>> -> memref<8x128xf32, #tpu.memory_space<vmem>>
        %dma_start3A_1533 = arith.constant 48 : i32
        %dma_start3A_1534 = tpu.memref_slice %arg2[%dma_start3A_1533, %mul3A_1436] : memref<64x1000000xf32, #tpu.memory_space<hbm>> -> memref<8x128xf32, #tpu.memory_space<hbm>>
        tpu.enqueue_dma source(%dma_start3A_1534 : memref<8x128xf32, #tpu.memory_space<hbm>>) target(%dma_start3A_1532 : memref<8x128xf32, #tpu.memory_space<vmem>>) target_semaphore(%arg8 : memref<!tpu.dma_semaphore, #tpu.memory_space<semaphore_mem>>)
        %dma_start3A_1535 = arith.constant 0 : i32
        %dma_start3A_1536 = arith.constant 7 : i32
        %dma_start3A_1537 = arith.constant 0 : i32
        %dma_start3A_1538 = arith.constant 0 : i32
        %dma_start3A_1539 = tpu.memref_slice %arg6[%and3A_1411, %dma_start3A_1535, %dma_start3A_1536, %dma_start3A_1537, %dma_start3A_1538] : memref<2x4x8x8x128xf32, #tpu.memory_space<vmem>> -> memref<1x1x1x8x128xf32, #tpu.memory_space<vmem>>
        %dma_start3A_1540 = tpu.memref_squeeze %dma_start3A_1539 : memref<1x1x1x8x128xf32, #tpu.memory_space<vmem>> -> memref<8x128xf32, #tpu.memory_space<vmem>>
        %dma_start3A_1541 = arith.constant 56 : i32
        %dma_start3A_1542 = tpu.memref_slice %arg2[%dma_start3A_1541, %mul3A_1436] : memref<64x1000000xf32, #tpu.memory_space<hbm>> -> memref<8x128xf32, #tpu.memory_space<hbm>>
        %dma_start3A_1543 = arith.constant 0 : i32
        %dma_start3A_1544 = arith.constant 0 : i32
        %dma_start3A_1545 = tpu.memref_slice %arg6[%and3A_1411, %dma_start3A_1535, %dma_start3A_1536, %dma_start3A_1543, %dma_start3A_1544] : memref<2x4x8x8x128xf32, #tpu.memory_space<vmem>> -> memref<1x1x1x8x128xf32, #tpu.memory_space<vmem>>
        %dma_start3A_1546 = tpu.memref_squeeze %dma_start3A_1545 : memref<1x1x1x8x128xf32, #tpu.memory_space<vmem>> -> memref<8x128xf32, #tpu.memory_space<vmem>>
        %dma_start3A_1547 = arith.constant 56 : i32
        %dma_start3A_1548 = tpu.memref_slice %arg2[%dma_start3A_1547, %mul3A_1436] : memref<64x1000000xf32, #tpu.memory_space<hbm>> -> memref<8x128xf32, #tpu.memory_space<hbm>>
        tpu.enqueue_dma source(%dma_start3A_1548 : memref<8x128xf32, #tpu.memory_space<hbm>>) target(%dma_start3A_1546 : memref<8x128xf32, #tpu.memory_space<vmem>>) target_semaphore(%arg8 : memref<!tpu.dma_semaphore, #tpu.memory_space<semaphore_mem>>)
        %shift_right_logical3A_1549 = arith.constant 2 : i32
        %shift_right_logical3A_1550 = arith.shrui %add3A_1409, %shift_right_logical3A_1549 : i32
        %shift_left3A_1551 = arith.constant 4 : i32
        %shift_left3A_1552 = arith.shli %shift_right_logical3A_1550, %shift_left3A_1551 : i32
        %get3A_1553 = arith.index_cast %shift_left3A_1552 : i32 to index
        %get3A_1554 = tpu.vector_load %arg5[%get3A_1553] {strides = array<i32>} : memref<512xi32, #tpu.memory_space<vmem>>, vector<16xi32>,
        %and3A_1555 = arith.constant 3 : i32
        %and3A_1556 = arith.andi %add3A_1409, %and3A_1555 : i32
        %mul3A_1557 = arith.constant 4 : i32
        %mul3A_1558 = arith.muli %and3A_1556, %mul3A_1557 : i32
        %add3A_1559 = arith.constant 1 : i32
        %add3A_1560 = arith.addi %mul3A_1558, %add3A_1559 : i32
        %eq3A_1561 = vector.broadcast %add3A_1560 : i32 to vector<16xi32>
        %eq3A_1562 = arith.cmpi eq, %iota3A, %eq3A_1561 : vector<16xi32>
        %jit3A_1563 = arith.constant 0 : i32
        %broadcast_in_dim3A_1564 = vector.broadcast %jit3A_1563 : i32 to vector<16xi32>
        %select_n3A_1565 = arith.select %eq3A_1562, %get3A_1554, %broadcast_in_dim3A_1564 : vector<16xi1>, vector<16xi32>
        %reduce_sum3A_1566 = arith.constant true
        %reduce_sum3A_1567 = vector.broadcast %reduce_sum3A_1566 : i1 to vector<16xi1>
        %reduce_sum3A_1568 = tpu.scan <sum>, %select_n3A_1565 masked %reduce_sum3A_1567 : vector<16xi32>, vector<16xi1> -> vector<16xi32>
        %reduce_sum3A_1569 = vector.extract %reduce_sum3A_1568[15] : i32 from vector<16xi32>
        %shift_right_logical3A_1570 = arith.constant 7 : i32
        %shift_right_logical3A_1571 = arith.shrui %reduce_sum3A_1569, %shift_right_logical3A_1570 : i32
        %mul3A_1572 = arith.constant 128 : i32
        %mul3A_1573 = arith.muli %shift_right_logical3A_1571, %mul3A_1572 : i32
        %dma_start3A_1574 = arith.constant 1 : i32
        %dma_start3A_1575 = arith.constant 0 : i32
        %dma_start3A_1576 = arith.constant 0 : i32
        %dma_start3A_1577 = arith.constant 0 : i32
        %dma_start3A_1578 = tpu.memref_slice %arg6[%and3A_1411, %dma_start3A_1574, %dma_start3A_1575, %dma_start3A_1576, %dma_start3A_1577] : memref<2x4x8x8x128xf32, #tpu.memory_space<vmem>> -> memref<1x1x1x8x128xf32, #tpu.memory_space<vmem>>
        %dma_start3A_1579 = tpu.memref_squeeze %dma_start3A_1578 : memref<1x1x1x8x128xf32, #tpu.memory_space<vmem>> -> memref<8x128xf32, #tpu.memory_space<vmem>>
        %dma_start3A_1580 = arith.constant 0 : i32
        %dma_start3A_1581 = tpu.memref_slice %arg2[%dma_start3A_1580, %mul3A_1573] : memref<64x1000000xf32, #tpu.memory_space<hbm>> -> memref<8x128xf32, #tpu.memory_space<hbm>>
        %dma_start3A_1582 = arith.constant 0 : i32
        %dma_start3A_1583 = arith.constant 0 : i32
        %dma_start3A_1584 = tpu.memref_slice %arg6[%and3A_1411, %dma_start3A_1574, %dma_start3A_1575, %dma_start3A_1582, %dma_start3A_1583] : memref<2x4x8x8x128xf32, #tpu.memory_space<vmem>> -> memref<1x1x1x8x128xf32, #tpu.memory_space<vmem>>
        %dma_start3A_1585 = tpu.memref_squeeze %dma_start3A_1584 : memref<1x1x1x8x128xf32, #tpu.memory_space<vmem>> -> memref<8x128xf32, #tpu.memory_space<vmem>>
        %dma_start3A_1586 = arith.constant 0 : i32
        %dma_start3A_1587 = tpu.memref_slice %arg2[%dma_start3A_1586, %mul3A_1573] : memref<64x1000000xf32, #tpu.memory_space<hbm>> -> memref<8x128xf32, #tpu.memory_space<hbm>>
        tpu.enqueue_dma source(%dma_start3A_1587 : memref<8x128xf32, #tpu.memory_space<hbm>>) target(%dma_start3A_1585 : memref<8x128xf32, #tpu.memory_space<vmem>>) target_semaphore(%arg8 : memref<!tpu.dma_semaphore, #tpu.memory_space<semaphore_mem>>)
        %dma_start3A_1588 = arith.constant 1 : i32
        %dma_start3A_1589 = arith.constant 1 : i32
        %dma_start3A_1590 = arith.constant 0 : i32
        %dma_start3A_1591 = arith.constant 0 : i32
        %dma_start3A_1592 = tpu.memref_slice %arg6[%and3A_1411, %dma_start3A_1588, %dma_start3A_1589, %dma_start3A_1590, %dma_start3A_1591] : memref<2x4x8x8x128xf32, #tpu.memory_space<vmem>> -> memref<1x1x1x8x128xf32, #tpu.memory_space<vmem>>
        %dma_start3A_1593 = tpu.memref_squeeze %dma_start3A_1592 : memref<1x1x1x8x128xf32, #tpu.memory_space<vmem>> -> memref<8x128xf32, #tpu.memory_space<vmem>>
        %dma_start3A_1594 = arith.constant 8 : i32
        %dma_start3A_1595 = tpu.memref_slice %arg2[%dma_start3A_1594, %mul3A_1573] : memref<64x1000000xf32, #tpu.memory_space<hbm>> -> memref<8x128xf32, #tpu.memory_space<hbm>>
        %dma_start3A_1596 = arith.constant 0 : i32
        %dma_start3A_1597 = arith.constant 0 : i32
        %dma_start3A_1598 = tpu.memref_slice %arg6[%and3A_1411, %dma_start3A_1588, %dma_start3A_1589, %dma_start3A_1596, %dma_start3A_1597] : memref<2x4x8x8x128xf32, #tpu.memory_space<vmem>> -> memref<1x1x1x8x128xf32, #tpu.memory_space<vmem>>
        %dma_start3A_1599 = tpu.memref_squeeze %dma_start3A_1598 : memref<1x1x1x8x128xf32, #tpu.memory_space<vmem>> -> memref<8x128xf32, #tpu.memory_space<vmem>>
        %dma_start3A_1600 = arith.constant 8 : i32
        %dma_start3A_1601 = tpu.memref_slice %arg2[%dma_start3A_1600, %mul3A_1573] : memref<64x1000000xf32, #tpu.memory_space<hbm>> -> memref<8x128xf32, #tpu.memory_space<hbm>>
        tpu.enqueue_dma source(%dma_start3A_1601 : memref<8x128xf32, #tpu.memory_space<hbm>>) target(%dma_start3A_1599 : memref<8x128xf32, #tpu.memory_space<vmem>>) target_semaphore(%arg8 : memref<!tpu.dma_semaphore, #tpu.memory_space<semaphore_mem>>)
        %dma_start3A_1602 = arith.constant 1 : i32
        %dma_start3A_1603 = arith.constant 2 : i32
        %dma_start3A_1604 = arith.constant 0 : i32
        %dma_start3A_1605 = arith.constant 0 : i32
        %dma_start3A_1606 = tpu.memref_slice %arg6[%and3A_1411, %dma_start3A_1602, %dma_start3A_1603, %dma_start3A_1604, %dma_start3A_1605] : memref<2x4x8x8x128xf32, #tpu.memory_space<vmem>> -> memref<1x1x1x8x128xf32, #tpu.memory_space<vmem>>
        %dma_start3A_1607 = tpu.memref_squeeze %dma_start3A_1606 : memref<1x1x1x8x128xf32, #tpu.memory_space<vmem>> -> memref<8x128xf32, #tpu.memory_space<vmem>>
        %dma_start3A_1608 = arith.constant 16 : i32
        %dma_start3A_1609 = tpu.memref_slice %arg2[%dma_start3A_1608, %mul3A_1573] : memref<64x1000000xf32, #tpu.memory_space<hbm>> -> memref<8x128xf32, #tpu.memory_space<hbm>>
        %dma_start3A_1610 = arith.constant 0 : i32
        %dma_start3A_1611 = arith.constant 0 : i32
        %dma_start3A_1612 = tpu.memref_slice %arg6[%and3A_1411, %dma_start3A_1602, %dma_start3A_1603, %dma_start3A_1610, %dma_start3A_1611] : memref<2x4x8x8x128xf32, #tpu.memory_space<vmem>> -> memref<1x1x1x8x128xf32, #tpu.memory_space<vmem>>
        %dma_start3A_1613 = tpu.memref_squeeze %dma_start3A_1612 : memref<1x1x1x8x128xf32, #tpu.memory_space<vmem>> -> memref<8x128xf32, #tpu.memory_space<vmem>>
        %dma_start3A_1614 = arith.constant 16 : i32
        %dma_start3A_1615 = tpu.memref_slice %arg2[%dma_start3A_1614, %mul3A_1573] : memref<64x1000000xf32, #tpu.memory_space<hbm>> -> memref<8x128xf32, #tpu.memory_space<hbm>>
        tpu.enqueue_dma source(%dma_start3A_1615 : memref<8x128xf32, #tpu.memory_space<hbm>>) target(%dma_start3A_1613 : memref<8x128xf32, #tpu.memory_space<vmem>>) target_semaphore(%arg8 : memref<!tpu.dma_semaphore, #tpu.memory_space<semaphore_mem>>)
        %dma_start3A_1616 = arith.constant 1 : i32
        %dma_start3A_1617 = arith.constant 3 : i32
        %dma_start3A_1618 = arith.constant 0 : i32
        %dma_start3A_1619 = arith.constant 0 : i32
        %dma_start3A_1620 = tpu.memref_slice %arg6[%and3A_1411, %dma_start3A_1616, %dma_start3A_1617, %dma_start3A_1618, %dma_start3A_1619] : memref<2x4x8x8x128xf32, #tpu.memory_space<vmem>> -> memref<1x1x1x8x128xf32, #tpu.memory_space<vmem>>
        %dma_start3A_1621 = tpu.memref_squeeze %dma_start3A_1620 : memref<1x1x1x8x128xf32, #tpu.memory_space<vmem>> -> memref<8x128xf32, #tpu.memory_space<vmem>>
        %dma_start3A_1622 = arith.constant 24 : i32
        %dma_start3A_1623 = tpu.memref_slice %arg2[%dma_start3A_1622, %mul3A_1573] : memref<64x1000000xf32, #tpu.memory_space<hbm>> -> memref<8x128xf32, #tpu.memory_space<hbm>>
        %dma_start3A_1624 = arith.constant 0 : i32
        %dma_start3A_1625 = arith.constant 0 : i32
        %dma_start3A_1626 = tpu.memref_slice %arg6[%and3A_1411, %dma_start3A_1616, %dma_start3A_1617, %dma_start3A_1624, %dma_start3A_1625] : memref<2x4x8x8x128xf32, #tpu.memory_space<vmem>> -> memref<1x1x1x8x128xf32, #tpu.memory_space<vmem>>
        %dma_start3A_1627 = tpu.memref_squeeze %dma_start3A_1626 : memref<1x1x1x8x128xf32, #tpu.memory_space<vmem>> -> memref<8x128xf32, #tpu.memory_space<vmem>>
        %dma_start3A_1628 = arith.constant 24 : i32
        %dma_start3A_1629 = tpu.memref_slice %arg2[%dma_start3A_1628, %mul3A_1573] : memref<64x1000000xf32, #tpu.memory_space<hbm>> -> memref<8x128xf32, #tpu.memory_space<hbm>>
        tpu.enqueue_dma source(%dma_start3A_1629 : memref<8x128xf32, #tpu.memory_space<hbm>>) target(%dma_start3A_1627 : memref<8x128xf32, #tpu.memory_space<vmem>>) target_semaphore(%arg8 : memref<!tpu.dma_semaphore, #tpu.memory_space<semaphore_mem>>)
        %dma_start3A_1630 = arith.constant 1 : i32
        %dma_start3A_1631 = arith.constant 4 : i32
        %dma_start3A_1632 = arith.constant 0 : i32
        %dma_start3A_1633 = arith.constant 0 : i32
        %dma_start3A_1634 = tpu.memref_slice %arg6[%and3A_1411, %dma_start3A_1630, %dma_start3A_1631, %dma_start3A_1632, %dma_start3A_1633] : memref<2x4x8x8x128xf32, #tpu.memory_space<vmem>> -> memref<1x1x1x8x128xf32, #tpu.memory_space<vmem>>
        %dma_start3A_1635 = tpu.memref_squeeze %dma_start3A_1634 : memref<1x1x1x8x128xf32, #tpu.memory_space<vmem>> -> memref<8x128xf32, #tpu.memory_space<vmem>>
        %dma_start3A_1636 = arith.constant 32 : i32
        %dma_start3A_1637 = tpu.memref_slice %arg2[%dma_start3A_1636, %mul3A_1573] : memref<64x1000000xf32, #tpu.memory_space<hbm>> -> memref<8x128xf32, #tpu.memory_space<hbm>>
        %dma_start3A_1638 = arith.constant 0 : i32
        %dma_start3A_1639 = arith.constant 0 : i32
        %dma_start3A_1640 = tpu.memref_slice %arg6[%and3A_1411, %dma_start3A_1630, %dma_start3A_1631, %dma_start3A_1638, %dma_start3A_1639] : memref<2x4x8x8x128xf32, #tpu.memory_space<vmem>> -> memref<1x1x1x8x128xf32, #tpu.memory_space<vmem>>
        %dma_start3A_1641 = tpu.memref_squeeze %dma_start3A_1640 : memref<1x1x1x8x128xf32, #tpu.memory_space<vmem>> -> memref<8x128xf32, #tpu.memory_space<vmem>>
        %dma_start3A_1642 = arith.constant 32 : i32
        %dma_start3A_1643 = tpu.memref_slice %arg2[%dma_start3A_1642, %mul3A_1573] : memref<64x1000000xf32, #tpu.memory_space<hbm>> -> memref<8x128xf32, #tpu.memory_space<hbm>>
        tpu.enqueue_dma source(%dma_start3A_1643 : memref<8x128xf32, #tpu.memory_space<hbm>>) target(%dma_start3A_1641 : memref<8x128xf32, #tpu.memory_space<vmem>>) target_semaphore(%arg8 : memref<!tpu.dma_semaphore, #tpu.memory_space<semaphore_mem>>)
        %dma_start3A_1644 = arith.constant 1 : i32
        %dma_start3A_1645 = arith.constant 5 : i32
        %dma_start3A_1646 = arith.constant 0 : i32
        %dma_start3A_1647 = arith.constant 0 : i32
        %dma_start3A_1648 = tpu.memref_slice %arg6[%and3A_1411, %dma_start3A_1644, %dma_start3A_1645, %dma_start3A_1646, %dma_start3A_1647] : memref<2x4x8x8x128xf32, #tpu.memory_space<vmem>> -> memref<1x1x1x8x128xf32, #tpu.memory_space<vmem>>
        %dma_start3A_1649 = tpu.memref_squeeze %dma_start3A_1648 : memref<1x1x1x8x128xf32, #tpu.memory_space<vmem>> -> memref<8x128xf32, #tpu.memory_space<vmem>>
        %dma_start3A_1650 = arith.constant 40 : i32
        %dma_start3A_1651 = tpu.memref_slice %arg2[%dma_start3A_1650, %mul3A_1573] : memref<64x1000000xf32, #tpu.memory_space<hbm>> -> memref<8x128xf32, #tpu.memory_space<hbm>>
        %dma_start3A_1652 = arith.constant 0 : i32
        %dma_start3A_1653 = arith.constant 0 : i32
        %dma_start3A_1654 = tpu.memref_slice %arg6[%and3A_1411, %dma_start3A_1644, %dma_start3A_1645, %dma_start3A_1652, %dma_start3A_1653] : memref<2x4x8x8x128xf32, #tpu.memory_space<vmem>> -> memref<1x1x1x8x128xf32, #tpu.memory_space<vmem>>
        %dma_start3A_1655 = tpu.memref_squeeze %dma_start3A_1654 : memref<1x1x1x8x128xf32, #tpu.memory_space<vmem>> -> memref<8x128xf32, #tpu.memory_space<vmem>>
        %dma_start3A_1656 = arith.constant 40 : i32
        %dma_start3A_1657 = tpu.memref_slice %arg2[%dma_start3A_1656, %mul3A_1573] : memref<64x1000000xf32, #tpu.memory_space<hbm>> -> memref<8x128xf32, #tpu.memory_space<hbm>>
        tpu.enqueue_dma source(%dma_start3A_1657 : memref<8x128xf32, #tpu.memory_space<hbm>>) target(%dma_start3A_1655 : memref<8x128xf32, #tpu.memory_space<vmem>>) target_semaphore(%arg8 : memref<!tpu.dma_semaphore, #tpu.memory_space<semaphore_mem>>)
        %dma_start3A_1658 = arith.constant 1 : i32
        %dma_start3A_1659 = arith.constant 6 : i32
        %dma_start3A_1660 = arith.constant 0 : i32
        %dma_start3A_1661 = arith.constant 0 : i32
        %dma_start3A_1662 = tpu.memref_slice %arg6[%and3A_1411, %dma_start3A_1658, %dma_start3A_1659, %dma_start3A_1660, %dma_start3A_1661] : memref<2x4x8x8x128xf32, #tpu.memory_space<vmem>> -> memref<1x1x1x8x128xf32, #tpu.memory_space<vmem>>
        %dma_start3A_1663 = tpu.memref_squeeze %dma_start3A_1662 : memref<1x1x1x8x128xf32, #tpu.memory_space<vmem>> -> memref<8x128xf32, #tpu.memory_space<vmem>>
        %dma_start3A_1664 = arith.constant 48 : i32
        %dma_start3A_1665 = tpu.memref_slice %arg2[%dma_start3A_1664, %mul3A_1573] : memref<64x1000000xf32, #tpu.memory_space<hbm>> -> memref<8x128xf32, #tpu.memory_space<hbm>>
        %dma_start3A_1666 = arith.constant 0 : i32
        %dma_start3A_1667 = arith.constant 0 : i32
        %dma_start3A_1668 = tpu.memref_slice %arg6[%and3A_1411, %dma_start3A_1658, %dma_start3A_1659, %dma_start3A_1666, %dma_start3A_1667] : memref<2x4x8x8x128xf32, #tpu.memory_space<vmem>> -> memref<1x1x1x8x128xf32, #tpu.memory_space<vmem>>
        %dma_start3A_1669 = tpu.memref_squeeze %dma_start3A_1668 : memref<1x1x1x8x128xf32, #tpu.memory_space<vmem>> -> memref<8x128xf32, #tpu.memory_space<vmem>>
        %dma_start3A_1670 = arith.constant 48 : i32
        %dma_start3A_1671 = tpu.memref_slice %arg2[%dma_start3A_1670, %mul3A_1573] : memref<64x1000000xf32, #tpu.memory_space<hbm>> -> memref<8x128xf32, #tpu.memory_space<hbm>>
        tpu.enqueue_dma source(%dma_start3A_1671 : memref<8x128xf32, #tpu.memory_space<hbm>>) target(%dma_start3A_1669 : memref<8x128xf32, #tpu.memory_space<vmem>>) target_semaphore(%arg8 : memref<!tpu.dma_semaphore, #tpu.memory_space<semaphore_mem>>)
        %dma_start3A_1672 = arith.constant 1 : i32
        %dma_start3A_1673 = arith.constant 7 : i32
        %dma_start3A_1674 = arith.constant 0 : i32
        %dma_start3A_1675 = arith.constant 0 : i32
        %dma_start3A_1676 = tpu.memref_slice %arg6[%and3A_1411, %dma_start3A_1672, %dma_start3A_1673, %dma_start3A_1674, %dma_start3A_1675] : memref<2x4x8x8x128xf32, #tpu.memory_space<vmem>> -> memref<1x1x1x8x128xf32, #tpu.memory_space<vmem>>
        %dma_start3A_1677 = tpu.memref_squeeze %dma_start3A_1676 : memref<1x1x1x8x128xf32, #tpu.memory_space<vmem>> -> memref<8x128xf32, #tpu.memory_space<vmem>>
        %dma_start3A_1678 = arith.constant 56 : i32
        %dma_start3A_1679 = tpu.memref_slice %arg2[%dma_start3A_1678, %mul3A_1573] : memref<64x1000000xf32, #tpu.memory_space<hbm>> -> memref<8x128xf32, #tpu.memory_space<hbm>>
        %dma_start3A_1680 = arith.constant 0 : i32
        %dma_start3A_1681 = arith.constant 0 : i32
        %dma_start3A_1682 = tpu.memref_slice %arg6[%and3A_1411, %dma_start3A_1672, %dma_start3A_1673, %dma_start3A_1680, %dma_start3A_1681] : memref<2x4x8x8x128xf32, #tpu.memory_space<vmem>> -> memref<1x1x1x8x128xf32, #tpu.memory_space<vmem>>
        %dma_start3A_1683 = tpu.memref_squeeze %dma_start3A_1682 : memref<1x1x1x8x128xf32, #tpu.memory_space<vmem>> -> memref<8x128xf32, #tpu.memory_space<vmem>>
        %dma_start3A_1684 = arith.constant 56 : i32
        %dma_start3A_1685 = tpu.memref_slice %arg2[%dma_start3A_1684, %mul3A_1573] : memref<64x1000000xf32, #tpu.memory_space<hbm>> -> memref<8x128xf32, #tpu.memory_space<hbm>>
        tpu.enqueue_dma source(%dma_start3A_1685 : memref<8x128xf32, #tpu.memory_space<hbm>>) target(%dma_start3A_1683 : memref<8x128xf32, #tpu.memory_space<vmem>>) target_semaphore(%arg8 : memref<!tpu.dma_semaphore, #tpu.memory_space<semaphore_mem>>)
        %shift_right_logical3A_1686 = arith.constant 2 : i32
        %shift_right_logical3A_1687 = arith.shrui %add3A_1409, %shift_right_logical3A_1686 : i32
        %shift_left3A_1688 = arith.constant 4 : i32
        %shift_left3A_1689 = arith.shli %shift_right_logical3A_1687, %shift_left3A_1688 : i32
        %get3A_1690 = arith.index_cast %shift_left3A_1689 : i32 to index
        %get3A_1691 = tpu.vector_load %arg5[%get3A_1690] {strides = array<i32>} : memref<512xi32, #tpu.memory_space<vmem>>, vector<16xi32>,
        %and3A_1692 = arith.constant 3 : i32
        %and3A_1693 = arith.andi %add3A_1409, %and3A_1692 : i32
        %mul3A_1694 = arith.constant 4 : i32
        %mul3A_1695 = arith.muli %and3A_1693, %mul3A_1694 : i32
        %add3A_1696 = arith.constant 2 : i32
        %add3A_1697 = arith.addi %mul3A_1695, %add3A_1696 : i32
        %eq3A_1698 = vector.broadcast %add3A_1697 : i32 to vector<16xi32>
        %eq3A_1699 = arith.cmpi eq, %iota3A, %eq3A_1698 : vector<16xi32>
        %jit3A_1700 = arith.constant 0 : i32
        %broadcast_in_dim3A_1701 = vector.broadcast %jit3A_1700 : i32 to vector<16xi32>
        %select_n3A_1702 = arith.select %eq3A_1699, %get3A_1691, %broadcast_in_dim3A_1701 : vector<16xi1>, vector<16xi32>
        %reduce_sum3A_1703 = arith.constant true
        %reduce_sum3A_1704 = vector.broadcast %reduce_sum3A_1703 : i1 to vector<16xi1>
        %reduce_sum3A_1705 = tpu.scan <sum>, %select_n3A_1702 masked %reduce_sum3A_1704 : vector<16xi32>, vector<16xi1> -> vector<16xi32>
        %reduce_sum3A_1706 = vector.extract %reduce_sum3A_1705[15] : i32 from vector<16xi32>
        %shift_right_logical3A_1707 = arith.constant 7 : i32
        %shift_right_logical3A_1708 = arith.shrui %reduce_sum3A_1706, %shift_right_logical3A_1707 : i32
        %mul3A_1709 = arith.constant 128 : i32
        %mul3A_1710 = arith.muli %shift_right_logical3A_1708, %mul3A_1709 : i32
        %dma_start3A_1711 = arith.constant 2 : i32
        %dma_start3A_1712 = arith.constant 0 : i32
        %dma_start3A_1713 = arith.constant 0 : i32
        %dma_start3A_1714 = arith.constant 0 : i32
        %dma_start3A_1715 = tpu.memref_slice %arg6[%and3A_1411, %dma_start3A_1711, %dma_start3A_1712, %dma_start3A_1713, %dma_start3A_1714] : memref<2x4x8x8x128xf32, #tpu.memory_space<vmem>> -> memref<1x1x1x8x128xf32, #tpu.memory_space<vmem>>
        %dma_start3A_1716 = tpu.memref_squeeze %dma_start3A_1715 : memref<1x1x1x8x128xf32, #tpu.memory_space<vmem>> -> memref<8x128xf32, #tpu.memory_space<vmem>>
        %dma_start3A_1717 = arith.constant 0 : i32
        %dma_start3A_1718 = tpu.memref_slice %arg2[%dma_start3A_1717, %mul3A_1710] : memref<64x1000000xf32, #tpu.memory_space<hbm>> -> memref<8x128xf32, #tpu.memory_space<hbm>>
        %dma_start3A_1719 = arith.constant 0 : i32
        %dma_start3A_1720 = arith.constant 0 : i32
        %dma_start3A_1721 = tpu.memref_slice %arg6[%and3A_1411, %dma_start3A_1711, %dma_start3A_1712, %dma_start3A_1719, %dma_start3A_1720] : memref<2x4x8x8x128xf32, #tpu.memory_space<vmem>> -> memref<1x1x1x8x128xf32, #tpu.memory_space<vmem>>
        %dma_start3A_1722 = tpu.memref_squeeze %dma_start3A_1721 : memref<1x1x1x8x128xf32, #tpu.memory_space<vmem>> -> memref<8x128xf32, #tpu.memory_space<vmem>>
        %dma_start3A_1723 = arith.constant 0 : i32
        %dma_start3A_1724 = tpu.memref_slice %arg2[%dma_start3A_1723, %mul3A_1710] : memref<64x1000000xf32, #tpu.memory_space<hbm>> -> memref<8x128xf32, #tpu.memory_space<hbm>>
        tpu.enqueue_dma source(%dma_start3A_1724 : memref<8x128xf32, #tpu.memory_space<hbm>>) target(%dma_start3A_1722 : memref<8x128xf32, #tpu.memory_space<vmem>>) target_semaphore(%arg8 : memref<!tpu.dma_semaphore, #tpu.memory_space<semaphore_mem>>)
        %dma_start3A_1725 = arith.constant 2 : i32
        %dma_start3A_1726 = arith.constant 1 : i32
        %dma_start3A_1727 = arith.constant 0 : i32
        %dma_start3A_1728 = arith.constant 0 : i32
        %dma_start3A_1729 = tpu.memref_slice %arg6[%and3A_1411, %dma_start3A_1725, %dma_start3A_1726, %dma_start3A_1727, %dma_start3A_1728] : memref<2x4x8x8x128xf32, #tpu.memory_space<vmem>> -> memref<1x1x1x8x128xf32, #tpu.memory_space<vmem>>
        %dma_start3A_1730 = tpu.memref_squeeze %dma_start3A_1729 : memref<1x1x1x8x128xf32, #tpu.memory_space<vmem>> -> memref<8x128xf32, #tpu.memory_space<vmem>>
        %dma_start3A_1731 = arith.constant 8 : i32
        %dma_start3A_1732 = tpu.memref_slice %arg2[%dma_start3A_1731, %mul3A_1710] : memref<64x1000000xf32, #tpu.memory_space<hbm>> -> memref<8x128xf32, #tpu.memory_space<hbm>>
        %dma_start3A_1733 = arith.constant 0 : i32
        %dma_start3A_1734 = arith.constant 0 : i32
        %dma_start3A_1735 = tpu.memref_slice %arg6[%and3A_1411, %dma_start3A_1725, %dma_start3A_1726, %dma_start3A_1733, %dma_start3A_1734] : memref<2x4x8x8x128xf32, #tpu.memory_space<vmem>> -> memref<1x1x1x8x128xf32, #tpu.memory_space<vmem>>
        %dma_start3A_1736 = tpu.memref_squeeze %dma_start3A_1735 : memref<1x1x1x8x128xf32, #tpu.memory_space<vmem>> -> memref<8x128xf32, #tpu.memory_space<vmem>>
        %dma_start3A_1737 = arith.constant 8 : i32
        %dma_start3A_1738 = tpu.memref_slice %arg2[%dma_start3A_1737, %mul3A_1710] : memref<64x1000000xf32, #tpu.memory_space<hbm>> -> memref<8x128xf32, #tpu.memory_space<hbm>>
        tpu.enqueue_dma source(%dma_start3A_1738 : memref<8x128xf32, #tpu.memory_space<hbm>>) target(%dma_start3A_1736 : memref<8x128xf32, #tpu.memory_space<vmem>>) target_semaphore(%arg8 : memref<!tpu.dma_semaphore, #tpu.memory_space<semaphore_mem>>)
        %dma_start3A_1739 = arith.constant 2 : i32
        %dma_start3A_1740 = arith.constant 2 : i32
        %dma_start3A_1741 = arith.constant 0 : i32
        %dma_start3A_1742 = arith.constant 0 : i32
        %dma_start3A_1743 = tpu.memref_slice %arg6[%and3A_1411, %dma_start3A_1739, %dma_start3A_1740, %dma_start3A_1741, %dma_start3A_1742] : memref<2x4x8x8x128xf32, #tpu.memory_space<vmem>> -> memref<1x1x1x8x128xf32, #tpu.memory_space<vmem>>
        %dma_start3A_1744 = tpu.memref_squeeze %dma_start3A_1743 : memref<1x1x1x8x128xf32, #tpu.memory_space<vmem>> -> memref<8x128xf32, #tpu.memory_space<vmem>>
        %dma_start3A_1745 = arith.constant 16 : i32
        %dma_start3A_1746 = tpu.memref_slice %arg2[%dma_start3A_1745, %mul3A_1710] : memref<64x1000000xf32, #tpu.memory_space<hbm>> -> memref<8x128xf32, #tpu.memory_space<hbm>>
        %dma_start3A_1747 = arith.constant 0 : i32
        %dma_start3A_1748 = arith.constant 0 : i32
        %dma_start3A_1749 = tpu.memref_slice %arg6[%and3A_1411, %dma_start3A_1739, %dma_start3A_1740, %dma_start3A_1747, %dma_start3A_1748] : memref<2x4x8x8x128xf32, #tpu.memory_space<vmem>> -> memref<1x1x1x8x128xf32, #tpu.memory_space<vmem>>
        %dma_start3A_1750 = tpu.memref_squeeze %dma_start3A_1749 : memref<1x1x1x8x128xf32, #tpu.memory_space<vmem>> -> memref<8x128xf32, #tpu.memory_space<vmem>>
        %dma_start3A_1751 = arith.constant 16 : i32
        %dma_start3A_1752 = tpu.memref_slice %arg2[%dma_start3A_1751, %mul3A_1710] : memref<64x1000000xf32, #tpu.memory_space<hbm>> -> memref<8x128xf32, #tpu.memory_space<hbm>>
        tpu.enqueue_dma source(%dma_start3A_1752 : memref<8x128xf32, #tpu.memory_space<hbm>>) target(%dma_start3A_1750 : memref<8x128xf32, #tpu.memory_space<vmem>>) target_semaphore(%arg8 : memref<!tpu.dma_semaphore, #tpu.memory_space<semaphore_mem>>)
        %dma_start3A_1753 = arith.constant 2 : i32
        %dma_start3A_1754 = arith.constant 3 : i32
        %dma_start3A_1755 = arith.constant 0 : i32
        %dma_start3A_1756 = arith.constant 0 : i32
        %dma_start3A_1757 = tpu.memref_slice %arg6[%and3A_1411, %dma_start3A_1753, %dma_start3A_1754, %dma_start3A_1755, %dma_start3A_1756] : memref<2x4x8x8x128xf32, #tpu.memory_space<vmem>> -> memref<1x1x1x8x128xf32, #tpu.memory_space<vmem>>
        %dma_start3A_1758 = tpu.memref_squeeze %dma_start3A_1757 : memref<1x1x1x8x128xf32, #tpu.memory_space<vmem>> -> memref<8x128xf32, #tpu.memory_space<vmem>>
        %dma_start3A_1759 = arith.constant 24 : i32
        %dma_start3A_1760 = tpu.memref_slice %arg2[%dma_start3A_1759, %mul3A_1710] : memref<64x1000000xf32, #tpu.memory_space<hbm>> -> memref<8x128xf32, #tpu.memory_space<hbm>>
        %dma_start3A_1761 = arith.constant 0 : i32
        %dma_start3A_1762 = arith.constant 0 : i32
        %dma_start3A_1763 = tpu.memref_slice %arg6[%and3A_1411, %dma_start3A_1753, %dma_start3A_1754, %dma_start3A_1761, %dma_start3A_1762] : memref<2x4x8x8x128xf32, #tpu.memory_space<vmem>> -> memref<1x1x1x8x128xf32, #tpu.memory_space<vmem>>
        %dma_start3A_1764 = tpu.memref_squeeze %dma_start3A_1763 : memref<1x1x1x8x128xf32, #tpu.memory_space<vmem>> -> memref<8x128xf32, #tpu.memory_space<vmem>>
        %dma_start3A_1765 = arith.constant 24 : i32
        %dma_start3A_1766 = tpu.memref_slice %arg2[%dma_start3A_1765, %mul3A_1710] : memref<64x1000000xf32, #tpu.memory_space<hbm>> -> memref<8x128xf32, #tpu.memory_space<hbm>>
        tpu.enqueue_dma source(%dma_start3A_1766 : memref<8x128xf32, #tpu.memory_space<hbm>>) target(%dma_start3A_1764 : memref<8x128xf32, #tpu.memory_space<vmem>>) target_semaphore(%arg8 : memref<!tpu.dma_semaphore, #tpu.memory_space<semaphore_mem>>)
        %dma_start3A_1767 = arith.constant 2 : i32
        %dma_start3A_1768 = arith.constant 4 : i32
        %dma_start3A_1769 = arith.constant 0 : i32
        %dma_start3A_1770 = arith.constant 0 : i32
        %dma_start3A_1771 = tpu.memref_slice %arg6[%and3A_1411, %dma_start3A_1767, %dma_start3A_1768, %dma_start3A_1769, %dma_start3A_1770] : memref<2x4x8x8x128xf32, #tpu.memory_space<vmem>> -> memref<1x1x1x8x128xf32, #tpu.memory_space<vmem>>
        %dma_start3A_1772 = tpu.memref_squeeze %dma_start3A_1771 : memref<1x1x1x8x128xf32, #tpu.memory_space<vmem>> -> memref<8x128xf32, #tpu.memory_space<vmem>>
        %dma_start3A_1773 = arith.constant 32 : i32
        %dma_start3A_1774 = tpu.memref_slice %arg2[%dma_start3A_1773, %mul3A_1710] : memref<64x1000000xf32, #tpu.memory_space<hbm>> -> memref<8x128xf32, #tpu.memory_space<hbm>>
        %dma_start3A_1775 = arith.constant 0 : i32
        %dma_start3A_1776 = arith.constant 0 : i32
        %dma_start3A_1777 = tpu.memref_slice %arg6[%and3A_1411, %dma_start3A_1767, %dma_start3A_1768, %dma_start3A_1775, %dma_start3A_1776] : memref<2x4x8x8x128xf32, #tpu.memory_space<vmem>> -> memref<1x1x1x8x128xf32, #tpu.memory_space<vmem>>
        %dma_start3A_1778 = tpu.memref_squeeze %dma_start3A_1777 : memref<1x1x1x8x128xf32, #tpu.memory_space<vmem>> -> memref<8x128xf32, #tpu.memory_space<vmem>>
        %dma_start3A_1779 = arith.constant 32 : i32
        %dma_start3A_1780 = tpu.memref_slice %arg2[%dma_start3A_1779, %mul3A_1710] : memref<64x1000000xf32, #tpu.memory_space<hbm>> -> memref<8x128xf32, #tpu.memory_space<hbm>>
        tpu.enqueue_dma source(%dma_start3A_1780 : memref<8x128xf32, #tpu.memory_space<hbm>>) target(%dma_start3A_1778 : memref<8x128xf32, #tpu.memory_space<vmem>>) target_semaphore(%arg8 : memref<!tpu.dma_semaphore, #tpu.memory_space<semaphore_mem>>)
        %dma_start3A_1781 = arith.constant 2 : i32
        %dma_start3A_1782 = arith.constant 5 : i32
        %dma_start3A_1783 = arith.constant 0 : i32
        %dma_start3A_1784 = arith.constant 0 : i32
        %dma_start3A_1785 = tpu.memref_slice %arg6[%and3A_1411, %dma_start3A_1781, %dma_start3A_1782, %dma_start3A_1783, %dma_start3A_1784] : memref<2x4x8x8x128xf32, #tpu.memory_space<vmem>> -> memref<1x1x1x8x128xf32, #tpu.memory_space<vmem>>
        %dma_start3A_1786 = tpu.memref_squeeze %dma_start3A_1785 : memref<1x1x1x8x128xf32, #tpu.memory_space<vmem>> -> memref<8x128xf32, #tpu.memory_space<vmem>>
        %dma_start3A_1787 = arith.constant 40 : i32
        %dma_start3A_1788 = tpu.memref_slice %arg2[%dma_start3A_1787, %mul3A_1710] : memref<64x1000000xf32, #tpu.memory_space<hbm>> -> memref<8x128xf32, #tpu.memory_space<hbm>>
        %dma_start3A_1789 = arith.constant 0 : i32
        %dma_start3A_1790 = arith.constant 0 : i32
        %dma_start3A_1791 = tpu.memref_slice %arg6[%and3A_1411, %dma_start3A_1781, %dma_start3A_1782, %dma_start3A_1789, %dma_start3A_1790] : memref<2x4x8x8x128xf32, #tpu.memory_space<vmem>> -> memref<1x1x1x8x128xf32, #tpu.memory_space<vmem>>
        %dma_start3A_1792 = tpu.memref_squeeze %dma_start3A_1791 : memref<1x1x1x8x128xf32, #tpu.memory_space<vmem>> -> memref<8x128xf32, #tpu.memory_space<vmem>>
        %dma_start3A_1793 = arith.constant 40 : i32
        %dma_start3A_1794 = tpu.memref_slice %arg2[%dma_start3A_1793, %mul3A_1710] : memref<64x1000000xf32, #tpu.memory_space<hbm>> -> memref<8x128xf32, #tpu.memory_space<hbm>>
        tpu.enqueue_dma source(%dma_start3A_1794 : memref<8x128xf32, #tpu.memory_space<hbm>>) target(%dma_start3A_1792 : memref<8x128xf32, #tpu.memory_space<vmem>>) target_semaphore(%arg8 : memref<!tpu.dma_semaphore, #tpu.memory_space<semaphore_mem>>)
        %dma_start3A_1795 = arith.constant 2 : i32
        %dma_start3A_1796 = arith.constant 6 : i32
        %dma_start3A_1797 = arith.constant 0 : i32
        %dma_start3A_1798 = arith.constant 0 : i32
        %dma_start3A_1799 = tpu.memref_slice %arg6[%and3A_1411, %dma_start3A_1795, %dma_start3A_1796, %dma_start3A_1797, %dma_start3A_1798] : memref<2x4x8x8x128xf32, #tpu.memory_space<vmem>> -> memref<1x1x1x8x128xf32, #tpu.memory_space<vmem>>
        %dma_start3A_1800 = tpu.memref_squeeze %dma_start3A_1799 : memref<1x1x1x8x128xf32, #tpu.memory_space<vmem>> -> memref<8x128xf32, #tpu.memory_space<vmem>>
        %dma_start3A_1801 = arith.constant 48 : i32
        %dma_start3A_1802 = tpu.memref_slice %arg2[%dma_start3A_1801, %mul3A_1710] : memref<64x1000000xf32, #tpu.memory_space<hbm>> -> memref<8x128xf32, #tpu.memory_space<hbm>>
        %dma_start3A_1803 = arith.constant 0 : i32
        %dma_start3A_1804 = arith.constant 0 : i32
        %dma_start3A_1805 = tpu.memref_slice %arg6[%and3A_1411, %dma_start3A_1795, %dma_start3A_1796, %dma_start3A_1803, %dma_start3A_1804] : memref<2x4x8x8x128xf32, #tpu.memory_space<vmem>> -> memref<1x1x1x8x128xf32, #tpu.memory_space<vmem>>
        %dma_start3A_1806 = tpu.memref_squeeze %dma_start3A_1805 : memref<1x1x1x8x128xf32, #tpu.memory_space<vmem>> -> memref<8x128xf32, #tpu.memory_space<vmem>>
        %dma_start3A_1807 = arith.constant 48 : i32
        %dma_start3A_1808 = tpu.memref_slice %arg2[%dma_start3A_1807, %mul3A_1710] : memref<64x1000000xf32, #tpu.memory_space<hbm>> -> memref<8x128xf32, #tpu.memory_space<hbm>>
        tpu.enqueue_dma source(%dma_start3A_1808 : memref<8x128xf32, #tpu.memory_space<hbm>>) target(%dma_start3A_1806 : memref<8x128xf32, #tpu.memory_space<vmem>>) target_semaphore(%arg8 : memref<!tpu.dma_semaphore, #tpu.memory_space<semaphore_mem>>)
        %dma_start3A_1809 = arith.constant 2 : i32
        %dma_start3A_1810 = arith.constant 7 : i32
        %dma_start3A_1811 = arith.constant 0 : i32
        %dma_start3A_1812 = arith.constant 0 : i32
        %dma_start3A_1813 = tpu.memref_slice %arg6[%and3A_1411, %dma_start3A_1809, %dma_start3A_1810, %dma_start3A_1811, %dma_start3A_1812] : memref<2x4x8x8x128xf32, #tpu.memory_space<vmem>> -> memref<1x1x1x8x128xf32, #tpu.memory_space<vmem>>
        %dma_start3A_1814 = tpu.memref_squeeze %dma_start3A_1813 : memref<1x1x1x8x128xf32, #tpu.memory_space<vmem>> -> memref<8x128xf32, #tpu.memory_space<vmem>>
        %dma_start3A_1815 = arith.constant 56 : i32
        %dma_start3A_1816 = tpu.memref_slice %arg2[%dma_start3A_1815, %mul3A_1710] : memref<64x1000000xf32, #tpu.memory_space<hbm>> -> memref<8x128xf32, #tpu.memory_space<hbm>>
        %dma_start3A_1817 = arith.constant 0 : i32
        %dma_start3A_1818 = arith.constant 0 : i32
        %dma_start3A_1819 = tpu.memref_slice %arg6[%and3A_1411, %dma_start3A_1809, %dma_start3A_1810, %dma_start3A_1817, %dma_start3A_1818] : memref<2x4x8x8x128xf32, #tpu.memory_space<vmem>> -> memref<1x1x1x8x128xf32, #tpu.memory_space<vmem>>
        %dma_start3A_1820 = tpu.memref_squeeze %dma_start3A_1819 : memref<1x1x1x8x128xf32, #tpu.memory_space<vmem>> -> memref<8x128xf32, #tpu.memory_space<vmem>>
        %dma_start3A_1821 = arith.constant 56 : i32
        %dma_start3A_1822 = tpu.memref_slice %arg2[%dma_start3A_1821, %mul3A_1710] : memref<64x1000000xf32, #tpu.memory_space<hbm>> -> memref<8x128xf32, #tpu.memory_space<hbm>>
        tpu.enqueue_dma source(%dma_start3A_1822 : memref<8x128xf32, #tpu.memory_space<hbm>>) target(%dma_start3A_1820 : memref<8x128xf32, #tpu.memory_space<vmem>>) target_semaphore(%arg8 : memref<!tpu.dma_semaphore, #tpu.memory_space<semaphore_mem>>)
        %shift_right_logical3A_1823 = arith.constant 2 : i32
        %shift_right_logical3A_1824 = arith.shrui %add3A_1409, %shift_right_logical3A_1823 : i32
        %shift_left3A_1825 = arith.constant 4 : i32
        %shift_left3A_1826 = arith.shli %shift_right_logical3A_1824, %shift_left3A_1825 : i32
        %get3A_1827 = arith.index_cast %shift_left3A_1826 : i32 to index
        %get3A_1828 = tpu.vector_load %arg5[%get3A_1827] {strides = array<i32>} : memref<512xi32, #tpu.memory_space<vmem>>, vector<16xi32>,
        %and3A_1829 = arith.constant 3 : i32
        %and3A_1830 = arith.andi %add3A_1409, %and3A_1829 : i32
        %mul3A_1831 = arith.constant 4 : i32
        %mul3A_1832 = arith.muli %and3A_1830, %mul3A_1831 : i32
        %add3A_1833 = arith.constant 3 : i32
        %add3A_1834 = arith.addi %mul3A_1832, %add3A_1833 : i32
        %eq3A_1835 = vector.broadcast %add3A_1834 : i32 to vector<16xi32>
        %eq3A_1836 = arith.cmpi eq, %iota3A, %eq3A_1835 : vector<16xi32>
        %jit3A_1837 = arith.constant 0 : i32
        %broadcast_in_dim3A_1838 = vector.broadcast %jit3A_1837 : i32 to vector<16xi32>
        %select_n3A_1839 = arith.select %eq3A_1836, %get3A_1828, %broadcast_in_dim3A_1838 : vector<16xi1>, vector<16xi32>
        %reduce_sum3A_1840 = arith.constant true
        %reduce_sum3A_1841 = vector.broadcast %reduce_sum3A_1840 : i1 to vector<16xi1>
        %reduce_sum3A_1842 = tpu.scan <sum>, %select_n3A_1839 masked %reduce_sum3A_1841 : vector<16xi32>, vector<16xi1> -> vector<16xi32>
        %reduce_sum3A_1843 = vector.extract %reduce_sum3A_1842[15] : i32 from vector<16xi32>
        %shift_right_logical3A_1844 = arith.constant 7 : i32
        %shift_right_logical3A_1845 = arith.shrui %reduce_sum3A_1843, %shift_right_logical3A_1844 : i32
        %mul3A_1846 = arith.constant 128 : i32
        %mul3A_1847 = arith.muli %shift_right_logical3A_1845, %mul3A_1846 : i32
        %dma_start3A_1848 = arith.constant 3 : i32
        %dma_start3A_1849 = arith.constant 0 : i32
        %dma_start3A_1850 = arith.constant 0 : i32
        %dma_start3A_1851 = arith.constant 0 : i32
        %dma_start3A_1852 = tpu.memref_slice %arg6[%and3A_1411, %dma_start3A_1848, %dma_start3A_1849, %dma_start3A_1850, %dma_start3A_1851] : memref<2x4x8x8x128xf32, #tpu.memory_space<vmem>> -> memref<1x1x1x8x128xf32, #tpu.memory_space<vmem>>
        %dma_start3A_1853 = tpu.memref_squeeze %dma_start3A_1852 : memref<1x1x1x8x128xf32, #tpu.memory_space<vmem>> -> memref<8x128xf32, #tpu.memory_space<vmem>>
        %dma_start3A_1854 = arith.constant 0 : i32
        %dma_start3A_1855 = tpu.memref_slice %arg2[%dma_start3A_1854, %mul3A_1847] : memref<64x1000000xf32, #tpu.memory_space<hbm>> -> memref<8x128xf32, #tpu.memory_space<hbm>>
        %dma_start3A_1856 = arith.constant 0 : i32
        %dma_start3A_1857 = arith.constant 0 : i32
        %dma_start3A_1858 = tpu.memref_slice %arg6[%and3A_1411, %dma_start3A_1848, %dma_start3A_1849, %dma_start3A_1856, %dma_start3A_1857] : memref<2x4x8x8x128xf32, #tpu.memory_space<vmem>> -> memref<1x1x1x8x128xf32, #tpu.memory_space<vmem>>
        %dma_start3A_1859 = tpu.memref_squeeze %dma_start3A_1858 : memref<1x1x1x8x128xf32, #tpu.memory_space<vmem>> -> memref<8x128xf32, #tpu.memory_space<vmem>>
        %dma_start3A_1860 = arith.constant 0 : i32
        %dma_start3A_1861 = tpu.memref_slice %arg2[%dma_start3A_1860, %mul3A_1847] : memref<64x1000000xf32, #tpu.memory_space<hbm>> -> memref<8x128xf32, #tpu.memory_space<hbm>>
        tpu.enqueue_dma source(%dma_start3A_1861 : memref<8x128xf32, #tpu.memory_space<hbm>>) target(%dma_start3A_1859 : memref<8x128xf32, #tpu.memory_space<vmem>>) target_semaphore(%arg8 : memref<!tpu.dma_semaphore, #tpu.memory_space<semaphore_mem>>)
        %dma_start3A_1862 = arith.constant 3 : i32
        %dma_start3A_1863 = arith.constant 1 : i32
        %dma_start3A_1864 = arith.constant 0 : i32
        %dma_start3A_1865 = arith.constant 0 : i32
        %dma_start3A_1866 = tpu.memref_slice %arg6[%and3A_1411, %dma_start3A_1862, %dma_start3A_1863, %dma_start3A_1864, %dma_start3A_1865] : memref<2x4x8x8x128xf32, #tpu.memory_space<vmem>> -> memref<1x1x1x8x128xf32, #tpu.memory_space<vmem>>
        %dma_start3A_1867 = tpu.memref_squeeze %dma_start3A_1866 : memref<1x1x1x8x128xf32, #tpu.memory_space<vmem>> -> memref<8x128xf32, #tpu.memory_space<vmem>>
        %dma_start3A_1868 = arith.constant 8 : i32
        %dma_start3A_1869 = tpu.memref_slice %arg2[%dma_start3A_1868, %mul3A_1847] : memref<64x1000000xf32, #tpu.memory_space<hbm>> -> memref<8x128xf32, #tpu.memory_space<hbm>>
        %dma_start3A_1870 = arith.constant 0 : i32
        %dma_start3A_1871 = arith.constant 0 : i32
        %dma_start3A_1872 = tpu.memref_slice %arg6[%and3A_1411, %dma_start3A_1862, %dma_start3A_1863, %dma_start3A_1870, %dma_start3A_1871] : memref<2x4x8x8x128xf32, #tpu.memory_space<vmem>> -> memref<1x1x1x8x128xf32, #tpu.memory_space<vmem>>
        %dma_start3A_1873 = tpu.memref_squeeze %dma_start3A_1872 : memref<1x1x1x8x128xf32, #tpu.memory_space<vmem>> -> memref<8x128xf32, #tpu.memory_space<vmem>>
        %dma_start3A_1874 = arith.constant 8 : i32
        %dma_start3A_1875 = tpu.memref_slice %arg2[%dma_start3A_1874, %mul3A_1847] : memref<64x1000000xf32, #tpu.memory_space<hbm>> -> memref<8x128xf32, #tpu.memory_space<hbm>>
        tpu.enqueue_dma source(%dma_start3A_1875 : memref<8x128xf32, #tpu.memory_space<hbm>>) target(%dma_start3A_1873 : memref<8x128xf32, #tpu.memory_space<vmem>>) target_semaphore(%arg8 : memref<!tpu.dma_semaphore, #tpu.memory_space<semaphore_mem>>)
        %dma_start3A_1876 = arith.constant 3 : i32
        %dma_start3A_1877 = arith.constant 2 : i32
        %dma_start3A_1878 = arith.constant 0 : i32
        %dma_start3A_1879 = arith.constant 0 : i32
        %dma_start3A_1880 = tpu.memref_slice %arg6[%and3A_1411, %dma_start3A_1876, %dma_start3A_1877, %dma_start3A_1878, %dma_start3A_1879] : memref<2x4x8x8x128xf32, #tpu.memory_space<vmem>> -> memref<1x1x1x8x128xf32, #tpu.memory_space<vmem>>
        %dma_start3A_1881 = tpu.memref_squeeze %dma_start3A_1880 : memref<1x1x1x8x128xf32, #tpu.memory_space<vmem>> -> memref<8x128xf32, #tpu.memory_space<vmem>>
        %dma_start3A_1882 = arith.constant 16 : i32
        %dma_start3A_1883 = tpu.memref_slice %arg2[%dma_start3A_1882, %mul3A_1847] : memref<64x1000000xf32, #tpu.memory_space<hbm>> -> memref<8x128xf32, #tpu.memory_space<hbm>>
        %dma_start3A_1884 = arith.constant 0 : i32
        %dma_start3A_1885 = arith.constant 0 : i32
        %dma_start3A_1886 = tpu.memref_slice %arg6[%and3A_1411, %dma_start3A_1876, %dma_start3A_1877, %dma_start3A_1884, %dma_start3A_1885] : memref<2x4x8x8x128xf32, #tpu.memory_space<vmem>> -> memref<1x1x1x8x128xf32, #tpu.memory_space<vmem>>
        %dma_start3A_1887 = tpu.memref_squeeze %dma_start3A_1886 : memref<1x1x1x8x128xf32, #tpu.memory_space<vmem>> -> memref<8x128xf32, #tpu.memory_space<vmem>>
        %dma_start3A_1888 = arith.constant 16 : i32
        %dma_start3A_1889 = tpu.memref_slice %arg2[%dma_start3A_1888, %mul3A_1847] : memref<64x1000000xf32, #tpu.memory_space<hbm>> -> memref<8x128xf32, #tpu.memory_space<hbm>>
        tpu.enqueue_dma source(%dma_start3A_1889 : memref<8x128xf32, #tpu.memory_space<hbm>>) target(%dma_start3A_1887 : memref<8x128xf32, #tpu.memory_space<vmem>>) target_semaphore(%arg8 : memref<!tpu.dma_semaphore, #tpu.memory_space<semaphore_mem>>)
        %dma_start3A_1890 = arith.constant 3 : i32
        %dma_start3A_1891 = arith.constant 3 : i32
        %dma_start3A_1892 = arith.constant 0 : i32
        %dma_start3A_1893 = arith.constant 0 : i32
        %dma_start3A_1894 = tpu.memref_slice %arg6[%and3A_1411, %dma_start3A_1890, %dma_start3A_1891, %dma_start3A_1892, %dma_start3A_1893] : memref<2x4x8x8x128xf32, #tpu.memory_space<vmem>> -> memref<1x1x1x8x128xf32, #tpu.memory_space<vmem>>
        %dma_start3A_1895 = tpu.memref_squeeze %dma_start3A_1894 : memref<1x1x1x8x128xf32, #tpu.memory_space<vmem>> -> memref<8x128xf32, #tpu.memory_space<vmem>>
        %dma_start3A_1896 = arith.constant 24 : i32
        %dma_start3A_1897 = tpu.memref_slice %arg2[%dma_start3A_1896, %mul3A_1847] : memref<64x1000000xf32, #tpu.memory_space<hbm>> -> memref<8x128xf32, #tpu.memory_space<hbm>>
        %dma_start3A_1898 = arith.constant 0 : i32
        %dma_start3A_1899 = arith.constant 0 : i32
        %dma_start3A_1900 = tpu.memref_slice %arg6[%and3A_1411, %dma_start3A_1890, %dma_start3A_1891, %dma_start3A_1898, %dma_start3A_1899] : memref<2x4x8x8x128xf32, #tpu.memory_space<vmem>> -> memref<1x1x1x8x128xf32, #tpu.memory_space<vmem>>
        %dma_start3A_1901 = tpu.memref_squeeze %dma_start3A_1900 : memref<1x1x1x8x128xf32, #tpu.memory_space<vmem>> -> memref<8x128xf32, #tpu.memory_space<vmem>>
        %dma_start3A_1902 = arith.constant 24 : i32
        %dma_start3A_1903 = tpu.memref_slice %arg2[%dma_start3A_1902, %mul3A_1847] : memref<64x1000000xf32, #tpu.memory_space<hbm>> -> memref<8x128xf32, #tpu.memory_space<hbm>>
        tpu.enqueue_dma source(%dma_start3A_1903 : memref<8x128xf32, #tpu.memory_space<hbm>>) target(%dma_start3A_1901 : memref<8x128xf32, #tpu.memory_space<vmem>>) target_semaphore(%arg8 : memref<!tpu.dma_semaphore, #tpu.memory_space<semaphore_mem>>)
        %dma_start3A_1904 = arith.constant 3 : i32
        %dma_start3A_1905 = arith.constant 4 : i32
        %dma_start3A_1906 = arith.constant 0 : i32
        %dma_start3A_1907 = arith.constant 0 : i32
        %dma_start3A_1908 = tpu.memref_slice %arg6[%and3A_1411, %dma_start3A_1904, %dma_start3A_1905, %dma_start3A_1906, %dma_start3A_1907] : memref<2x4x8x8x128xf32, #tpu.memory_space<vmem>> -> memref<1x1x1x8x128xf32, #tpu.memory_space<vmem>>
        %dma_start3A_1909 = tpu.memref_squeeze %dma_start3A_1908 : memref<1x1x1x8x128xf32, #tpu.memory_space<vmem>> -> memref<8x128xf32, #tpu.memory_space<vmem>>
        %dma_start3A_1910 = arith.constant 32 : i32
        %dma_start3A_1911 = tpu.memref_slice %arg2[%dma_start3A_1910, %mul3A_1847] : memref<64x1000000xf32, #tpu.memory_space<hbm>> -> memref<8x128xf32, #tpu.memory_space<hbm>>
        %dma_start3A_1912 = arith.constant 0 : i32
        %dma_start3A_1913 = arith.constant 0 : i32
        %dma_start3A_1914 = tpu.memref_slice %arg6[%and3A_1411, %dma_start3A_1904, %dma_start3A_1905, %dma_start3A_1912, %dma_start3A_1913] : memref<2x4x8x8x128xf32, #tpu.memory_space<vmem>> -> memref<1x1x1x8x128xf32, #tpu.memory_space<vmem>>
        %dma_start3A_1915 = tpu.memref_squeeze %dma_start3A_1914 : memref<1x1x1x8x128xf32, #tpu.memory_space<vmem>> -> memref<8x128xf32, #tpu.memory_space<vmem>>
        %dma_start3A_1916 = arith.constant 32 : i32
        %dma_start3A_1917 = tpu.memref_slice %arg2[%dma_start3A_1916, %mul3A_1847] : memref<64x1000000xf32, #tpu.memory_space<hbm>> -> memref<8x128xf32, #tpu.memory_space<hbm>>
        tpu.enqueue_dma source(%dma_start3A_1917 : memref<8x128xf32, #tpu.memory_space<hbm>>) target(%dma_start3A_1915 : memref<8x128xf32, #tpu.memory_space<vmem>>) target_semaphore(%arg8 : memref<!tpu.dma_semaphore, #tpu.memory_space<semaphore_mem>>)
        %dma_start3A_1918 = arith.constant 3 : i32
        %dma_start3A_1919 = arith.constant 5 : i32
        %dma_start3A_1920 = arith.constant 0 : i32
        %dma_start3A_1921 = arith.constant 0 : i32
        %dma_start3A_1922 = tpu.memref_slice %arg6[%and3A_1411, %dma_start3A_1918, %dma_start3A_1919, %dma_start3A_1920, %dma_start3A_1921] : memref<2x4x8x8x128xf32, #tpu.memory_space<vmem>> -> memref<1x1x1x8x128xf32, #tpu.memory_space<vmem>>
        %dma_start3A_1923 = tpu.memref_squeeze %dma_start3A_1922 : memref<1x1x1x8x128xf32, #tpu.memory_space<vmem>> -> memref<8x128xf32, #tpu.memory_space<vmem>>
        %dma_start3A_1924 = arith.constant 40 : i32
        %dma_start3A_1925 = tpu.memref_slice %arg2[%dma_start3A_1924, %mul3A_1847] : memref<64x1000000xf32, #tpu.memory_space<hbm>> -> memref<8x128xf32, #tpu.memory_space<hbm>>
        %dma_start3A_1926 = arith.constant 0 : i32
        %dma_start3A_1927 = arith.constant 0 : i32
        %dma_start3A_1928 = tpu.memref_slice %arg6[%and3A_1411, %dma_start3A_1918, %dma_start3A_1919, %dma_start3A_1926, %dma_start3A_1927] : memref<2x4x8x8x128xf32, #tpu.memory_space<vmem>> -> memref<1x1x1x8x128xf32, #tpu.memory_space<vmem>>
        %dma_start3A_1929 = tpu.memref_squeeze %dma_start3A_1928 : memref<1x1x1x8x128xf32, #tpu.memory_space<vmem>> -> memref<8x128xf32, #tpu.memory_space<vmem>>
        %dma_start3A_1930 = arith.constant 40 : i32
        %dma_start3A_1931 = tpu.memref_slice %arg2[%dma_start3A_1930, %mul3A_1847] : memref<64x1000000xf32, #tpu.memory_space<hbm>> -> memref<8x128xf32, #tpu.memory_space<hbm>>
        tpu.enqueue_dma source(%dma_start3A_1931 : memref<8x128xf32, #tpu.memory_space<hbm>>) target(%dma_start3A_1929 : memref<8x128xf32, #tpu.memory_space<vmem>>) target_semaphore(%arg8 : memref<!tpu.dma_semaphore, #tpu.memory_space<semaphore_mem>>)
        %dma_start3A_1932 = arith.constant 3 : i32
        %dma_start3A_1933 = arith.constant 6 : i32
        %dma_start3A_1934 = arith.constant 0 : i32
        %dma_start3A_1935 = arith.constant 0 : i32
        %dma_start3A_1936 = tpu.memref_slice %arg6[%and3A_1411, %dma_start3A_1932, %dma_start3A_1933, %dma_start3A_1934, %dma_start3A_1935] : memref<2x4x8x8x128xf32, #tpu.memory_space<vmem>> -> memref<1x1x1x8x128xf32, #tpu.memory_space<vmem>>
        %dma_start3A_1937 = tpu.memref_squeeze %dma_start3A_1936 : memref<1x1x1x8x128xf32, #tpu.memory_space<vmem>> -> memref<8x128xf32, #tpu.memory_space<vmem>>
        %dma_start3A_1938 = arith.constant 48 : i32
        %dma_start3A_1939 = tpu.memref_slice %arg2[%dma_start3A_1938, %mul3A_1847] : memref<64x1000000xf32, #tpu.memory_space<hbm>> -> memref<8x128xf32, #tpu.memory_space<hbm>>
        %dma_start3A_1940 = arith.constant 0 : i32
        %dma_start3A_1941 = arith.constant 0 : i32
        %dma_start3A_1942 = tpu.memref_slice %arg6[%and3A_1411, %dma_start3A_1932, %dma_start3A_1933, %dma_start3A_1940, %dma_start3A_1941] : memref<2x4x8x8x128xf32, #tpu.memory_space<vmem>> -> memref<1x1x1x8x128xf32, #tpu.memory_space<vmem>>
        %dma_start3A_1943 = tpu.memref_squeeze %dma_start3A_1942 : memref<1x1x1x8x128xf32, #tpu.memory_space<vmem>> -> memref<8x128xf32, #tpu.memory_space<vmem>>
        %dma_start3A_1944 = arith.constant 48 : i32
        %dma_start3A_1945 = tpu.memref_slice %arg2[%dma_start3A_1944, %mul3A_1847] : memref<64x1000000xf32, #tpu.memory_space<hbm>> -> memref<8x128xf32, #tpu.memory_space<hbm>>
        tpu.enqueue_dma source(%dma_start3A_1945 : memref<8x128xf32, #tpu.memory_space<hbm>>) target(%dma_start3A_1943 : memref<8x128xf32, #tpu.memory_space<vmem>>) target_semaphore(%arg8 : memref<!tpu.dma_semaphore, #tpu.memory_space<semaphore_mem>>)
        %dma_start3A_1946 = arith.constant 3 : i32
        %dma_start3A_1947 = arith.constant 7 : i32
        %dma_start3A_1948 = arith.constant 0 : i32
        %dma_start3A_1949 = arith.constant 0 : i32
        %dma_start3A_1950 = tpu.memref_slice %arg6[%and3A_1411, %dma_start3A_1946, %dma_start3A_1947, %dma_start3A_1948, %dma_start3A_1949] : memref<2x4x8x8x128xf32, #tpu.memory_space<vmem>> -> memref<1x1x1x8x128xf32, #tpu.memory_space<vmem>>
        %dma_start3A_1951 = tpu.memref_squeeze %dma_start3A_1950 : memref<1x1x1x8x128xf32, #tpu.memory_space<vmem>> -> memref<8x128xf32, #tpu.memory_space<vmem>>
        %dma_start3A_1952 = arith.constant 56 : i32
        %dma_start3A_1953 = tpu.memref_slice %arg2[%dma_start3A_1952, %mul3A_1847] : memref<64x1000000xf32, #tpu.memory_space<hbm>> -> memref<8x128xf32, #tpu.memory_space<hbm>>
        %dma_start3A_1954 = arith.constant 0 : i32
        %dma_start3A_1955 = arith.constant 0 : i32
        %dma_start3A_1956 = tpu.memref_slice %arg6[%and3A_1411, %dma_start3A_1946, %dma_start3A_1947, %dma_start3A_1954, %dma_start3A_1955] : memref<2x4x8x8x128xf32, #tpu.memory_space<vmem>> -> memref<1x1x1x8x128xf32, #tpu.memory_space<vmem>>
        %dma_start3A_1957 = tpu.memref_squeeze %dma_start3A_1956 : memref<1x1x1x8x128xf32, #tpu.memory_space<vmem>> -> memref<8x128xf32, #tpu.memory_space<vmem>>
        %dma_start3A_1958 = arith.constant 56 : i32
        %dma_start3A_1959 = tpu.memref_slice %arg2[%dma_start3A_1958, %mul3A_1847] : memref<64x1000000xf32, #tpu.memory_space<hbm>> -> memref<8x128xf32, #tpu.memory_space<hbm>>
        tpu.enqueue_dma source(%dma_start3A_1959 : memref<8x128xf32, #tpu.memory_space<hbm>>) target(%dma_start3A_1957 : memref<8x128xf32, #tpu.memory_space<vmem>>) target_semaphore(%arg8 : memref<!tpu.dma_semaphore, #tpu.memory_space<semaphore_mem>>)
      } else {
      }
      %and3A_562 = arith.constant 1 : i32
      %and3A_563 = arith.andi %scan3A_557, %and3A_562 : i32
      %dma_wait3A = arith.constant 0 : i32
      %dma_wait3A_564 = arith.constant 0 : i32
      %dma_wait3A_565 = arith.constant 0 : i32
      %dma_wait3A_566 = arith.constant 0 : i32
      %dma_wait3A_567 = tpu.memref_slice %arg6[%and3A_563, %dma_wait3A, %dma_wait3A_564, %dma_wait3A_565, %dma_wait3A_566] : memref<2x4x8x8x128xf32, #tpu.memory_space<vmem>> -> memref<1x1x1x8x128xf32, #tpu.memory_space<vmem>>
      %dma_wait3A_568 = tpu.memref_squeeze %dma_wait3A_567 : memref<1x1x1x8x128xf32, #tpu.memory_space<vmem>> -> memref<8x128xf32, #tpu.memory_space<vmem>>
      %dma_wait3A_569 = arith.constant 0 : i32
      %dma_wait3A_570 = arith.constant 0 : i32
      %dma_wait3A_571 = tpu.memref_slice %arg2[%dma_wait3A_569, %dma_wait3A_570] : memref<64x1000000xf32, #tpu.memory_space<hbm>> -> memref<8x128xf32, #tpu.memory_space<hbm>>
      %dma_wait3A_572 = arith.constant 0 : i32
      %dma_wait3A_573 = arith.constant 0 : i32
      %dma_wait3A_574 = tpu.memref_slice %arg6[%and3A_563, %dma_wait3A, %dma_wait3A_564, %dma_wait3A_572, %dma_wait3A_573] : memref<2x4x8x8x128xf32, #tpu.memory_space<vmem>> -> memref<1x1x1x8x128xf32, #tpu.memory_space<vmem>>
      %dma_wait3A_575 = tpu.memref_squeeze %dma_wait3A_574 : memref<1x1x1x8x128xf32, #tpu.memory_space<vmem>> -> memref<8x128xf32, #tpu.memory_space<vmem>>
      %dma_wait3A_576 = arith.constant 0 : i32
      %dma_wait3A_577 = arith.constant 0 : i32
      %dma_wait3A_578 = tpu.memref_slice %arg2[%dma_wait3A_576, %dma_wait3A_577] : memref<64x1000000xf32, #tpu.memory_space<hbm>> -> memref<8x128xf32, #tpu.memory_space<hbm>>
      tpu.wait_dma2 semaphore(%arg8 : memref<!tpu.dma_semaphore, #tpu.memory_space<semaphore_mem>>) src(%dma_wait3A_578 : memref<8x128xf32, #tpu.memory_space<hbm>>) dst(%dma_wait3A_575 : memref<8x128xf32, #tpu.memory_space<vmem>>)
      %dma_wait3A_579 = arith.constant 0 : i32
      %dma_wait3A_580 = arith.constant 1 : i32
      %dma_wait3A_581 = arith.constant 0 : i32
      %dma_wait3A_582 = arith.constant 0 : i32
      %dma_wait3A_583 = tpu.memref_slice %arg6[%and3A_563, %dma_wait3A_579, %dma_wait3A_580, %dma_wait3A_581, %dma_wait3A_582] : memref<2x4x8x8x128xf32, #tpu.memory_space<vmem>> -> memref<1x1x1x8x128xf32, #tpu.memory_space<vmem>>
      %dma_wait3A_584 = tpu.memref_squeeze %dma_wait3A_583 : memref<1x1x1x8x128xf32, #tpu.memory_space<vmem>> -> memref<8x128xf32, #tpu.memory_space<vmem>>
      %dma_wait3A_585 = arith.constant 0 : i32
      %dma_wait3A_586 = arith.constant 0 : i32
      %dma_wait3A_587 = tpu.memref_slice %arg2[%dma_wait3A_585, %dma_wait3A_586] : memref<64x1000000xf32, #tpu.memory_space<hbm>> -> memref<8x128xf32, #tpu.memory_space<hbm>>
      %dma_wait3A_588 = arith.constant 0 : i32
      %dma_wait3A_589 = arith.constant 0 : i32
      %dma_wait3A_590 = tpu.memref_slice %arg6[%and3A_563, %dma_wait3A_579, %dma_wait3A_580, %dma_wait3A_588, %dma_wait3A_589] : memref<2x4x8x8x128xf32, #tpu.memory_space<vmem>> -> memref<1x1x1x8x128xf32, #tpu.memory_space<vmem>>
      %dma_wait3A_591 = tpu.memref_squeeze %dma_wait3A_590 : memref<1x1x1x8x128xf32, #tpu.memory_space<vmem>> -> memref<8x128xf32, #tpu.memory_space<vmem>>
      %dma_wait3A_592 = arith.constant 0 : i32
      %dma_wait3A_593 = arith.constant 0 : i32
      %dma_wait3A_594 = tpu.memref_slice %arg2[%dma_wait3A_592, %dma_wait3A_593] : memref<64x1000000xf32, #tpu.memory_space<hbm>> -> memref<8x128xf32, #tpu.memory_space<hbm>>
      tpu.wait_dma2 semaphore(%arg8 : memref<!tpu.dma_semaphore, #tpu.memory_space<semaphore_mem>>) src(%dma_wait3A_594 : memref<8x128xf32, #tpu.memory_space<hbm>>) dst(%dma_wait3A_591 : memref<8x128xf32, #tpu.memory_space<vmem>>)
      %dma_wait3A_595 = arith.constant 0 : i32
      %dma_wait3A_596 = arith.constant 2 : i32
      %dma_wait3A_597 = arith.constant 0 : i32
      %dma_wait3A_598 = arith.constant 0 : i32
      %dma_wait3A_599 = tpu.memref_slice %arg6[%and3A_563, %dma_wait3A_595, %dma_wait3A_596, %dma_wait3A_597, %dma_wait3A_598] : memref<2x4x8x8x128xf32, #tpu.memory_space<vmem>> -> memref<1x1x1x8x128xf32, #tpu.memory_space<vmem>>
      %dma_wait3A_600 = tpu.memref_squeeze %dma_wait3A_599 : memref<1x1x1x8x128xf32, #tpu.memory_space<vmem>> -> memref<8x128xf32, #tpu.memory_space<vmem>>
      %dma_wait3A_601 = arith.constant 0 : i32
      %dma_wait3A_602 = arith.constant 0 : i32
      %dma_wait3A_603 = tpu.memref_slice %arg2[%dma_wait3A_601, %dma_wait3A_602] : memref<64x1000000xf32, #tpu.memory_space<hbm>> -> memref<8x128xf32, #tpu.memory_space<hbm>>
      %dma_wait3A_604 = arith.constant 0 : i32
      %dma_wait3A_605 = arith.constant 0 : i32
      %dma_wait3A_606 = tpu.memref_slice %arg6[%and3A_563, %dma_wait3A_595, %dma_wait3A_596, %dma_wait3A_604, %dma_wait3A_605] : memref<2x4x8x8x128xf32, #tpu.memory_space<vmem>> -> memref<1x1x1x8x128xf32, #tpu.memory_space<vmem>>
      %dma_wait3A_607 = tpu.memref_squeeze %dma_wait3A_606 : memref<1x1x1x8x128xf32, #tpu.memory_space<vmem>> -> memref<8x128xf32, #tpu.memory_space<vmem>>
      %dma_wait3A_608 = arith.constant 0 : i32
      %dma_wait3A_609 = arith.constant 0 : i32
      %dma_wait3A_610 = tpu.memref_slice %arg2[%dma_wait3A_608, %dma_wait3A_609] : memref<64x1000000xf32, #tpu.memory_space<hbm>> -> memref<8x128xf32, #tpu.memory_space<hbm>>
      tpu.wait_dma2 semaphore(%arg8 : memref<!tpu.dma_semaphore, #tpu.memory_space<semaphore_mem>>) src(%dma_wait3A_610 : memref<8x128xf32, #tpu.memory_space<hbm>>) dst(%dma_wait3A_607 : memref<8x128xf32, #tpu.memory_space<vmem>>)
      %dma_wait3A_611 = arith.constant 0 : i32
      %dma_wait3A_612 = arith.constant 3 : i32
      %dma_wait3A_613 = arith.constant 0 : i32
      %dma_wait3A_614 = arith.constant 0 : i32
      %dma_wait3A_615 = tpu.memref_slice %arg6[%and3A_563, %dma_wait3A_611, %dma_wait3A_612, %dma_wait3A_613, %dma_wait3A_614] : memref<2x4x8x8x128xf32, #tpu.memory_space<vmem>> -> memref<1x1x1x8x128xf32, #tpu.memory_space<vmem>>
      %dma_wait3A_616 = tpu.memref_squeeze %dma_wait3A_615 : memref<1x1x1x8x128xf32, #tpu.memory_space<vmem>> -> memref<8x128xf32, #tpu.memory_space<vmem>>
      %dma_wait3A_617 = arith.constant 0 : i32
      %dma_wait3A_618 = arith.constant 0 : i32
      %dma_wait3A_619 = tpu.memref_slice %arg2[%dma_wait3A_617, %dma_wait3A_618] : memref<64x1000000xf32, #tpu.memory_space<hbm>> -> memref<8x128xf32, #tpu.memory_space<hbm>>
      %dma_wait3A_620 = arith.constant 0 : i32
      %dma_wait3A_621 = arith.constant 0 : i32
      %dma_wait3A_622 = tpu.memref_slice %arg6[%and3A_563, %dma_wait3A_611, %dma_wait3A_612, %dma_wait3A_620, %dma_wait3A_621] : memref<2x4x8x8x128xf32, #tpu.memory_space<vmem>> -> memref<1x1x1x8x128xf32, #tpu.memory_space<vmem>>
      %dma_wait3A_623 = tpu.memref_squeeze %dma_wait3A_622 : memref<1x1x1x8x128xf32, #tpu.memory_space<vmem>> -> memref<8x128xf32, #tpu.memory_space<vmem>>
      %dma_wait3A_624 = arith.constant 0 : i32
      %dma_wait3A_625 = arith.constant 0 : i32
      %dma_wait3A_626 = tpu.memref_slice %arg2[%dma_wait3A_624, %dma_wait3A_625] : memref<64x1000000xf32, #tpu.memory_space<hbm>> -> memref<8x128xf32, #tpu.memory_space<hbm>>
      tpu.wait_dma2 semaphore(%arg8 : memref<!tpu.dma_semaphore, #tpu.memory_space<semaphore_mem>>) src(%dma_wait3A_626 : memref<8x128xf32, #tpu.memory_space<hbm>>) dst(%dma_wait3A_623 : memref<8x128xf32, #tpu.memory_space<vmem>>)
      %dma_wait3A_627 = arith.constant 0 : i32
      %dma_wait3A_628 = arith.constant 4 : i32
      %dma_wait3A_629 = arith.constant 0 : i32
      %dma_wait3A_630 = arith.constant 0 : i32
      %dma_wait3A_631 = tpu.memref_slice %arg6[%and3A_563, %dma_wait3A_627, %dma_wait3A_628, %dma_wait3A_629, %dma_wait3A_630] : memref<2x4x8x8x128xf32, #tpu.memory_space<vmem>> -> memref<1x1x1x8x128xf32, #tpu.memory_space<vmem>>
      %dma_wait3A_632 = tpu.memref_squeeze %dma_wait3A_631 : memref<1x1x1x8x128xf32, #tpu.memory_space<vmem>> -> memref<8x128xf32, #tpu.memory_space<vmem>>
      %dma_wait3A_633 = arith.constant 0 : i32
      %dma_wait3A_634 = arith.constant 0 : i32
      %dma_wait3A_635 = tpu.memref_slice %arg2[%dma_wait3A_633, %dma_wait3A_634] : memref<64x1000000xf32, #tpu.memory_space<hbm>> -> memref<8x128xf32, #tpu.memory_space<hbm>>
      %dma_wait3A_636 = arith.constant 0 : i32
      %dma_wait3A_637 = arith.constant 0 : i32
      %dma_wait3A_638 = tpu.memref_slice %arg6[%and3A_563, %dma_wait3A_627, %dma_wait3A_628, %dma_wait3A_636, %dma_wait3A_637] : memref<2x4x8x8x128xf32, #tpu.memory_space<vmem>> -> memref<1x1x1x8x128xf32, #tpu.memory_space<vmem>>
      %dma_wait3A_639 = tpu.memref_squeeze %dma_wait3A_638 : memref<1x1x1x8x128xf32, #tpu.memory_space<vmem>> -> memref<8x128xf32, #tpu.memory_space<vmem>>
      %dma_wait3A_640 = arith.constant 0 : i32
      %dma_wait3A_641 = arith.constant 0 : i32
      %dma_wait3A_642 = tpu.memref_slice %arg2[%dma_wait3A_640, %dma_wait3A_641] : memref<64x1000000xf32, #tpu.memory_space<hbm>> -> memref<8x128xf32, #tpu.memory_space<hbm>>
      tpu.wait_dma2 semaphore(%arg8 : memref<!tpu.dma_semaphore, #tpu.memory_space<semaphore_mem>>) src(%dma_wait3A_642 : memref<8x128xf32, #tpu.memory_space<hbm>>) dst(%dma_wait3A_639 : memref<8x128xf32, #tpu.memory_space<vmem>>)
      %dma_wait3A_643 = arith.constant 0 : i32
      %dma_wait3A_644 = arith.constant 5 : i32
      %dma_wait3A_645 = arith.constant 0 : i32
      %dma_wait3A_646 = arith.constant 0 : i32
      %dma_wait3A_647 = tpu.memref_slice %arg6[%and3A_563, %dma_wait3A_643, %dma_wait3A_644, %dma_wait3A_645, %dma_wait3A_646] : memref<2x4x8x8x128xf32, #tpu.memory_space<vmem>> -> memref<1x1x1x8x128xf32, #tpu.memory_space<vmem>>
      %dma_wait3A_648 = tpu.memref_squeeze %dma_wait3A_647 : memref<1x1x1x8x128xf32, #tpu.memory_space<vmem>> -> memref<8x128xf32, #tpu.memory_space<vmem>>
      %dma_wait3A_649 = arith.constant 0 : i32
      %dma_wait3A_650 = arith.constant 0 : i32
      %dma_wait3A_651 = tpu.memref_slice %arg2[%dma_wait3A_649, %dma_wait3A_650] : memref<64x1000000xf32, #tpu.memory_space<hbm>> -> memref<8x128xf32, #tpu.memory_space<hbm>>
      %dma_wait3A_652 = arith.constant 0 : i32
      %dma_wait3A_653 = arith.constant 0 : i32
      %dma_wait3A_654 = tpu.memref_slice %arg6[%and3A_563, %dma_wait3A_643, %dma_wait3A_644, %dma_wait3A_652, %dma_wait3A_653] : memref<2x4x8x8x128xf32, #tpu.memory_space<vmem>> -> memref<1x1x1x8x128xf32, #tpu.memory_space<vmem>>
      %dma_wait3A_655 = tpu.memref_squeeze %dma_wait3A_654 : memref<1x1x1x8x128xf32, #tpu.memory_space<vmem>> -> memref<8x128xf32, #tpu.memory_space<vmem>>
      %dma_wait3A_656 = arith.constant 0 : i32
      %dma_wait3A_657 = arith.constant 0 : i32
      %dma_wait3A_658 = tpu.memref_slice %arg2[%dma_wait3A_656, %dma_wait3A_657] : memref<64x1000000xf32, #tpu.memory_space<hbm>> -> memref<8x128xf32, #tpu.memory_space<hbm>>
      tpu.wait_dma2 semaphore(%arg8 : memref<!tpu.dma_semaphore, #tpu.memory_space<semaphore_mem>>) src(%dma_wait3A_658 : memref<8x128xf32, #tpu.memory_space<hbm>>) dst(%dma_wait3A_655 : memref<8x128xf32, #tpu.memory_space<vmem>>)
      %dma_wait3A_659 = arith.constant 0 : i32
      %dma_wait3A_660 = arith.constant 6 : i32
      %dma_wait3A_661 = arith.constant 0 : i32
      %dma_wait3A_662 = arith.constant 0 : i32
      %dma_wait3A_663 = tpu.memref_slice %arg6[%and3A_563, %dma_wait3A_659, %dma_wait3A_660, %dma_wait3A_661, %dma_wait3A_662] : memref<2x4x8x8x128xf32, #tpu.memory_space<vmem>> -> memref<1x1x1x8x128xf32, #tpu.memory_space<vmem>>
      %dma_wait3A_664 = tpu.memref_squeeze %dma_wait3A_663 : memref<1x1x1x8x128xf32, #tpu.memory_space<vmem>> -> memref<8x128xf32, #tpu.memory_space<vmem>>
      %dma_wait3A_665 = arith.constant 0 : i32
      %dma_wait3A_666 = arith.constant 0 : i32
      %dma_wait3A_667 = tpu.memref_slice %arg2[%dma_wait3A_665, %dma_wait3A_666] : memref<64x1000000xf32, #tpu.memory_space<hbm>> -> memref<8x128xf32, #tpu.memory_space<hbm>>
      %dma_wait3A_668 = arith.constant 0 : i32
      %dma_wait3A_669 = arith.constant 0 : i32
      %dma_wait3A_670 = tpu.memref_slice %arg6[%and3A_563, %dma_wait3A_659, %dma_wait3A_660, %dma_wait3A_668, %dma_wait3A_669] : memref<2x4x8x8x128xf32, #tpu.memory_space<vmem>> -> memref<1x1x1x8x128xf32, #tpu.memory_space<vmem>>
      %dma_wait3A_671 = tpu.memref_squeeze %dma_wait3A_670 : memref<1x1x1x8x128xf32, #tpu.memory_space<vmem>> -> memref<8x128xf32, #tpu.memory_space<vmem>>
      %dma_wait3A_672 = arith.constant 0 : i32
      %dma_wait3A_673 = arith.constant 0 : i32
      %dma_wait3A_674 = tpu.memref_slice %arg2[%dma_wait3A_672, %dma_wait3A_673] : memref<64x1000000xf32, #tpu.memory_space<hbm>> -> memref<8x128xf32, #tpu.memory_space<hbm>>
      tpu.wait_dma2 semaphore(%arg8 : memref<!tpu.dma_semaphore, #tpu.memory_space<semaphore_mem>>) src(%dma_wait3A_674 : memref<8x128xf32, #tpu.memory_space<hbm>>) dst(%dma_wait3A_671 : memref<8x128xf32, #tpu.memory_space<vmem>>)
      %dma_wait3A_675 = arith.constant 0 : i32
      %dma_wait3A_676 = arith.constant 7 : i32
      %dma_wait3A_677 = arith.constant 0 : i32
      %dma_wait3A_678 = arith.constant 0 : i32
      %dma_wait3A_679 = tpu.memref_slice %arg6[%and3A_563, %dma_wait3A_675, %dma_wait3A_676, %dma_wait3A_677, %dma_wait3A_678] : memref<2x4x8x8x128xf32, #tpu.memory_space<vmem>> -> memref<1x1x1x8x128xf32, #tpu.memory_space<vmem>>
      %dma_wait3A_680 = tpu.memref_squeeze %dma_wait3A_679 : memref<1x1x1x8x128xf32, #tpu.memory_space<vmem>> -> memref<8x128xf32, #tpu.memory_space<vmem>>
      %dma_wait3A_681 = arith.constant 0 : i32
      %dma_wait3A_682 = arith.constant 0 : i32
      %dma_wait3A_683 = tpu.memref_slice %arg2[%dma_wait3A_681, %dma_wait3A_682] : memref<64x1000000xf32, #tpu.memory_space<hbm>> -> memref<8x128xf32, #tpu.memory_space<hbm>>
      %dma_wait3A_684 = arith.constant 0 : i32
      %dma_wait3A_685 = arith.constant 0 : i32
      %dma_wait3A_686 = tpu.memref_slice %arg6[%and3A_563, %dma_wait3A_675, %dma_wait3A_676, %dma_wait3A_684, %dma_wait3A_685] : memref<2x4x8x8x128xf32, #tpu.memory_space<vmem>> -> memref<1x1x1x8x128xf32, #tpu.memory_space<vmem>>
      %dma_wait3A_687 = tpu.memref_squeeze %dma_wait3A_686 : memref<1x1x1x8x128xf32, #tpu.memory_space<vmem>> -> memref<8x128xf32, #tpu.memory_space<vmem>>
      %dma_wait3A_688 = arith.constant 0 : i32
      %dma_wait3A_689 = arith.constant 0 : i32
      %dma_wait3A_690 = tpu.memref_slice %arg2[%dma_wait3A_688, %dma_wait3A_689] : memref<64x1000000xf32, #tpu.memory_space<hbm>> -> memref<8x128xf32, #tpu.memory_space<hbm>>
      tpu.wait_dma2 semaphore(%arg8 : memref<!tpu.dma_semaphore, #tpu.memory_space<semaphore_mem>>) src(%dma_wait3A_690 : memref<8x128xf32, #tpu.memory_space<hbm>>) dst(%dma_wait3A_687 : memref<8x128xf32, #tpu.memory_space<vmem>>)
      %dma_wait3A_691 = arith.constant 1 : i32
      %dma_wait3A_692 = arith.constant 0 : i32
      %dma_wait3A_693 = arith.constant 0 : i32
      %dma_wait3A_694 = arith.constant 0 : i32
      %dma_wait3A_695 = tpu.memref_slice %arg6[%and3A_563, %dma_wait3A_691, %dma_wait3A_692, %dma_wait3A_693, %dma_wait3A_694] : memref<2x4x8x8x128xf32, #tpu.memory_space<vmem>> -> memref<1x1x1x8x128xf32, #tpu.memory_space<vmem>>
      %dma_wait3A_696 = tpu.memref_squeeze %dma_wait3A_695 : memref<1x1x1x8x128xf32, #tpu.memory_space<vmem>> -> memref<8x128xf32, #tpu.memory_space<vmem>>
      %dma_wait3A_697 = arith.constant 0 : i32
      %dma_wait3A_698 = arith.constant 0 : i32
      %dma_wait3A_699 = tpu.memref_slice %arg2[%dma_wait3A_697, %dma_wait3A_698] : memref<64x1000000xf32, #tpu.memory_space<hbm>> -> memref<8x128xf32, #tpu.memory_space<hbm>>
      %dma_wait3A_700 = arith.constant 0 : i32
      %dma_wait3A_701 = arith.constant 0 : i32
      %dma_wait3A_702 = tpu.memref_slice %arg6[%and3A_563, %dma_wait3A_691, %dma_wait3A_692, %dma_wait3A_700, %dma_wait3A_701] : memref<2x4x8x8x128xf32, #tpu.memory_space<vmem>> -> memref<1x1x1x8x128xf32, #tpu.memory_space<vmem>>
      %dma_wait3A_703 = tpu.memref_squeeze %dma_wait3A_702 : memref<1x1x1x8x128xf32, #tpu.memory_space<vmem>> -> memref<8x128xf32, #tpu.memory_space<vmem>>
      %dma_wait3A_704 = arith.constant 0 : i32
      %dma_wait3A_705 = arith.constant 0 : i32
      %dma_wait3A_706 = tpu.memref_slice %arg2[%dma_wait3A_704, %dma_wait3A_705] : memref<64x1000000xf32, #tpu.memory_space<hbm>> -> memref<8x128xf32, #tpu.memory_space<hbm>>
      tpu.wait_dma2 semaphore(%arg8 : memref<!tpu.dma_semaphore, #tpu.memory_space<semaphore_mem>>) src(%dma_wait3A_706 : memref<8x128xf32, #tpu.memory_space<hbm>>) dst(%dma_wait3A_703 : memref<8x128xf32, #tpu.memory_space<vmem>>)
      %dma_wait3A_707 = arith.constant 1 : i32
      %dma_wait3A_708 = arith.constant 1 : i32
      %dma_wait3A_709 = arith.constant 0 : i32
      %dma_wait3A_710 = arith.constant 0 : i32
      %dma_wait3A_711 = tpu.memref_slice %arg6[%and3A_563, %dma_wait3A_707, %dma_wait3A_708, %dma_wait3A_709, %dma_wait3A_710] : memref<2x4x8x8x128xf32, #tpu.memory_space<vmem>> -> memref<1x1x1x8x128xf32, #tpu.memory_space<vmem>>
      %dma_wait3A_712 = tpu.memref_squeeze %dma_wait3A_711 : memref<1x1x1x8x128xf32, #tpu.memory_space<vmem>> -> memref<8x128xf32, #tpu.memory_space<vmem>>
      %dma_wait3A_713 = arith.constant 0 : i32
      %dma_wait3A_714 = arith.constant 0 : i32
      %dma_wait3A_715 = tpu.memref_slice %arg2[%dma_wait3A_713, %dma_wait3A_714] : memref<64x1000000xf32, #tpu.memory_space<hbm>> -> memref<8x128xf32, #tpu.memory_space<hbm>>
      %dma_wait3A_716 = arith.constant 0 : i32
      %dma_wait3A_717 = arith.constant 0 : i32
      %dma_wait3A_718 = tpu.memref_slice %arg6[%and3A_563, %dma_wait3A_707, %dma_wait3A_708, %dma_wait3A_716, %dma_wait3A_717] : memref<2x4x8x8x128xf32, #tpu.memory_space<vmem>> -> memref<1x1x1x8x128xf32, #tpu.memory_space<vmem>>
      %dma_wait3A_719 = tpu.memref_squeeze %dma_wait3A_718 : memref<1x1x1x8x128xf32, #tpu.memory_space<vmem>> -> memref<8x128xf32, #tpu.memory_space<vmem>>
      %dma_wait3A_720 = arith.constant 0 : i32
      %dma_wait3A_721 = arith.constant 0 : i32
      %dma_wait3A_722 = tpu.memref_slice %arg2[%dma_wait3A_720, %dma_wait3A_721] : memref<64x1000000xf32, #tpu.memory_space<hbm>> -> memref<8x128xf32, #tpu.memory_space<hbm>>
      tpu.wait_dma2 semaphore(%arg8 : memref<!tpu.dma_semaphore, #tpu.memory_space<semaphore_mem>>) src(%dma_wait3A_722 : memref<8x128xf32, #tpu.memory_space<hbm>>) dst(%dma_wait3A_719 : memref<8x128xf32, #tpu.memory_space<vmem>>)
      %dma_wait3A_723 = arith.constant 1 : i32
      %dma_wait3A_724 = arith.constant 2 : i32
      %dma_wait3A_725 = arith.constant 0 : i32
      %dma_wait3A_726 = arith.constant 0 : i32
      %dma_wait3A_727 = tpu.memref_slice %arg6[%and3A_563, %dma_wait3A_723, %dma_wait3A_724, %dma_wait3A_725, %dma_wait3A_726] : memref<2x4x8x8x128xf32, #tpu.memory_space<vmem>> -> memref<1x1x1x8x128xf32, #tpu.memory_space<vmem>>
      %dma_wait3A_728 = tpu.memref_squeeze %dma_wait3A_727 : memref<1x1x1x8x128xf32, #tpu.memory_space<vmem>> -> memref<8x128xf32, #tpu.memory_space<vmem>>
      %dma_wait3A_729 = arith.constant 0 : i32
      %dma_wait3A_730 = arith.constant 0 : i32
      %dma_wait3A_731 = tpu.memref_slice %arg2[%dma_wait3A_729, %dma_wait3A_730] : memref<64x1000000xf32, #tpu.memory_space<hbm>> -> memref<8x128xf32, #tpu.memory_space<hbm>>
      %dma_wait3A_732 = arith.constant 0 : i32
      %dma_wait3A_733 = arith.constant 0 : i32
      %dma_wait3A_734 = tpu.memref_slice %arg6[%and3A_563, %dma_wait3A_723, %dma_wait3A_724, %dma_wait3A_732, %dma_wait3A_733] : memref<2x4x8x8x128xf32, #tpu.memory_space<vmem>> -> memref<1x1x1x8x128xf32, #tpu.memory_space<vmem>>
      %dma_wait3A_735 = tpu.memref_squeeze %dma_wait3A_734 : memref<1x1x1x8x128xf32, #tpu.memory_space<vmem>> -> memref<8x128xf32, #tpu.memory_space<vmem>>
      %dma_wait3A_736 = arith.constant 0 : i32
      %dma_wait3A_737 = arith.constant 0 : i32
      %dma_wait3A_738 = tpu.memref_slice %arg2[%dma_wait3A_736, %dma_wait3A_737] : memref<64x1000000xf32, #tpu.memory_space<hbm>> -> memref<8x128xf32, #tpu.memory_space<hbm>>
      tpu.wait_dma2 semaphore(%arg8 : memref<!tpu.dma_semaphore, #tpu.memory_space<semaphore_mem>>) src(%dma_wait3A_738 : memref<8x128xf32, #tpu.memory_space<hbm>>) dst(%dma_wait3A_735 : memref<8x128xf32, #tpu.memory_space<vmem>>)
      %dma_wait3A_739 = arith.constant 1 : i32
      %dma_wait3A_740 = arith.constant 3 : i32
      %dma_wait3A_741 = arith.constant 0 : i32
      %dma_wait3A_742 = arith.constant 0 : i32
      %dma_wait3A_743 = tpu.memref_slice %arg6[%and3A_563, %dma_wait3A_739, %dma_wait3A_740, %dma_wait3A_741, %dma_wait3A_742] : memref<2x4x8x8x128xf32, #tpu.memory_space<vmem>> -> memref<1x1x1x8x128xf32, #tpu.memory_space<vmem>>
      %dma_wait3A_744 = tpu.memref_squeeze %dma_wait3A_743 : memref<1x1x1x8x128xf32, #tpu.memory_space<vmem>> -> memref<8x128xf32, #tpu.memory_space<vmem>>
      %dma_wait3A_745 = arith.constant 0 : i32
      %dma_wait3A_746 = arith.constant 0 : i32
      %dma_wait3A_747 = tpu.memref_slice %arg2[%dma_wait3A_745, %dma_wait3A_746] : memref<64x1000000xf32, #tpu.memory_space<hbm>> -> memref<8x128xf32, #tpu.memory_space<hbm>>
      %dma_wait3A_748 = arith.constant 0 : i32
      %dma_wait3A_749 = arith.constant 0 : i32
      %dma_wait3A_750 = tpu.memref_slice %arg6[%and3A_563, %dma_wait3A_739, %dma_wait3A_740, %dma_wait3A_748, %dma_wait3A_749] : memref<2x4x8x8x128xf32, #tpu.memory_space<vmem>> -> memref<1x1x1x8x128xf32, #tpu.memory_space<vmem>>
      %dma_wait3A_751 = tpu.memref_squeeze %dma_wait3A_750 : memref<1x1x1x8x128xf32, #tpu.memory_space<vmem>> -> memref<8x128xf32, #tpu.memory_space<vmem>>
      %dma_wait3A_752 = arith.constant 0 : i32
      %dma_wait3A_753 = arith.constant 0 : i32
      %dma_wait3A_754 = tpu.memref_slice %arg2[%dma_wait3A_752, %dma_wait3A_753] : memref<64x1000000xf32, #tpu.memory_space<hbm>> -> memref<8x128xf32, #tpu.memory_space<hbm>>
      tpu.wait_dma2 semaphore(%arg8 : memref<!tpu.dma_semaphore, #tpu.memory_space<semaphore_mem>>) src(%dma_wait3A_754 : memref<8x128xf32, #tpu.memory_space<hbm>>) dst(%dma_wait3A_751 : memref<8x128xf32, #tpu.memory_space<vmem>>)
      %dma_wait3A_755 = arith.constant 1 : i32
      %dma_wait3A_756 = arith.constant 4 : i32
      %dma_wait3A_757 = arith.constant 0 : i32
      %dma_wait3A_758 = arith.constant 0 : i32
      %dma_wait3A_759 = tpu.memref_slice %arg6[%and3A_563, %dma_wait3A_755, %dma_wait3A_756, %dma_wait3A_757, %dma_wait3A_758] : memref<2x4x8x8x128xf32, #tpu.memory_space<vmem>> -> memref<1x1x1x8x128xf32, #tpu.memory_space<vmem>>
      %dma_wait3A_760 = tpu.memref_squeeze %dma_wait3A_759 : memref<1x1x1x8x128xf32, #tpu.memory_space<vmem>> -> memref<8x128xf32, #tpu.memory_space<vmem>>
      %dma_wait3A_761 = arith.constant 0 : i32
      %dma_wait3A_762 = arith.constant 0 : i32
      %dma_wait3A_763 = tpu.memref_slice %arg2[%dma_wait3A_761, %dma_wait3A_762] : memref<64x1000000xf32, #tpu.memory_space<hbm>> -> memref<8x128xf32, #tpu.memory_space<hbm>>
      %dma_wait3A_764 = arith.constant 0 : i32
      %dma_wait3A_765 = arith.constant 0 : i32
      %dma_wait3A_766 = tpu.memref_slice %arg6[%and3A_563, %dma_wait3A_755, %dma_wait3A_756, %dma_wait3A_764, %dma_wait3A_765] : memref<2x4x8x8x128xf32, #tpu.memory_space<vmem>> -> memref<1x1x1x8x128xf32, #tpu.memory_space<vmem>>
      %dma_wait3A_767 = tpu.memref_squeeze %dma_wait3A_766 : memref<1x1x1x8x128xf32, #tpu.memory_space<vmem>> -> memref<8x128xf32, #tpu.memory_space<vmem>>
      %dma_wait3A_768 = arith.constant 0 : i32
      %dma_wait3A_769 = arith.constant 0 : i32
      %dma_wait3A_770 = tpu.memref_slice %arg2[%dma_wait3A_768, %dma_wait3A_769] : memref<64x1000000xf32, #tpu.memory_space<hbm>> -> memref<8x128xf32, #tpu.memory_space<hbm>>
      tpu.wait_dma2 semaphore(%arg8 : memref<!tpu.dma_semaphore, #tpu.memory_space<semaphore_mem>>) src(%dma_wait3A_770 : memref<8x128xf32, #tpu.memory_space<hbm>>) dst(%dma_wait3A_767 : memref<8x128xf32, #tpu.memory_space<vmem>>)
      %dma_wait3A_771 = arith.constant 1 : i32
      %dma_wait3A_772 = arith.constant 5 : i32
      %dma_wait3A_773 = arith.constant 0 : i32
      %dma_wait3A_774 = arith.constant 0 : i32
      %dma_wait3A_775 = tpu.memref_slice %arg6[%and3A_563, %dma_wait3A_771, %dma_wait3A_772, %dma_wait3A_773, %dma_wait3A_774] : memref<2x4x8x8x128xf32, #tpu.memory_space<vmem>> -> memref<1x1x1x8x128xf32, #tpu.memory_space<vmem>>
      %dma_wait3A_776 = tpu.memref_squeeze %dma_wait3A_775 : memref<1x1x1x8x128xf32, #tpu.memory_space<vmem>> -> memref<8x128xf32, #tpu.memory_space<vmem>>
      %dma_wait3A_777 = arith.constant 0 : i32
      %dma_wait3A_778 = arith.constant 0 : i32
      %dma_wait3A_779 = tpu.memref_slice %arg2[%dma_wait3A_777, %dma_wait3A_778] : memref<64x1000000xf32, #tpu.memory_space<hbm>> -> memref<8x128xf32, #tpu.memory_space<hbm>>
      %dma_wait3A_780 = arith.constant 0 : i32
      %dma_wait3A_781 = arith.constant 0 : i32
      %dma_wait3A_782 = tpu.memref_slice %arg6[%and3A_563, %dma_wait3A_771, %dma_wait3A_772, %dma_wait3A_780, %dma_wait3A_781] : memref<2x4x8x8x128xf32, #tpu.memory_space<vmem>> -> memref<1x1x1x8x128xf32, #tpu.memory_space<vmem>>
      %dma_wait3A_783 = tpu.memref_squeeze %dma_wait3A_782 : memref<1x1x1x8x128xf32, #tpu.memory_space<vmem>> -> memref<8x128xf32, #tpu.memory_space<vmem>>
      %dma_wait3A_784 = arith.constant 0 : i32
      %dma_wait3A_785 = arith.constant 0 : i32
      %dma_wait3A_786 = tpu.memref_slice %arg2[%dma_wait3A_784, %dma_wait3A_785] : memref<64x1000000xf32, #tpu.memory_space<hbm>> -> memref<8x128xf32, #tpu.memory_space<hbm>>
      tpu.wait_dma2 semaphore(%arg8 : memref<!tpu.dma_semaphore, #tpu.memory_space<semaphore_mem>>) src(%dma_wait3A_786 : memref<8x128xf32, #tpu.memory_space<hbm>>) dst(%dma_wait3A_783 : memref<8x128xf32, #tpu.memory_space<vmem>>)
      %dma_wait3A_787 = arith.constant 1 : i32
      %dma_wait3A_788 = arith.constant 6 : i32
      %dma_wait3A_789 = arith.constant 0 : i32
      %dma_wait3A_790 = arith.constant 0 : i32
      %dma_wait3A_791 = tpu.memref_slice %arg6[%and3A_563, %dma_wait3A_787, %dma_wait3A_788, %dma_wait3A_789, %dma_wait3A_790] : memref<2x4x8x8x128xf32, #tpu.memory_space<vmem>> -> memref<1x1x1x8x128xf32, #tpu.memory_space<vmem>>
      %dma_wait3A_792 = tpu.memref_squeeze %dma_wait3A_791 : memref<1x1x1x8x128xf32, #tpu.memory_space<vmem>> -> memref<8x128xf32, #tpu.memory_space<vmem>>
      %dma_wait3A_793 = arith.constant 0 : i32
      %dma_wait3A_794 = arith.constant 0 : i32
      %dma_wait3A_795 = tpu.memref_slice %arg2[%dma_wait3A_793, %dma_wait3A_794] : memref<64x1000000xf32, #tpu.memory_space<hbm>> -> memref<8x128xf32, #tpu.memory_space<hbm>>
      %dma_wait3A_796 = arith.constant 0 : i32
      %dma_wait3A_797 = arith.constant 0 : i32
      %dma_wait3A_798 = tpu.memref_slice %arg6[%and3A_563, %dma_wait3A_787, %dma_wait3A_788, %dma_wait3A_796, %dma_wait3A_797] : memref<2x4x8x8x128xf32, #tpu.memory_space<vmem>> -> memref<1x1x1x8x128xf32, #tpu.memory_space<vmem>>
      %dma_wait3A_799 = tpu.memref_squeeze %dma_wait3A_798 : memref<1x1x1x8x128xf32, #tpu.memory_space<vmem>> -> memref<8x128xf32, #tpu.memory_space<vmem>>
      %dma_wait3A_800 = arith.constant 0 : i32
      %dma_wait3A_801 = arith.constant 0 : i32
      %dma_wait3A_802 = tpu.memref_slice %arg2[%dma_wait3A_800, %dma_wait3A_801] : memref<64x1000000xf32, #tpu.memory_space<hbm>> -> memref<8x128xf32, #tpu.memory_space<hbm>>
      tpu.wait_dma2 semaphore(%arg8 : memref<!tpu.dma_semaphore, #tpu.memory_space<semaphore_mem>>) src(%dma_wait3A_802 : memref<8x128xf32, #tpu.memory_space<hbm>>) dst(%dma_wait3A_799 : memref<8x128xf32, #tpu.memory_space<vmem>>)
      %dma_wait3A_803 = arith.constant 1 : i32
      %dma_wait3A_804 = arith.constant 7 : i32
      %dma_wait3A_805 = arith.constant 0 : i32
      %dma_wait3A_806 = arith.constant 0 : i32
      %dma_wait3A_807 = tpu.memref_slice %arg6[%and3A_563, %dma_wait3A_803, %dma_wait3A_804, %dma_wait3A_805, %dma_wait3A_806] : memref<2x4x8x8x128xf32, #tpu.memory_space<vmem>> -> memref<1x1x1x8x128xf32, #tpu.memory_space<vmem>>
      %dma_wait3A_808 = tpu.memref_squeeze %dma_wait3A_807 : memref<1x1x1x8x128xf32, #tpu.memory_space<vmem>> -> memref<8x128xf32, #tpu.memory_space<vmem>>
      %dma_wait3A_809 = arith.constant 0 : i32
      %dma_wait3A_810 = arith.constant 0 : i32
      %dma_wait3A_811 = tpu.memref_slice %arg2[%dma_wait3A_809, %dma_wait3A_810] : memref<64x1000000xf32, #tpu.memory_space<hbm>> -> memref<8x128xf32, #tpu.memory_space<hbm>>
      %dma_wait3A_812 = arith.constant 0 : i32
      %dma_wait3A_813 = arith.constant 0 : i32
      %dma_wait3A_814 = tpu.memref_slice %arg6[%and3A_563, %dma_wait3A_803, %dma_wait3A_804, %dma_wait3A_812, %dma_wait3A_813] : memref<2x4x8x8x128xf32, #tpu.memory_space<vmem>> -> memref<1x1x1x8x128xf32, #tpu.memory_space<vmem>>
      %dma_wait3A_815 = tpu.memref_squeeze %dma_wait3A_814 : memref<1x1x1x8x128xf32, #tpu.memory_space<vmem>> -> memref<8x128xf32, #tpu.memory_space<vmem>>
      %dma_wait3A_816 = arith.constant 0 : i32
      %dma_wait3A_817 = arith.constant 0 : i32
      %dma_wait3A_818 = tpu.memref_slice %arg2[%dma_wait3A_816, %dma_wait3A_817] : memref<64x1000000xf32, #tpu.memory_space<hbm>> -> memref<8x128xf32, #tpu.memory_space<hbm>>
      tpu.wait_dma2 semaphore(%arg8 : memref<!tpu.dma_semaphore, #tpu.memory_space<semaphore_mem>>) src(%dma_wait3A_818 : memref<8x128xf32, #tpu.memory_space<hbm>>) dst(%dma_wait3A_815 : memref<8x128xf32, #tpu.memory_space<vmem>>)
      %dma_wait3A_819 = arith.constant 2 : i32
      %dma_wait3A_820 = arith.constant 0 : i32
      %dma_wait3A_821 = arith.constant 0 : i32
      %dma_wait3A_822 = arith.constant 0 : i32
      %dma_wait3A_823 = tpu.memref_slice %arg6[%and3A_563, %dma_wait3A_819, %dma_wait3A_820, %dma_wait3A_821, %dma_wait3A_822] : memref<2x4x8x8x128xf32, #tpu.memory_space<vmem>> -> memref<1x1x1x8x128xf32, #tpu.memory_space<vmem>>
      %dma_wait3A_824 = tpu.memref_squeeze %dma_wait3A_823 : memref<1x1x1x8x128xf32, #tpu.memory_space<vmem>> -> memref<8x128xf32, #tpu.memory_space<vmem>>
      %dma_wait3A_825 = arith.constant 0 : i32
      %dma_wait3A_826 = arith.constant 0 : i32
      %dma_wait3A_827 = tpu.memref_slice %arg2[%dma_wait3A_825, %dma_wait3A_826] : memref<64x1000000xf32, #tpu.memory_space<hbm>> -> memref<8x128xf32, #tpu.memory_space<hbm>>
      %dma_wait3A_828 = arith.constant 0 : i32
      %dma_wait3A_829 = arith.constant 0 : i32
      %dma_wait3A_830 = tpu.memref_slice %arg6[%and3A_563, %dma_wait3A_819, %dma_wait3A_820, %dma_wait3A_828, %dma_wait3A_829] : memref<2x4x8x8x128xf32, #tpu.memory_space<vmem>> -> memref<1x1x1x8x128xf32, #tpu.memory_space<vmem>>
      %dma_wait3A_831 = tpu.memref_squeeze %dma_wait3A_830 : memref<1x1x1x8x128xf32, #tpu.memory_space<vmem>> -> memref<8x128xf32, #tpu.memory_space<vmem>>
      %dma_wait3A_832 = arith.constant 0 : i32
      %dma_wait3A_833 = arith.constant 0 : i32
      %dma_wait3A_834 = tpu.memref_slice %arg2[%dma_wait3A_832, %dma_wait3A_833] : memref<64x1000000xf32, #tpu.memory_space<hbm>> -> memref<8x128xf32, #tpu.memory_space<hbm>>
      tpu.wait_dma2 semaphore(%arg8 : memref<!tpu.dma_semaphore, #tpu.memory_space<semaphore_mem>>) src(%dma_wait3A_834 : memref<8x128xf32, #tpu.memory_space<hbm>>) dst(%dma_wait3A_831 : memref<8x128xf32, #tpu.memory_space<vmem>>)
      %dma_wait3A_835 = arith.constant 2 : i32
      %dma_wait3A_836 = arith.constant 1 : i32
      %dma_wait3A_837 = arith.constant 0 : i32
      %dma_wait3A_838 = arith.constant 0 : i32
      %dma_wait3A_839 = tpu.memref_slice %arg6[%and3A_563, %dma_wait3A_835, %dma_wait3A_836, %dma_wait3A_837, %dma_wait3A_838] : memref<2x4x8x8x128xf32, #tpu.memory_space<vmem>> -> memref<1x1x1x8x128xf32, #tpu.memory_space<vmem>>
      %dma_wait3A_840 = tpu.memref_squeeze %dma_wait3A_839 : memref<1x1x1x8x128xf32, #tpu.memory_space<vmem>> -> memref<8x128xf32, #tpu.memory_space<vmem>>
      %dma_wait3A_841 = arith.constant 0 : i32
      %dma_wait3A_842 = arith.constant 0 : i32
      %dma_wait3A_843 = tpu.memref_slice %arg2[%dma_wait3A_841, %dma_wait3A_842] : memref<64x1000000xf32, #tpu.memory_space<hbm>> -> memref<8x128xf32, #tpu.memory_space<hbm>>
      %dma_wait3A_844 = arith.constant 0 : i32
      %dma_wait3A_845 = arith.constant 0 : i32
      %dma_wait3A_846 = tpu.memref_slice %arg6[%and3A_563, %dma_wait3A_835, %dma_wait3A_836, %dma_wait3A_844, %dma_wait3A_845] : memref<2x4x8x8x128xf32, #tpu.memory_space<vmem>> -> memref<1x1x1x8x128xf32, #tpu.memory_space<vmem>>
      %dma_wait3A_847 = tpu.memref_squeeze %dma_wait3A_846 : memref<1x1x1x8x128xf32, #tpu.memory_space<vmem>> -> memref<8x128xf32, #tpu.memory_space<vmem>>
      %dma_wait3A_848 = arith.constant 0 : i32
      %dma_wait3A_849 = arith.constant 0 : i32
      %dma_wait3A_850 = tpu.memref_slice %arg2[%dma_wait3A_848, %dma_wait3A_849] : memref<64x1000000xf32, #tpu.memory_space<hbm>> -> memref<8x128xf32, #tpu.memory_space<hbm>>
      tpu.wait_dma2 semaphore(%arg8 : memref<!tpu.dma_semaphore, #tpu.memory_space<semaphore_mem>>) src(%dma_wait3A_850 : memref<8x128xf32, #tpu.memory_space<hbm>>) dst(%dma_wait3A_847 : memref<8x128xf32, #tpu.memory_space<vmem>>)
      %dma_wait3A_851 = arith.constant 2 : i32
      %dma_wait3A_852 = arith.constant 2 : i32
      %dma_wait3A_853 = arith.constant 0 : i32
      %dma_wait3A_854 = arith.constant 0 : i32
      %dma_wait3A_855 = tpu.memref_slice %arg6[%and3A_563, %dma_wait3A_851, %dma_wait3A_852, %dma_wait3A_853, %dma_wait3A_854] : memref<2x4x8x8x128xf32, #tpu.memory_space<vmem>> -> memref<1x1x1x8x128xf32, #tpu.memory_space<vmem>>
      %dma_wait3A_856 = tpu.memref_squeeze %dma_wait3A_855 : memref<1x1x1x8x128xf32, #tpu.memory_space<vmem>> -> memref<8x128xf32, #tpu.memory_space<vmem>>
      %dma_wait3A_857 = arith.constant 0 : i32
      %dma_wait3A_858 = arith.constant 0 : i32
      %dma_wait3A_859 = tpu.memref_slice %arg2[%dma_wait3A_857, %dma_wait3A_858] : memref<64x1000000xf32, #tpu.memory_space<hbm>> -> memref<8x128xf32, #tpu.memory_space<hbm>>
      %dma_wait3A_860 = arith.constant 0 : i32
      %dma_wait3A_861 = arith.constant 0 : i32
      %dma_wait3A_862 = tpu.memref_slice %arg6[%and3A_563, %dma_wait3A_851, %dma_wait3A_852, %dma_wait3A_860, %dma_wait3A_861] : memref<2x4x8x8x128xf32, #tpu.memory_space<vmem>> -> memref<1x1x1x8x128xf32, #tpu.memory_space<vmem>>
      %dma_wait3A_863 = tpu.memref_squeeze %dma_wait3A_862 : memref<1x1x1x8x128xf32, #tpu.memory_space<vmem>> -> memref<8x128xf32, #tpu.memory_space<vmem>>
      %dma_wait3A_864 = arith.constant 0 : i32
      %dma_wait3A_865 = arith.constant 0 : i32
      %dma_wait3A_866 = tpu.memref_slice %arg2[%dma_wait3A_864, %dma_wait3A_865] : memref<64x1000000xf32, #tpu.memory_space<hbm>> -> memref<8x128xf32, #tpu.memory_space<hbm>>
      tpu.wait_dma2 semaphore(%arg8 : memref<!tpu.dma_semaphore, #tpu.memory_space<semaphore_mem>>) src(%dma_wait3A_866 : memref<8x128xf32, #tpu.memory_space<hbm>>) dst(%dma_wait3A_863 : memref<8x128xf32, #tpu.memory_space<vmem>>)
      %dma_wait3A_867 = arith.constant 2 : i32
      %dma_wait3A_868 = arith.constant 3 : i32
      %dma_wait3A_869 = arith.constant 0 : i32
      %dma_wait3A_870 = arith.constant 0 : i32
      %dma_wait3A_871 = tpu.memref_slice %arg6[%and3A_563, %dma_wait3A_867, %dma_wait3A_868, %dma_wait3A_869, %dma_wait3A_870] : memref<2x4x8x8x128xf32, #tpu.memory_space<vmem>> -> memref<1x1x1x8x128xf32, #tpu.memory_space<vmem>>
      %dma_wait3A_872 = tpu.memref_squeeze %dma_wait3A_871 : memref<1x1x1x8x128xf32, #tpu.memory_space<vmem>> -> memref<8x128xf32, #tpu.memory_space<vmem>>
      %dma_wait3A_873 = arith.constant 0 : i32
      %dma_wait3A_874 = arith.constant 0 : i32
      %dma_wait3A_875 = tpu.memref_slice %arg2[%dma_wait3A_873, %dma_wait3A_874] : memref<64x1000000xf32, #tpu.memory_space<hbm>> -> memref<8x128xf32, #tpu.memory_space<hbm>>
      %dma_wait3A_876 = arith.constant 0 : i32
      %dma_wait3A_877 = arith.constant 0 : i32
      %dma_wait3A_878 = tpu.memref_slice %arg6[%and3A_563, %dma_wait3A_867, %dma_wait3A_868, %dma_wait3A_876, %dma_wait3A_877] : memref<2x4x8x8x128xf32, #tpu.memory_space<vmem>> -> memref<1x1x1x8x128xf32, #tpu.memory_space<vmem>>
      %dma_wait3A_879 = tpu.memref_squeeze %dma_wait3A_878 : memref<1x1x1x8x128xf32, #tpu.memory_space<vmem>> -> memref<8x128xf32, #tpu.memory_space<vmem>>
      %dma_wait3A_880 = arith.constant 0 : i32
      %dma_wait3A_881 = arith.constant 0 : i32
      %dma_wait3A_882 = tpu.memref_slice %arg2[%dma_wait3A_880, %dma_wait3A_881] : memref<64x1000000xf32, #tpu.memory_space<hbm>> -> memref<8x128xf32, #tpu.memory_space<hbm>>
      tpu.wait_dma2 semaphore(%arg8 : memref<!tpu.dma_semaphore, #tpu.memory_space<semaphore_mem>>) src(%dma_wait3A_882 : memref<8x128xf32, #tpu.memory_space<hbm>>) dst(%dma_wait3A_879 : memref<8x128xf32, #tpu.memory_space<vmem>>)
      %dma_wait3A_883 = arith.constant 2 : i32
      %dma_wait3A_884 = arith.constant 4 : i32
      %dma_wait3A_885 = arith.constant 0 : i32
      %dma_wait3A_886 = arith.constant 0 : i32
      %dma_wait3A_887 = tpu.memref_slice %arg6[%and3A_563, %dma_wait3A_883, %dma_wait3A_884, %dma_wait3A_885, %dma_wait3A_886] : memref<2x4x8x8x128xf32, #tpu.memory_space<vmem>> -> memref<1x1x1x8x128xf32, #tpu.memory_space<vmem>>
      %dma_wait3A_888 = tpu.memref_squeeze %dma_wait3A_887 : memref<1x1x1x8x128xf32, #tpu.memory_space<vmem>> -> memref<8x128xf32, #tpu.memory_space<vmem>>
      %dma_wait3A_889 = arith.constant 0 : i32
      %dma_wait3A_890 = arith.constant 0 : i32
      %dma_wait3A_891 = tpu.memref_slice %arg2[%dma_wait3A_889, %dma_wait3A_890] : memref<64x1000000xf32, #tpu.memory_space<hbm>> -> memref<8x128xf32, #tpu.memory_space<hbm>>
      %dma_wait3A_892 = arith.constant 0 : i32
      %dma_wait3A_893 = arith.constant 0 : i32
      %dma_wait3A_894 = tpu.memref_slice %arg6[%and3A_563, %dma_wait3A_883, %dma_wait3A_884, %dma_wait3A_892, %dma_wait3A_893] : memref<2x4x8x8x128xf32, #tpu.memory_space<vmem>> -> memref<1x1x1x8x128xf32, #tpu.memory_space<vmem>>
      %dma_wait3A_895 = tpu.memref_squeeze %dma_wait3A_894 : memref<1x1x1x8x128xf32, #tpu.memory_space<vmem>> -> memref<8x128xf32, #tpu.memory_space<vmem>>
      %dma_wait3A_896 = arith.constant 0 : i32
      %dma_wait3A_897 = arith.constant 0 : i32
      %dma_wait3A_898 = tpu.memref_slice %arg2[%dma_wait3A_896, %dma_wait3A_897] : memref<64x1000000xf32, #tpu.memory_space<hbm>> -> memref<8x128xf32, #tpu.memory_space<hbm>>
      tpu.wait_dma2 semaphore(%arg8 : memref<!tpu.dma_semaphore, #tpu.memory_space<semaphore_mem>>) src(%dma_wait3A_898 : memref<8x128xf32, #tpu.memory_space<hbm>>) dst(%dma_wait3A_895 : memref<8x128xf32, #tpu.memory_space<vmem>>)
      %dma_wait3A_899 = arith.constant 2 : i32
      %dma_wait3A_900 = arith.constant 5 : i32
      %dma_wait3A_901 = arith.constant 0 : i32
      %dma_wait3A_902 = arith.constant 0 : i32
      %dma_wait3A_903 = tpu.memref_slice %arg6[%and3A_563, %dma_wait3A_899, %dma_wait3A_900, %dma_wait3A_901, %dma_wait3A_902] : memref<2x4x8x8x128xf32, #tpu.memory_space<vmem>> -> memref<1x1x1x8x128xf32, #tpu.memory_space<vmem>>
      %dma_wait3A_904 = tpu.memref_squeeze %dma_wait3A_903 : memref<1x1x1x8x128xf32, #tpu.memory_space<vmem>> -> memref<8x128xf32, #tpu.memory_space<vmem>>
      %dma_wait3A_905 = arith.constant 0 : i32
      %dma_wait3A_906 = arith.constant 0 : i32
      %dma_wait3A_907 = tpu.memref_slice %arg2[%dma_wait3A_905, %dma_wait3A_906] : memref<64x1000000xf32, #tpu.memory_space<hbm>> -> memref<8x128xf32, #tpu.memory_space<hbm>>
      %dma_wait3A_908 = arith.constant 0 : i32
      %dma_wait3A_909 = arith.constant 0 : i32
      %dma_wait3A_910 = tpu.memref_slice %arg6[%and3A_563, %dma_wait3A_899, %dma_wait3A_900, %dma_wait3A_908, %dma_wait3A_909] : memref<2x4x8x8x128xf32, #tpu.memory_space<vmem>> -> memref<1x1x1x8x128xf32, #tpu.memory_space<vmem>>
      %dma_wait3A_911 = tpu.memref_squeeze %dma_wait3A_910 : memref<1x1x1x8x128xf32, #tpu.memory_space<vmem>> -> memref<8x128xf32, #tpu.memory_space<vmem>>
      %dma_wait3A_912 = arith.constant 0 : i32
      %dma_wait3A_913 = arith.constant 0 : i32
      %dma_wait3A_914 = tpu.memref_slice %arg2[%dma_wait3A_912, %dma_wait3A_913] : memref<64x1000000xf32, #tpu.memory_space<hbm>> -> memref<8x128xf32, #tpu.memory_space<hbm>>
      tpu.wait_dma2 semaphore(%arg8 : memref<!tpu.dma_semaphore, #tpu.memory_space<semaphore_mem>>) src(%dma_wait3A_914 : memref<8x128xf32, #tpu.memory_space<hbm>>) dst(%dma_wait3A_911 : memref<8x128xf32, #tpu.memory_space<vmem>>)
      %dma_wait3A_915 = arith.constant 2 : i32
      %dma_wait3A_916 = arith.constant 6 : i32
      %dma_wait3A_917 = arith.constant 0 : i32
      %dma_wait3A_918 = arith.constant 0 : i32
      %dma_wait3A_919 = tpu.memref_slice %arg6[%and3A_563, %dma_wait3A_915, %dma_wait3A_916, %dma_wait3A_917, %dma_wait3A_918] : memref<2x4x8x8x128xf32, #tpu.memory_space<vmem>> -> memref<1x1x1x8x128xf32, #tpu.memory_space<vmem>>
      %dma_wait3A_920 = tpu.memref_squeeze %dma_wait3A_919 : memref<1x1x1x8x128xf32, #tpu.memory_space<vmem>> -> memref<8x128xf32, #tpu.memory_space<vmem>>
      %dma_wait3A_921 = arith.constant 0 : i32
      %dma_wait3A_922 = arith.constant 0 : i32
      %dma_wait3A_923 = tpu.memref_slice %arg2[%dma_wait3A_921, %dma_wait3A_922] : memref<64x1000000xf32, #tpu.memory_space<hbm>> -> memref<8x128xf32, #tpu.memory_space<hbm>>
      %dma_wait3A_924 = arith.constant 0 : i32
      %dma_wait3A_925 = arith.constant 0 : i32
      %dma_wait3A_926 = tpu.memref_slice %arg6[%and3A_563, %dma_wait3A_915, %dma_wait3A_916, %dma_wait3A_924, %dma_wait3A_925] : memref<2x4x8x8x128xf32, #tpu.memory_space<vmem>> -> memref<1x1x1x8x128xf32, #tpu.memory_space<vmem>>
      %dma_wait3A_927 = tpu.memref_squeeze %dma_wait3A_926 : memref<1x1x1x8x128xf32, #tpu.memory_space<vmem>> -> memref<8x128xf32, #tpu.memory_space<vmem>>
      %dma_wait3A_928 = arith.constant 0 : i32
      %dma_wait3A_929 = arith.constant 0 : i32
      %dma_wait3A_930 = tpu.memref_slice %arg2[%dma_wait3A_928, %dma_wait3A_929] : memref<64x1000000xf32, #tpu.memory_space<hbm>> -> memref<8x128xf32, #tpu.memory_space<hbm>>
      tpu.wait_dma2 semaphore(%arg8 : memref<!tpu.dma_semaphore, #tpu.memory_space<semaphore_mem>>) src(%dma_wait3A_930 : memref<8x128xf32, #tpu.memory_space<hbm>>) dst(%dma_wait3A_927 : memref<8x128xf32, #tpu.memory_space<vmem>>)
      %dma_wait3A_931 = arith.constant 2 : i32
      %dma_wait3A_932 = arith.constant 7 : i32
      %dma_wait3A_933 = arith.constant 0 : i32
      %dma_wait3A_934 = arith.constant 0 : i32
      %dma_wait3A_935 = tpu.memref_slice %arg6[%and3A_563, %dma_wait3A_931, %dma_wait3A_932, %dma_wait3A_933, %dma_wait3A_934] : memref<2x4x8x8x128xf32, #tpu.memory_space<vmem>> -> memref<1x1x1x8x128xf32, #tpu.memory_space<vmem>>
      %dma_wait3A_936 = tpu.memref_squeeze %dma_wait3A_935 : memref<1x1x1x8x128xf32, #tpu.memory_space<vmem>> -> memref<8x128xf32, #tpu.memory_space<vmem>>
      %dma_wait3A_937 = arith.constant 0 : i32
      %dma_wait3A_938 = arith.constant 0 : i32
      %dma_wait3A_939 = tpu.memref_slice %arg2[%dma_wait3A_937, %dma_wait3A_938] : memref<64x1000000xf32, #tpu.memory_space<hbm>> -> memref<8x128xf32, #tpu.memory_space<hbm>>
      %dma_wait3A_940 = arith.constant 0 : i32
      %dma_wait3A_941 = arith.constant 0 : i32
      %dma_wait3A_942 = tpu.memref_slice %arg6[%and3A_563, %dma_wait3A_931, %dma_wait3A_932, %dma_wait3A_940, %dma_wait3A_941] : memref<2x4x8x8x128xf32, #tpu.memory_space<vmem>> -> memref<1x1x1x8x128xf32, #tpu.memory_space<vmem>>
      %dma_wait3A_943 = tpu.memref_squeeze %dma_wait3A_942 : memref<1x1x1x8x128xf32, #tpu.memory_space<vmem>> -> memref<8x128xf32, #tpu.memory_space<vmem>>
      %dma_wait3A_944 = arith.constant 0 : i32
      %dma_wait3A_945 = arith.constant 0 : i32
      %dma_wait3A_946 = tpu.memref_slice %arg2[%dma_wait3A_944, %dma_wait3A_945] : memref<64x1000000xf32, #tpu.memory_space<hbm>> -> memref<8x128xf32, #tpu.memory_space<hbm>>
      tpu.wait_dma2 semaphore(%arg8 : memref<!tpu.dma_semaphore, #tpu.memory_space<semaphore_mem>>) src(%dma_wait3A_946 : memref<8x128xf32, #tpu.memory_space<hbm>>) dst(%dma_wait3A_943 : memref<8x128xf32, #tpu.memory_space<vmem>>)
      %dma_wait3A_947 = arith.constant 3 : i32
      %dma_wait3A_948 = arith.constant 0 : i32
      %dma_wait3A_949 = arith.constant 0 : i32
      %dma_wait3A_950 = arith.constant 0 : i32
      %dma_wait3A_951 = tpu.memref_slice %arg6[%and3A_563, %dma_wait3A_947, %dma_wait3A_948, %dma_wait3A_949, %dma_wait3A_950] : memref<2x4x8x8x128xf32, #tpu.memory_space<vmem>> -> memref<1x1x1x8x128xf32, #tpu.memory_space<vmem>>
      %dma_wait3A_952 = tpu.memref_squeeze %dma_wait3A_951 : memref<1x1x1x8x128xf32, #tpu.memory_space<vmem>> -> memref<8x128xf32, #tpu.memory_space<vmem>>
      %dma_wait3A_953 = arith.constant 0 : i32
      %dma_wait3A_954 = arith.constant 0 : i32
      %dma_wait3A_955 = tpu.memref_slice %arg2[%dma_wait3A_953, %dma_wait3A_954] : memref<64x1000000xf32, #tpu.memory_space<hbm>> -> memref<8x128xf32, #tpu.memory_space<hbm>>
      %dma_wait3A_956 = arith.constant 0 : i32
      %dma_wait3A_957 = arith.constant 0 : i32
      %dma_wait3A_958 = tpu.memref_slice %arg6[%and3A_563, %dma_wait3A_947, %dma_wait3A_948, %dma_wait3A_956, %dma_wait3A_957] : memref<2x4x8x8x128xf32, #tpu.memory_space<vmem>> -> memref<1x1x1x8x128xf32, #tpu.memory_space<vmem>>
      %dma_wait3A_959 = tpu.memref_squeeze %dma_wait3A_958 : memref<1x1x1x8x128xf32, #tpu.memory_space<vmem>> -> memref<8x128xf32, #tpu.memory_space<vmem>>
      %dma_wait3A_960 = arith.constant 0 : i32
      %dma_wait3A_961 = arith.constant 0 : i32
      %dma_wait3A_962 = tpu.memref_slice %arg2[%dma_wait3A_960, %dma_wait3A_961] : memref<64x1000000xf32, #tpu.memory_space<hbm>> -> memref<8x128xf32, #tpu.memory_space<hbm>>
      tpu.wait_dma2 semaphore(%arg8 : memref<!tpu.dma_semaphore, #tpu.memory_space<semaphore_mem>>) src(%dma_wait3A_962 : memref<8x128xf32, #tpu.memory_space<hbm>>) dst(%dma_wait3A_959 : memref<8x128xf32, #tpu.memory_space<vmem>>)
      %dma_wait3A_963 = arith.constant 3 : i32
      %dma_wait3A_964 = arith.constant 1 : i32
      %dma_wait3A_965 = arith.constant 0 : i32
      %dma_wait3A_966 = arith.constant 0 : i32
      %dma_wait3A_967 = tpu.memref_slice %arg6[%and3A_563, %dma_wait3A_963, %dma_wait3A_964, %dma_wait3A_965, %dma_wait3A_966] : memref<2x4x8x8x128xf32, #tpu.memory_space<vmem>> -> memref<1x1x1x8x128xf32, #tpu.memory_space<vmem>>
      %dma_wait3A_968 = tpu.memref_squeeze %dma_wait3A_967 : memref<1x1x1x8x128xf32, #tpu.memory_space<vmem>> -> memref<8x128xf32, #tpu.memory_space<vmem>>
      %dma_wait3A_969 = arith.constant 0 : i32
      %dma_wait3A_970 = arith.constant 0 : i32
      %dma_wait3A_971 = tpu.memref_slice %arg2[%dma_wait3A_969, %dma_wait3A_970] : memref<64x1000000xf32, #tpu.memory_space<hbm>> -> memref<8x128xf32, #tpu.memory_space<hbm>>
      %dma_wait3A_972 = arith.constant 0 : i32
      %dma_wait3A_973 = arith.constant 0 : i32
      %dma_wait3A_974 = tpu.memref_slice %arg6[%and3A_563, %dma_wait3A_963, %dma_wait3A_964, %dma_wait3A_972, %dma_wait3A_973] : memref<2x4x8x8x128xf32, #tpu.memory_space<vmem>> -> memref<1x1x1x8x128xf32, #tpu.memory_space<vmem>>
      %dma_wait3A_975 = tpu.memref_squeeze %dma_wait3A_974 : memref<1x1x1x8x128xf32, #tpu.memory_space<vmem>> -> memref<8x128xf32, #tpu.memory_space<vmem>>
      %dma_wait3A_976 = arith.constant 0 : i32
      %dma_wait3A_977 = arith.constant 0 : i32
      %dma_wait3A_978 = tpu.memref_slice %arg2[%dma_wait3A_976, %dma_wait3A_977] : memref<64x1000000xf32, #tpu.memory_space<hbm>> -> memref<8x128xf32, #tpu.memory_space<hbm>>
      tpu.wait_dma2 semaphore(%arg8 : memref<!tpu.dma_semaphore, #tpu.memory_space<semaphore_mem>>) src(%dma_wait3A_978 : memref<8x128xf32, #tpu.memory_space<hbm>>) dst(%dma_wait3A_975 : memref<8x128xf32, #tpu.memory_space<vmem>>)
      %dma_wait3A_979 = arith.constant 3 : i32
      %dma_wait3A_980 = arith.constant 2 : i32
      %dma_wait3A_981 = arith.constant 0 : i32
      %dma_wait3A_982 = arith.constant 0 : i32
      %dma_wait3A_983 = tpu.memref_slice %arg6[%and3A_563, %dma_wait3A_979, %dma_wait3A_980, %dma_wait3A_981, %dma_wait3A_982] : memref<2x4x8x8x128xf32, #tpu.memory_space<vmem>> -> memref<1x1x1x8x128xf32, #tpu.memory_space<vmem>>
      %dma_wait3A_984 = tpu.memref_squeeze %dma_wait3A_983 : memref<1x1x1x8x128xf32, #tpu.memory_space<vmem>> -> memref<8x128xf32, #tpu.memory_space<vmem>>
      %dma_wait3A_985 = arith.constant 0 : i32
      %dma_wait3A_986 = arith.constant 0 : i32
      %dma_wait3A_987 = tpu.memref_slice %arg2[%dma_wait3A_985, %dma_wait3A_986] : memref<64x1000000xf32, #tpu.memory_space<hbm>> -> memref<8x128xf32, #tpu.memory_space<hbm>>
      %dma_wait3A_988 = arith.constant 0 : i32
      %dma_wait3A_989 = arith.constant 0 : i32
      %dma_wait3A_990 = tpu.memref_slice %arg6[%and3A_563, %dma_wait3A_979, %dma_wait3A_980, %dma_wait3A_988, %dma_wait3A_989] : memref<2x4x8x8x128xf32, #tpu.memory_space<vmem>> -> memref<1x1x1x8x128xf32, #tpu.memory_space<vmem>>
      %dma_wait3A_991 = tpu.memref_squeeze %dma_wait3A_990 : memref<1x1x1x8x128xf32, #tpu.memory_space<vmem>> -> memref<8x128xf32, #tpu.memory_space<vmem>>
      %dma_wait3A_992 = arith.constant 0 : i32
      %dma_wait3A_993 = arith.constant 0 : i32
      %dma_wait3A_994 = tpu.memref_slice %arg2[%dma_wait3A_992, %dma_wait3A_993] : memref<64x1000000xf32, #tpu.memory_space<hbm>> -> memref<8x128xf32, #tpu.memory_space<hbm>>
      tpu.wait_dma2 semaphore(%arg8 : memref<!tpu.dma_semaphore, #tpu.memory_space<semaphore_mem>>) src(%dma_wait3A_994 : memref<8x128xf32, #tpu.memory_space<hbm>>) dst(%dma_wait3A_991 : memref<8x128xf32, #tpu.memory_space<vmem>>)
      %dma_wait3A_995 = arith.constant 3 : i32
      %dma_wait3A_996 = arith.constant 3 : i32
      %dma_wait3A_997 = arith.constant 0 : i32
      %dma_wait3A_998 = arith.constant 0 : i32
      %dma_wait3A_999 = tpu.memref_slice %arg6[%and3A_563, %dma_wait3A_995, %dma_wait3A_996, %dma_wait3A_997, %dma_wait3A_998] : memref<2x4x8x8x128xf32, #tpu.memory_space<vmem>> -> memref<1x1x1x8x128xf32, #tpu.memory_space<vmem>>
      %dma_wait3A_1000 = tpu.memref_squeeze %dma_wait3A_999 : memref<1x1x1x8x128xf32, #tpu.memory_space<vmem>> -> memref<8x128xf32, #tpu.memory_space<vmem>>
      %dma_wait3A_1001 = arith.constant 0 : i32
      %dma_wait3A_1002 = arith.constant 0 : i32
      %dma_wait3A_1003 = tpu.memref_slice %arg2[%dma_wait3A_1001, %dma_wait3A_1002] : memref<64x1000000xf32, #tpu.memory_space<hbm>> -> memref<8x128xf32, #tpu.memory_space<hbm>>
      %dma_wait3A_1004 = arith.constant 0 : i32
      %dma_wait3A_1005 = arith.constant 0 : i32
      %dma_wait3A_1006 = tpu.memref_slice %arg6[%and3A_563, %dma_wait3A_995, %dma_wait3A_996, %dma_wait3A_1004, %dma_wait3A_1005] : memref<2x4x8x8x128xf32, #tpu.memory_space<vmem>> -> memref<1x1x1x8x128xf32, #tpu.memory_space<vmem>>
      %dma_wait3A_1007 = tpu.memref_squeeze %dma_wait3A_1006 : memref<1x1x1x8x128xf32, #tpu.memory_space<vmem>> -> memref<8x128xf32, #tpu.memory_space<vmem>>
      %dma_wait3A_1008 = arith.constant 0 : i32
      %dma_wait3A_1009 = arith.constant 0 : i32
      %dma_wait3A_1010 = tpu.memref_slice %arg2[%dma_wait3A_1008, %dma_wait3A_1009] : memref<64x1000000xf32, #tpu.memory_space<hbm>> -> memref<8x128xf32, #tpu.memory_space<hbm>>
      tpu.wait_dma2 semaphore(%arg8 : memref<!tpu.dma_semaphore, #tpu.memory_space<semaphore_mem>>) src(%dma_wait3A_1010 : memref<8x128xf32, #tpu.memory_space<hbm>>) dst(%dma_wait3A_1007 : memref<8x128xf32, #tpu.memory_space<vmem>>)
      %dma_wait3A_1011 = arith.constant 3 : i32
      %dma_wait3A_1012 = arith.constant 4 : i32
      %dma_wait3A_1013 = arith.constant 0 : i32
      %dma_wait3A_1014 = arith.constant 0 : i32
      %dma_wait3A_1015 = tpu.memref_slice %arg6[%and3A_563, %dma_wait3A_1011, %dma_wait3A_1012, %dma_wait3A_1013, %dma_wait3A_1014] : memref<2x4x8x8x128xf32, #tpu.memory_space<vmem>> -> memref<1x1x1x8x128xf32, #tpu.memory_space<vmem>>
      %dma_wait3A_1016 = tpu.memref_squeeze %dma_wait3A_1015 : memref<1x1x1x8x128xf32, #tpu.memory_space<vmem>> -> memref<8x128xf32, #tpu.memory_space<vmem>>
      %dma_wait3A_1017 = arith.constant 0 : i32
      %dma_wait3A_1018 = arith.constant 0 : i32
      %dma_wait3A_1019 = tpu.memref_slice %arg2[%dma_wait3A_1017, %dma_wait3A_1018] : memref<64x1000000xf32, #tpu.memory_space<hbm>> -> memref<8x128xf32, #tpu.memory_space<hbm>>
      %dma_wait3A_1020 = arith.constant 0 : i32
      %dma_wait3A_1021 = arith.constant 0 : i32
      %dma_wait3A_1022 = tpu.memref_slice %arg6[%and3A_563, %dma_wait3A_1011, %dma_wait3A_1012, %dma_wait3A_1020, %dma_wait3A_1021] : memref<2x4x8x8x128xf32, #tpu.memory_space<vmem>> -> memref<1x1x1x8x128xf32, #tpu.memory_space<vmem>>
      %dma_wait3A_1023 = tpu.memref_squeeze %dma_wait3A_1022 : memref<1x1x1x8x128xf32, #tpu.memory_space<vmem>> -> memref<8x128xf32, #tpu.memory_space<vmem>>
      %dma_wait3A_1024 = arith.constant 0 : i32
      %dma_wait3A_1025 = arith.constant 0 : i32
      %dma_wait3A_1026 = tpu.memref_slice %arg2[%dma_wait3A_1024, %dma_wait3A_1025] : memref<64x1000000xf32, #tpu.memory_space<hbm>> -> memref<8x128xf32, #tpu.memory_space<hbm>>
      tpu.wait_dma2 semaphore(%arg8 : memref<!tpu.dma_semaphore, #tpu.memory_space<semaphore_mem>>) src(%dma_wait3A_1026 : memref<8x128xf32, #tpu.memory_space<hbm>>) dst(%dma_wait3A_1023 : memref<8x128xf32, #tpu.memory_space<vmem>>)
      %dma_wait3A_1027 = arith.constant 3 : i32
      %dma_wait3A_1028 = arith.constant 5 : i32
      %dma_wait3A_1029 = arith.constant 0 : i32
      %dma_wait3A_1030 = arith.constant 0 : i32
      %dma_wait3A_1031 = tpu.memref_slice %arg6[%and3A_563, %dma_wait3A_1027, %dma_wait3A_1028, %dma_wait3A_1029, %dma_wait3A_1030] : memref<2x4x8x8x128xf32, #tpu.memory_space<vmem>> -> memref<1x1x1x8x128xf32, #tpu.memory_space<vmem>>
      %dma_wait3A_1032 = tpu.memref_squeeze %dma_wait3A_1031 : memref<1x1x1x8x128xf32, #tpu.memory_space<vmem>> -> memref<8x128xf32, #tpu.memory_space<vmem>>
      %dma_wait3A_1033 = arith.constant 0 : i32
      %dma_wait3A_1034 = arith.constant 0 : i32
      %dma_wait3A_1035 = tpu.memref_slice %arg2[%dma_wait3A_1033, %dma_wait3A_1034] : memref<64x1000000xf32, #tpu.memory_space<hbm>> -> memref<8x128xf32, #tpu.memory_space<hbm>>
      %dma_wait3A_1036 = arith.constant 0 : i32
      %dma_wait3A_1037 = arith.constant 0 : i32
      %dma_wait3A_1038 = tpu.memref_slice %arg6[%and3A_563, %dma_wait3A_1027, %dma_wait3A_1028, %dma_wait3A_1036, %dma_wait3A_1037] : memref<2x4x8x8x128xf32, #tpu.memory_space<vmem>> -> memref<1x1x1x8x128xf32, #tpu.memory_space<vmem>>
      %dma_wait3A_1039 = tpu.memref_squeeze %dma_wait3A_1038 : memref<1x1x1x8x128xf32, #tpu.memory_space<vmem>> -> memref<8x128xf32, #tpu.memory_space<vmem>>
      %dma_wait3A_1040 = arith.constant 0 : i32
      %dma_wait3A_1041 = arith.constant 0 : i32
      %dma_wait3A_1042 = tpu.memref_slice %arg2[%dma_wait3A_1040, %dma_wait3A_1041] : memref<64x1000000xf32, #tpu.memory_space<hbm>> -> memref<8x128xf32, #tpu.memory_space<hbm>>
      tpu.wait_dma2 semaphore(%arg8 : memref<!tpu.dma_semaphore, #tpu.memory_space<semaphore_mem>>) src(%dma_wait3A_1042 : memref<8x128xf32, #tpu.memory_space<hbm>>) dst(%dma_wait3A_1039 : memref<8x128xf32, #tpu.memory_space<vmem>>)
      %dma_wait3A_1043 = arith.constant 3 : i32
      %dma_wait3A_1044 = arith.constant 6 : i32
      %dma_wait3A_1045 = arith.constant 0 : i32
      %dma_wait3A_1046 = arith.constant 0 : i32
      %dma_wait3A_1047 = tpu.memref_slice %arg6[%and3A_563, %dma_wait3A_1043, %dma_wait3A_1044, %dma_wait3A_1045, %dma_wait3A_1046] : memref<2x4x8x8x128xf32, #tpu.memory_space<vmem>> -> memref<1x1x1x8x128xf32, #tpu.memory_space<vmem>>
      %dma_wait3A_1048 = tpu.memref_squeeze %dma_wait3A_1047 : memref<1x1x1x8x128xf32, #tpu.memory_space<vmem>> -> memref<8x128xf32, #tpu.memory_space<vmem>>
      %dma_wait3A_1049 = arith.constant 0 : i32
      %dma_wait3A_1050 = arith.constant 0 : i32
      %dma_wait3A_1051 = tpu.memref_slice %arg2[%dma_wait3A_1049, %dma_wait3A_1050] : memref<64x1000000xf32, #tpu.memory_space<hbm>> -> memref<8x128xf32, #tpu.memory_space<hbm>>
      %dma_wait3A_1052 = arith.constant 0 : i32
      %dma_wait3A_1053 = arith.constant 0 : i32
      %dma_wait3A_1054 = tpu.memref_slice %arg6[%and3A_563, %dma_wait3A_1043, %dma_wait3A_1044, %dma_wait3A_1052, %dma_wait3A_1053] : memref<2x4x8x8x128xf32, #tpu.memory_space<vmem>> -> memref<1x1x1x8x128xf32, #tpu.memory_space<vmem>>
      %dma_wait3A_1055 = tpu.memref_squeeze %dma_wait3A_1054 : memref<1x1x1x8x128xf32, #tpu.memory_space<vmem>> -> memref<8x128xf32, #tpu.memory_space<vmem>>
      %dma_wait3A_1056 = arith.constant 0 : i32
      %dma_wait3A_1057 = arith.constant 0 : i32
      %dma_wait3A_1058 = tpu.memref_slice %arg2[%dma_wait3A_1056, %dma_wait3A_1057] : memref<64x1000000xf32, #tpu.memory_space<hbm>> -> memref<8x128xf32, #tpu.memory_space<hbm>>
      tpu.wait_dma2 semaphore(%arg8 : memref<!tpu.dma_semaphore, #tpu.memory_space<semaphore_mem>>) src(%dma_wait3A_1058 : memref<8x128xf32, #tpu.memory_space<hbm>>) dst(%dma_wait3A_1055 : memref<8x128xf32, #tpu.memory_space<vmem>>)
      %dma_wait3A_1059 = arith.constant 3 : i32
      %dma_wait3A_1060 = arith.constant 7 : i32
      %dma_wait3A_1061 = arith.constant 0 : i32
      %dma_wait3A_1062 = arith.constant 0 : i32
      %dma_wait3A_1063 = tpu.memref_slice %arg6[%and3A_563, %dma_wait3A_1059, %dma_wait3A_1060, %dma_wait3A_1061, %dma_wait3A_1062] : memref<2x4x8x8x128xf32, #tpu.memory_space<vmem>> -> memref<1x1x1x8x128xf32, #tpu.memory_space<vmem>>
      %dma_wait3A_1064 = tpu.memref_squeeze %dma_wait3A_1063 : memref<1x1x1x8x128xf32, #tpu.memory_space<vmem>> -> memref<8x128xf32, #tpu.memory_space<vmem>>
      %dma_wait3A_1065 = arith.constant 0 : i32
      %dma_wait3A_1066 = arith.constant 0 : i32
      %dma_wait3A_1067 = tpu.memref_slice %arg2[%dma_wait3A_1065, %dma_wait3A_1066] : memref<64x1000000xf32, #tpu.memory_space<hbm>> -> memref<8x128xf32, #tpu.memory_space<hbm>>
      %dma_wait3A_1068 = arith.constant 0 : i32
      %dma_wait3A_1069 = arith.constant 0 : i32
      %dma_wait3A_1070 = tpu.memref_slice %arg6[%and3A_563, %dma_wait3A_1059, %dma_wait3A_1060, %dma_wait3A_1068, %dma_wait3A_1069] : memref<2x4x8x8x128xf32, #tpu.memory_space<vmem>> -> memref<1x1x1x8x128xf32, #tpu.memory_space<vmem>>
      %dma_wait3A_1071 = tpu.memref_squeeze %dma_wait3A_1070 : memref<1x1x1x8x128xf32, #tpu.memory_space<vmem>> -> memref<8x128xf32, #tpu.memory_space<vmem>>
      %dma_wait3A_1072 = arith.constant 0 : i32
      %dma_wait3A_1073 = arith.constant 0 : i32
      %dma_wait3A_1074 = tpu.memref_slice %arg2[%dma_wait3A_1072, %dma_wait3A_1073] : memref<64x1000000xf32, #tpu.memory_space<hbm>> -> memref<8x128xf32, #tpu.memory_space<hbm>>
      tpu.wait_dma2 semaphore(%arg8 : memref<!tpu.dma_semaphore, #tpu.memory_space<semaphore_mem>>) src(%dma_wait3A_1074 : memref<8x128xf32, #tpu.memory_space<hbm>>) dst(%dma_wait3A_1071 : memref<8x128xf32, #tpu.memory_space<vmem>>)
      %broadcast_in_dim3A_1075 = vector.broadcast %and3A_563 : i32 to vector<16xi32>
      %rem3A = arith.constant 16 : i32
      %rem3A_1076 = arith.remsi %scan3A_557, %rem3A : i32
      %shift_right_logical3A_1077 = arith.constant 2 : i32
      %shift_right_logical3A_1078 = arith.shrui %scan3A_557, %shift_right_logical3A_1077 : i32
      %shift_left3A_1079 = arith.constant 4 : i32
      %shift_left3A_1080 = arith.shli %shift_right_logical3A_1078, %shift_left3A_1079 : i32
      %get3A_1081 = arith.index_cast %shift_left3A_1080 : i32 to index
      %get3A_1082 = tpu.vector_load %arg5[%get3A_1081] {strides = array<i32>} : memref<512xi32, #tpu.memory_space<vmem>>, vector<16xi32>,
      %and3A_1083 = arith.constant 3 : i32
      %and3A_1084 = arith.andi %scan3A_557, %and3A_1083 : i32
      %mul3A_1085 = arith.constant 4 : i32
      %mul3A_1086 = arith.muli %and3A_1084, %mul3A_1085 : i32
      %add3A_1087 = arith.constant 0 : i32
      %add3A_1088 = arith.addi %mul3A_1086, %add3A_1087 : i32
      %eq3A_1089 = vector.broadcast %add3A_1088 : i32 to vector<16xi32>
      %eq3A_1090 = arith.cmpi eq, %iota3A, %eq3A_1089 : vector<16xi32>
      %jit3A_1091 = arith.constant 0 : i32
      %broadcast_in_dim3A_1092 = vector.broadcast %jit3A_1091 : i32 to vector<16xi32>
      %select_n3A_1093 = arith.select %eq3A_1090, %get3A_1082, %broadcast_in_dim3A_1092 : vector<16xi1>, vector<16xi32>
      %reduce_sum3A_1094 = arith.constant true
      %reduce_sum3A_1095 = vector.broadcast %reduce_sum3A_1094 : i1 to vector<16xi1>
      %reduce_sum3A_1096 = tpu.scan <sum>, %select_n3A_1093 masked %reduce_sum3A_1095 : vector<16xi32>, vector<16xi1> -> vector<16xi32>
      %reduce_sum3A_1097 = vector.extract %reduce_sum3A_1096[15] : i32 from vector<16xi32>
      %and3A_1098 = arith.constant 127 : i32
      %and3A_1099 = arith.andi %reduce_sum3A_1097, %and3A_1098 : i32
      %broadcast_in_dim3A_1100 = vector.broadcast %and3A_1099 : i32 to vector<16xi32>
      %broadcast_in_dim3A_1101 = arith.constant 0 : i32
      %broadcast_in_dim3A_1102 = vector.broadcast %broadcast_in_dim3A_1101 : i32 to vector<16xi32>
      %mul3A_1103 = arith.constant 4 : i32
      %mul3A_1104 = arith.muli %rem3A_1076, %mul3A_1103 : i32
      %add3A_1105 = arith.constant 0 : i32
      %add3A_1106 = arith.addi %mul3A_1104, %add3A_1105 : i32
      %add3A_1107 = arith.constant 0 : i32
      %add3A_1108 = vector.broadcast %add3A_1107 : i32 to vector<16xi32>
      %add3A_1109 = arith.addi %iota3A, %add3A_1108 : vector<16xi32>
      %shift_right_logical3A_1110 = arith.constant 3 : i32
      %shift_right_logical3A_1111 = vector.broadcast %shift_right_logical3A_1110 : i32 to vector<16xi32>
      %shift_right_logical3A_1112 = arith.shrui %add3A_1109, %shift_right_logical3A_1111 : vector<16xi32>
      %and3A_1113 = arith.constant 7 : i32
      %and3A_1114 = vector.broadcast %and3A_1113 : i32 to vector<16xi32>
      %and3A_1115 = arith.andi %add3A_1109, %and3A_1114 : vector<16xi32>
      %gather3A = tpu.vector_load_idx %arg6[%broadcast_in_dim3A_1075, %broadcast_in_dim3A_1102, %shift_right_logical3A_1112, %and3A_1115, %broadcast_in_dim3A_1100] : memref<2x4x8x8x128xf32, #tpu.memory_space<vmem>>[vector<16xi32>, vector<16xi32>, vector<16xi32>, vector<16xi32>, vector<16xi32>], vector<16xf32>,
      %swap3A = arith.index_cast %add3A_1106 : i32 to index
      %swap3A_1116 = arith.constant 0 : index
      %swap3A_1117 = tpu.vector_load %arg7[%swap3A, %swap3A_1116] {strides = array<i32>} : memref<64x64xf32, #tpu.memory_space<vmem>>, vector<16xf32>,
      tpu.vector_store %arg7[%swap3A, %swap3A_1116], %gather3A {strides = array<i32>} : memref<64x64xf32, #tpu.memory_space<vmem>>, vector<16xf32>,
      %add3A_1118 = arith.constant 16 : i32
      %add3A_1119 = vector.broadcast %add3A_1118 : i32 to vector<16xi32>
      %add3A_1120 = arith.addi %iota3A, %add3A_1119 : vector<16xi32>
      %shift_right_logical3A_1121 = arith.constant 3 : i32
      %shift_right_logical3A_1122 = vector.broadcast %shift_right_logical3A_1121 : i32 to vector<16xi32>
      %shift_right_logical3A_1123 = arith.shrui %add3A_1120, %shift_right_logical3A_1122 : vector<16xi32>
      %and3A_1124 = arith.constant 7 : i32
      %and3A_1125 = vector.broadcast %and3A_1124 : i32 to vector<16xi32>
      %and3A_1126 = arith.andi %add3A_1120, %and3A_1125 : vector<16xi32>
      %gather3A_1127 = tpu.vector_load_idx %arg6[%broadcast_in_dim3A_1075, %broadcast_in_dim3A_1102, %shift_right_logical3A_1123, %and3A_1126, %broadcast_in_dim3A_1100] : memref<2x4x8x8x128xf32, #tpu.memory_space<vmem>>[vector<16xi32>, vector<16xi32>, vector<16xi32>, vector<16xi32>, vector<16xi32>], vector<16xf32>,
      %swap3A_1128 = arith.index_cast %add3A_1106 : i32 to index
      %swap3A_1129 = arith.constant 16 : index
      %swap3A_1130 = tpu.vector_load %arg7[%swap3A_1128, %swap3A_1129] {strides = array<i32>} : memref<64x64xf32, #tpu.memory_space<vmem>>, vector<16xf32>,
      tpu.vector_store %arg7[%swap3A_1128, %swap3A_1129], %gather3A_1127 {strides = array<i32>} : memref<64x64xf32, #tpu.memory_space<vmem>>, vector<16xf32>,
      %add3A_1131 = arith.constant 32 : i32
      %add3A_1132 = vector.broadcast %add3A_1131 : i32 to vector<16xi32>
      %add3A_1133 = arith.addi %iota3A, %add3A_1132 : vector<16xi32>
      %shift_right_logical3A_1134 = arith.constant 3 : i32
      %shift_right_logical3A_1135 = vector.broadcast %shift_right_logical3A_1134 : i32 to vector<16xi32>
      %shift_right_logical3A_1136 = arith.shrui %add3A_1133, %shift_right_logical3A_1135 : vector<16xi32>
      %and3A_1137 = arith.constant 7 : i32
      %and3A_1138 = vector.broadcast %and3A_1137 : i32 to vector<16xi32>
      %and3A_1139 = arith.andi %add3A_1133, %and3A_1138 : vector<16xi32>
      %gather3A_1140 = tpu.vector_load_idx %arg6[%broadcast_in_dim3A_1075, %broadcast_in_dim3A_1102, %shift_right_logical3A_1136, %and3A_1139, %broadcast_in_dim3A_1100] : memref<2x4x8x8x128xf32, #tpu.memory_space<vmem>>[vector<16xi32>, vector<16xi32>, vector<16xi32>, vector<16xi32>, vector<16xi32>], vector<16xf32>,
      %swap3A_1141 = arith.index_cast %add3A_1106 : i32 to index
      %swap3A_1142 = arith.constant 32 : index
      %swap3A_1143 = tpu.vector_load %arg7[%swap3A_1141, %swap3A_1142] {strides = array<i32>} : memref<64x64xf32, #tpu.memory_space<vmem>>, vector<16xf32>,
      tpu.vector_store %arg7[%swap3A_1141, %swap3A_1142], %gather3A_1140 {strides = array<i32>} : memref<64x64xf32, #tpu.memory_space<vmem>>, vector<16xf32>,
      %add3A_1144 = arith.constant 48 : i32
      %add3A_1145 = vector.broadcast %add3A_1144 : i32 to vector<16xi32>
      %add3A_1146 = arith.addi %iota3A, %add3A_1145 : vector<16xi32>
      %shift_right_logical3A_1147 = arith.constant 3 : i32
      %shift_right_logical3A_1148 = vector.broadcast %shift_right_logical3A_1147 : i32 to vector<16xi32>
      %shift_right_logical3A_1149 = arith.shrui %add3A_1146, %shift_right_logical3A_1148 : vector<16xi32>
      %and3A_1150 = arith.constant 7 : i32
      %and3A_1151 = vector.broadcast %and3A_1150 : i32 to vector<16xi32>
      %and3A_1152 = arith.andi %add3A_1146, %and3A_1151 : vector<16xi32>
      %gather3A_1153 = tpu.vector_load_idx %arg6[%broadcast_in_dim3A_1075, %broadcast_in_dim3A_1102, %shift_right_logical3A_1149, %and3A_1152, %broadcast_in_dim3A_1100] : memref<2x4x8x8x128xf32, #tpu.memory_space<vmem>>[vector<16xi32>, vector<16xi32>, vector<16xi32>, vector<16xi32>, vector<16xi32>], vector<16xf32>,
      %swap3A_1154 = arith.index_cast %add3A_1106 : i32 to index
      %swap3A_1155 = arith.constant 48 : index
      %swap3A_1156 = tpu.vector_load %arg7[%swap3A_1154, %swap3A_1155] {strides = array<i32>} : memref<64x64xf32, #tpu.memory_space<vmem>>, vector<16xf32>,
      tpu.vector_store %arg7[%swap3A_1154, %swap3A_1155], %gather3A_1153 {strides = array<i32>} : memref<64x64xf32, #tpu.memory_space<vmem>>, vector<16xf32>,
      %shift_right_logical3A_1157 = arith.constant 2 : i32
      %shift_right_logical3A_1158 = arith.shrui %scan3A_557, %shift_right_logical3A_1157 : i32
      %shift_left3A_1159 = arith.constant 4 : i32
      %shift_left3A_1160 = arith.shli %shift_right_logical3A_1158, %shift_left3A_1159 : i32
      %get3A_1161 = arith.index_cast %shift_left3A_1160 : i32 to index
      %get3A_1162 = tpu.vector_load %arg5[%get3A_1161] {strides = array<i32>} : memref<512xi32, #tpu.memory_space<vmem>>, vector<16xi32>,
      %and3A_1163 = arith.constant 3 : i32
      %and3A_1164 = arith.andi %scan3A_557, %and3A_1163 : i32
      %mul3A_1165 = arith.constant 4 : i32
      %mul3A_1166 = arith.muli %and3A_1164, %mul3A_1165 : i32
      %add3A_1167 = arith.constant 1 : i32
      %add3A_1168 = arith.addi %mul3A_1166, %add3A_1167 : i32
      %eq3A_1169 = vector.broadcast %add3A_1168 : i32 to vector<16xi32>
      %eq3A_1170 = arith.cmpi eq, %iota3A, %eq3A_1169 : vector<16xi32>
      %jit3A_1171 = arith.constant 0 : i32
      %broadcast_in_dim3A_1172 = vector.broadcast %jit3A_1171 : i32 to vector<16xi32>
      %select_n3A_1173 = arith.select %eq3A_1170, %get3A_1162, %broadcast_in_dim3A_1172 : vector<16xi1>, vector<16xi32>
      %reduce_sum3A_1174 = arith.constant true
      %reduce_sum3A_1175 = vector.broadcast %reduce_sum3A_1174 : i1 to vector<16xi1>
      %reduce_sum3A_1176 = tpu.scan <sum>, %select_n3A_1173 masked %reduce_sum3A_1175 : vector<16xi32>, vector<16xi1> -> vector<16xi32>
      %reduce_sum3A_1177 = vector.extract %reduce_sum3A_1176[15] : i32 from vector<16xi32>
      %and3A_1178 = arith.constant 127 : i32
      %and3A_1179 = arith.andi %reduce_sum3A_1177, %and3A_1178 : i32
      %broadcast_in_dim3A_1180 = vector.broadcast %and3A_1179 : i32 to vector<16xi32>
      %broadcast_in_dim3A_1181 = arith.constant 1 : i32
      %broadcast_in_dim3A_1182 = vector.broadcast %broadcast_in_dim3A_1181 : i32 to vector<16xi32>
      %mul3A_1183 = arith.constant 4 : i32
      %mul3A_1184 = arith.muli %rem3A_1076, %mul3A_1183 : i32
      %add3A_1185 = arith.constant 1 : i32
      %add3A_1186 = arith.addi %mul3A_1184, %add3A_1185 : i32
      %add3A_1187 = arith.constant 0 : i32
      %add3A_1188 = vector.broadcast %add3A_1187 : i32 to vector<16xi32>
      %add3A_1189 = arith.addi %iota3A, %add3A_1188 : vector<16xi32>
      %shift_right_logical3A_1190 = arith.constant 3 : i32
      %shift_right_logical3A_1191 = vector.broadcast %shift_right_logical3A_1190 : i32 to vector<16xi32>
      %shift_right_logical3A_1192 = arith.shrui %add3A_1189, %shift_right_logical3A_1191 : vector<16xi32>
      %and3A_1193 = arith.constant 7 : i32
      %and3A_1194 = vector.broadcast %and3A_1193 : i32 to vector<16xi32>
      %and3A_1195 = arith.andi %add3A_1189, %and3A_1194 : vector<16xi32>
      %gather3A_1196 = tpu.vector_load_idx %arg6[%broadcast_in_dim3A_1075, %broadcast_in_dim3A_1182, %shift_right_logical3A_1192, %and3A_1195, %broadcast_in_dim3A_1180] : memref<2x4x8x8x128xf32, #tpu.memory_space<vmem>>[vector<16xi32>, vector<16xi32>, vector<16xi32>, vector<16xi32>, vector<16xi32>], vector<16xf32>,
      %swap3A_1197 = arith.index_cast %add3A_1186 : i32 to index
      %swap3A_1198 = arith.constant 0 : index
      %swap3A_1199 = tpu.vector_load %arg7[%swap3A_1197, %swap3A_1198] {strides = array<i32>} : memref<64x64xf32, #tpu.memory_space<vmem>>, vector<16xf32>,
      tpu.vector_store %arg7[%swap3A_1197, %swap3A_1198], %gather3A_1196 {strides = array<i32>} : memref<64x64xf32, #tpu.memory_space<vmem>>, vector<16xf32>,
      %add3A_1200 = arith.constant 16 : i32
      %add3A_1201 = vector.broadcast %add3A_1200 : i32 to vector<16xi32>
      %add3A_1202 = arith.addi %iota3A, %add3A_1201 : vector<16xi32>
      %shift_right_logical3A_1203 = arith.constant 3 : i32
      %shift_right_logical3A_1204 = vector.broadcast %shift_right_logical3A_1203 : i32 to vector<16xi32>
      %shift_right_logical3A_1205 = arith.shrui %add3A_1202, %shift_right_logical3A_1204 : vector<16xi32>
      %and3A_1206 = arith.constant 7 : i32
      %and3A_1207 = vector.broadcast %and3A_1206 : i32 to vector<16xi32>
      %and3A_1208 = arith.andi %add3A_1202, %and3A_1207 : vector<16xi32>
      %gather3A_1209 = tpu.vector_load_idx %arg6[%broadcast_in_dim3A_1075, %broadcast_in_dim3A_1182, %shift_right_logical3A_1205, %and3A_1208, %broadcast_in_dim3A_1180] : memref<2x4x8x8x128xf32, #tpu.memory_space<vmem>>[vector<16xi32>, vector<16xi32>, vector<16xi32>, vector<16xi32>, vector<16xi32>], vector<16xf32>,
      %swap3A_1210 = arith.index_cast %add3A_1186 : i32 to index
      %swap3A_1211 = arith.constant 16 : index
      %swap3A_1212 = tpu.vector_load %arg7[%swap3A_1210, %swap3A_1211] {strides = array<i32>} : memref<64x64xf32, #tpu.memory_space<vmem>>, vector<16xf32>,
      tpu.vector_store %arg7[%swap3A_1210, %swap3A_1211], %gather3A_1209 {strides = array<i32>} : memref<64x64xf32, #tpu.memory_space<vmem>>, vector<16xf32>,
      %add3A_1213 = arith.constant 32 : i32
      %add3A_1214 = vector.broadcast %add3A_1213 : i32 to vector<16xi32>
      %add3A_1215 = arith.addi %iota3A, %add3A_1214 : vector<16xi32>
      %shift_right_logical3A_1216 = arith.constant 3 : i32
      %shift_right_logical3A_1217 = vector.broadcast %shift_right_logical3A_1216 : i32 to vector<16xi32>
      %shift_right_logical3A_1218 = arith.shrui %add3A_1215, %shift_right_logical3A_1217 : vector<16xi32>
      %and3A_1219 = arith.constant 7 : i32
      %and3A_1220 = vector.broadcast %and3A_1219 : i32 to vector<16xi32>
      %and3A_1221 = arith.andi %add3A_1215, %and3A_1220 : vector<16xi32>
      %gather3A_1222 = tpu.vector_load_idx %arg6[%broadcast_in_dim3A_1075, %broadcast_in_dim3A_1182, %shift_right_logical3A_1218, %and3A_1221, %broadcast_in_dim3A_1180] : memref<2x4x8x8x128xf32, #tpu.memory_space<vmem>>[vector<16xi32>, vector<16xi32>, vector<16xi32>, vector<16xi32>, vector<16xi32>], vector<16xf32>,
      %swap3A_1223 = arith.index_cast %add3A_1186 : i32 to index
      %swap3A_1224 = arith.constant 32 : index
      %swap3A_1225 = tpu.vector_load %arg7[%swap3A_1223, %swap3A_1224] {strides = array<i32>} : memref<64x64xf32, #tpu.memory_space<vmem>>, vector<16xf32>,
      tpu.vector_store %arg7[%swap3A_1223, %swap3A_1224], %gather3A_1222 {strides = array<i32>} : memref<64x64xf32, #tpu.memory_space<vmem>>, vector<16xf32>,
      %add3A_1226 = arith.constant 48 : i32
      %add3A_1227 = vector.broadcast %add3A_1226 : i32 to vector<16xi32>
      %add3A_1228 = arith.addi %iota3A, %add3A_1227 : vector<16xi32>
      %shift_right_logical3A_1229 = arith.constant 3 : i32
      %shift_right_logical3A_1230 = vector.broadcast %shift_right_logical3A_1229 : i32 to vector<16xi32>
      %shift_right_logical3A_1231 = arith.shrui %add3A_1228, %shift_right_logical3A_1230 : vector<16xi32>
      %and3A_1232 = arith.constant 7 : i32
      %and3A_1233 = vector.broadcast %and3A_1232 : i32 to vector<16xi32>
      %and3A_1234 = arith.andi %add3A_1228, %and3A_1233 : vector<16xi32>
      %gather3A_1235 = tpu.vector_load_idx %arg6[%broadcast_in_dim3A_1075, %broadcast_in_dim3A_1182, %shift_right_logical3A_1231, %and3A_1234, %broadcast_in_dim3A_1180] : memref<2x4x8x8x128xf32, #tpu.memory_space<vmem>>[vector<16xi32>, vector<16xi32>, vector<16xi32>, vector<16xi32>, vector<16xi32>], vector<16xf32>,
      %swap3A_1236 = arith.index_cast %add3A_1186 : i32 to index
      %swap3A_1237 = arith.constant 48 : index
      %swap3A_1238 = tpu.vector_load %arg7[%swap3A_1236, %swap3A_1237] {strides = array<i32>} : memref<64x64xf32, #tpu.memory_space<vmem>>, vector<16xf32>,
      tpu.vector_store %arg7[%swap3A_1236, %swap3A_1237], %gather3A_1235 {strides = array<i32>} : memref<64x64xf32, #tpu.memory_space<vmem>>, vector<16xf32>,
      %shift_right_logical3A_1239 = arith.constant 2 : i32
      %shift_right_logical3A_1240 = arith.shrui %scan3A_557, %shift_right_logical3A_1239 : i32
      %shift_left3A_1241 = arith.constant 4 : i32
      %shift_left3A_1242 = arith.shli %shift_right_logical3A_1240, %shift_left3A_1241 : i32
      %get3A_1243 = arith.index_cast %shift_left3A_1242 : i32 to index
      %get3A_1244 = tpu.vector_load %arg5[%get3A_1243] {strides = array<i32>} : memref<512xi32, #tpu.memory_space<vmem>>, vector<16xi32>,
      %and3A_1245 = arith.constant 3 : i32
      %and3A_1246 = arith.andi %scan3A_557, %and3A_1245 : i32
      %mul3A_1247 = arith.constant 4 : i32
      %mul3A_1248 = arith.muli %and3A_1246, %mul3A_1247 : i32
      %add3A_1249 = arith.constant 2 : i32
      %add3A_1250 = arith.addi %mul3A_1248, %add3A_1249 : i32
      %eq3A_1251 = vector.broadcast %add3A_1250 : i32 to vector<16xi32>
      %eq3A_1252 = arith.cmpi eq, %iota3A, %eq3A_1251 : vector<16xi32>
      %jit3A_1253 = arith.constant 0 : i32
      %broadcast_in_dim3A_1254 = vector.broadcast %jit3A_1253 : i32 to vector<16xi32>
      %select_n3A_1255 = arith.select %eq3A_1252, %get3A_1244, %broadcast_in_dim3A_1254 : vector<16xi1>, vector<16xi32>
      %reduce_sum3A_1256 = arith.constant true
      %reduce_sum3A_1257 = vector.broadcast %reduce_sum3A_1256 : i1 to vector<16xi1>
      %reduce_sum3A_1258 = tpu.scan <sum>, %select_n3A_1255 masked %reduce_sum3A_1257 : vector<16xi32>, vector<16xi1> -> vector<16xi32>
      %reduce_sum3A_1259 = vector.extract %reduce_sum3A_1258[15] : i32 from vector<16xi32>
      %and3A_1260 = arith.constant 127 : i32
      %and3A_1261 = arith.andi %reduce_sum3A_1259, %and3A_1260 : i32
      %broadcast_in_dim3A_1262 = vector.broadcast %and3A_1261 : i32 to vector<16xi32>
      %broadcast_in_dim3A_1263 = arith.constant 2 : i32
      %broadcast_in_dim3A_1264 = vector.broadcast %broadcast_in_dim3A_1263 : i32 to vector<16xi32>
      %mul3A_1265 = arith.constant 4 : i32
      %mul3A_1266 = arith.muli %rem3A_1076, %mul3A_1265 : i32
      %add3A_1267 = arith.constant 2 : i32
      %add3A_1268 = arith.addi %mul3A_1266, %add3A_1267 : i32
      %add3A_1269 = arith.constant 0 : i32
      %add3A_1270 = vector.broadcast %add3A_1269 : i32 to vector<16xi32>
      %add3A_1271 = arith.addi %iota3A, %add3A_1270 : vector<16xi32>
      %shift_right_logical3A_1272 = arith.constant 3 : i32
      %shift_right_logical3A_1273 = vector.broadcast %shift_right_logical3A_1272 : i32 to vector<16xi32>
      %shift_right_logical3A_1274 = arith.shrui %add3A_1271, %shift_right_logical3A_1273 : vector<16xi32>
      %and3A_1275 = arith.constant 7 : i32
      %and3A_1276 = vector.broadcast %and3A_1275 : i32 to vector<16xi32>
      %and3A_1277 = arith.andi %add3A_1271, %and3A_1276 : vector<16xi32>
      %gather3A_1278 = tpu.vector_load_idx %arg6[%broadcast_in_dim3A_1075, %broadcast_in_dim3A_1264, %shift_right_logical3A_1274, %and3A_1277, %broadcast_in_dim3A_1262] : memref<2x4x8x8x128xf32, #tpu.memory_space<vmem>>[vector<16xi32>, vector<16xi32>, vector<16xi32>, vector<16xi32>, vector<16xi32>], vector<16xf32>,
      %swap3A_1279 = arith.index_cast %add3A_1268 : i32 to index
      %swap3A_1280 = arith.constant 0 : index
      %swap3A_1281 = tpu.vector_load %arg7[%swap3A_1279, %swap3A_1280] {strides = array<i32>} : memref<64x64xf32, #tpu.memory_space<vmem>>, vector<16xf32>,
      tpu.vector_store %arg7[%swap3A_1279, %swap3A_1280], %gather3A_1278 {strides = array<i32>} : memref<64x64xf32, #tpu.memory_space<vmem>>, vector<16xf32>,
      %add3A_1282 = arith.constant 16 : i32
      %add3A_1283 = vector.broadcast %add3A_1282 : i32 to vector<16xi32>
      %add3A_1284 = arith.addi %iota3A, %add3A_1283 : vector<16xi32>
      %shift_right_logical3A_1285 = arith.constant 3 : i32
      %shift_right_logical3A_1286 = vector.broadcast %shift_right_logical3A_1285 : i32 to vector<16xi32>
      %shift_right_logical3A_1287 = arith.shrui %add3A_1284, %shift_right_logical3A_1286 : vector<16xi32>
      %and3A_1288 = arith.constant 7 : i32
      %and3A_1289 = vector.broadcast %and3A_1288 : i32 to vector<16xi32>
      %and3A_1290 = arith.andi %add3A_1284, %and3A_1289 : vector<16xi32>
      %gather3A_1291 = tpu.vector_load_idx %arg6[%broadcast_in_dim3A_1075, %broadcast_in_dim3A_1264, %shift_right_logical3A_1287, %and3A_1290, %broadcast_in_dim3A_1262] : memref<2x4x8x8x128xf32, #tpu.memory_space<vmem>>[vector<16xi32>, vector<16xi32>, vector<16xi32>, vector<16xi32>, vector<16xi32>], vector<16xf32>,
      %swap3A_1292 = arith.index_cast %add3A_1268 : i32 to index
      %swap3A_1293 = arith.constant 16 : index
      %swap3A_1294 = tpu.vector_load %arg7[%swap3A_1292, %swap3A_1293] {strides = array<i32>} : memref<64x64xf32, #tpu.memory_space<vmem>>, vector<16xf32>,
      tpu.vector_store %arg7[%swap3A_1292, %swap3A_1293], %gather3A_1291 {strides = array<i32>} : memref<64x64xf32, #tpu.memory_space<vmem>>, vector<16xf32>,
      %add3A_1295 = arith.constant 32 : i32
      %add3A_1296 = vector.broadcast %add3A_1295 : i32 to vector<16xi32>
      %add3A_1297 = arith.addi %iota3A, %add3A_1296 : vector<16xi32>
      %shift_right_logical3A_1298 = arith.constant 3 : i32
      %shift_right_logical3A_1299 = vector.broadcast %shift_right_logical3A_1298 : i32 to vector<16xi32>
      %shift_right_logical3A_1300 = arith.shrui %add3A_1297, %shift_right_logical3A_1299 : vector<16xi32>
      %and3A_1301 = arith.constant 7 : i32
      %and3A_1302 = vector.broadcast %and3A_1301 : i32 to vector<16xi32>
      %and3A_1303 = arith.andi %add3A_1297, %and3A_1302 : vector<16xi32>
      %gather3A_1304 = tpu.vector_load_idx %arg6[%broadcast_in_dim3A_1075, %broadcast_in_dim3A_1264, %shift_right_logical3A_1300, %and3A_1303, %broadcast_in_dim3A_1262] : memref<2x4x8x8x128xf32, #tpu.memory_space<vmem>>[vector<16xi32>, vector<16xi32>, vector<16xi32>, vector<16xi32>, vector<16xi32>], vector<16xf32>,
      %swap3A_1305 = arith.index_cast %add3A_1268 : i32 to index
      %swap3A_1306 = arith.constant 32 : index
      %swap3A_1307 = tpu.vector_load %arg7[%swap3A_1305, %swap3A_1306] {strides = array<i32>} : memref<64x64xf32, #tpu.memory_space<vmem>>, vector<16xf32>,
      tpu.vector_store %arg7[%swap3A_1305, %swap3A_1306], %gather3A_1304 {strides = array<i32>} : memref<64x64xf32, #tpu.memory_space<vmem>>, vector<16xf32>,
      %add3A_1308 = arith.constant 48 : i32
      %add3A_1309 = vector.broadcast %add3A_1308 : i32 to vector<16xi32>
      %add3A_1310 = arith.addi %iota3A, %add3A_1309 : vector<16xi32>
      %shift_right_logical3A_1311 = arith.constant 3 : i32
      %shift_right_logical3A_1312 = vector.broadcast %shift_right_logical3A_1311 : i32 to vector<16xi32>
      %shift_right_logical3A_1313 = arith.shrui %add3A_1310, %shift_right_logical3A_1312 : vector<16xi32>
      %and3A_1314 = arith.constant 7 : i32
      %and3A_1315 = vector.broadcast %and3A_1314 : i32 to vector<16xi32>
      %and3A_1316 = arith.andi %add3A_1310, %and3A_1315 : vector<16xi32>
      %gather3A_1317 = tpu.vector_load_idx %arg6[%broadcast_in_dim3A_1075, %broadcast_in_dim3A_1264, %shift_right_logical3A_1313, %and3A_1316, %broadcast_in_dim3A_1262] : memref<2x4x8x8x128xf32, #tpu.memory_space<vmem>>[vector<16xi32>, vector<16xi32>, vector<16xi32>, vector<16xi32>, vector<16xi32>], vector<16xf32>,
      %swap3A_1318 = arith.index_cast %add3A_1268 : i32 to index
      %swap3A_1319 = arith.constant 48 : index
      %swap3A_1320 = tpu.vector_load %arg7[%swap3A_1318, %swap3A_1319] {strides = array<i32>} : memref<64x64xf32, #tpu.memory_space<vmem>>, vector<16xf32>,
      tpu.vector_store %arg7[%swap3A_1318, %swap3A_1319], %gather3A_1317 {strides = array<i32>} : memref<64x64xf32, #tpu.memory_space<vmem>>, vector<16xf32>,
      %shift_right_logical3A_1321 = arith.constant 2 : i32
      %shift_right_logical3A_1322 = arith.shrui %scan3A_557, %shift_right_logical3A_1321 : i32
      %shift_left3A_1323 = arith.constant 4 : i32
      %shift_left3A_1324 = arith.shli %shift_right_logical3A_1322, %shift_left3A_1323 : i32
      %get3A_1325 = arith.index_cast %shift_left3A_1324 : i32 to index
      %get3A_1326 = tpu.vector_load %arg5[%get3A_1325] {strides = array<i32>} : memref<512xi32, #tpu.memory_space<vmem>>, vector<16xi32>,
      %and3A_1327 = arith.constant 3 : i32
      %and3A_1328 = arith.andi %scan3A_557, %and3A_1327 : i32
      %mul3A_1329 = arith.constant 4 : i32
      %mul3A_1330 = arith.muli %and3A_1328, %mul3A_1329 : i32
      %add3A_1331 = arith.constant 3 : i32
      %add3A_1332 = arith.addi %mul3A_1330, %add3A_1331 : i32
      %eq3A_1333 = vector.broadcast %add3A_1332 : i32 to vector<16xi32>
      %eq3A_1334 = arith.cmpi eq, %iota3A, %eq3A_1333 : vector<16xi32>
      %jit3A_1335 = arith.constant 0 : i32
      %broadcast_in_dim3A_1336 = vector.broadcast %jit3A_1335 : i32 to vector<16xi32>
      %select_n3A_1337 = arith.select %eq3A_1334, %get3A_1326, %broadcast_in_dim3A_1336 : vector<16xi1>, vector<16xi32>
      %reduce_sum3A_1338 = arith.constant true
      %reduce_sum3A_1339 = vector.broadcast %reduce_sum3A_1338 : i1 to vector<16xi1>
      %reduce_sum3A_1340 = tpu.scan <sum>, %select_n3A_1337 masked %reduce_sum3A_1339 : vector<16xi32>, vector<16xi1> -> vector<16xi32>
      %reduce_sum3A_1341 = vector.extract %reduce_sum3A_1340[15] : i32 from vector<16xi32>
      %and3A_1342 = arith.constant 127 : i32
      %and3A_1343 = arith.andi %reduce_sum3A_1341, %and3A_1342 : i32
      %broadcast_in_dim3A_1344 = vector.broadcast %and3A_1343 : i32 to vector<16xi32>
      %broadcast_in_dim3A_1345 = arith.constant 3 : i32
      %broadcast_in_dim3A_1346 = vector.broadcast %broadcast_in_dim3A_1345 : i32 to vector<16xi32>
      %mul3A_1347 = arith.constant 4 : i32
      %mul3A_1348 = arith.muli %rem3A_1076, %mul3A_1347 : i32
      %add3A_1349 = arith.constant 3 : i32
      %add3A_1350 = arith.addi %mul3A_1348, %add3A_1349 : i32
      %add3A_1351 = arith.constant 0 : i32
      %add3A_1352 = vector.broadcast %add3A_1351 : i32 to vector<16xi32>
      %add3A_1353 = arith.addi %iota3A, %add3A_1352 : vector<16xi32>
      %shift_right_logical3A_1354 = arith.constant 3 : i32
      %shift_right_logical3A_1355 = vector.broadcast %shift_right_logical3A_1354 : i32 to vector<16xi32>
      %shift_right_logical3A_1356 = arith.shrui %add3A_1353, %shift_right_logical3A_1355 : vector<16xi32>
      %and3A_1357 = arith.constant 7 : i32
      %and3A_1358 = vector.broadcast %and3A_1357 : i32 to vector<16xi32>
      %and3A_1359 = arith.andi %add3A_1353, %and3A_1358 : vector<16xi32>
      %gather3A_1360 = tpu.vector_load_idx %arg6[%broadcast_in_dim3A_1075, %broadcast_in_dim3A_1346, %shift_right_logical3A_1356, %and3A_1359, %broadcast_in_dim3A_1344] : memref<2x4x8x8x128xf32, #tpu.memory_space<vmem>>[vector<16xi32>, vector<16xi32>, vector<16xi32>, vector<16xi32>, vector<16xi32>], vector<16xf32>,
      %swap3A_1361 = arith.index_cast %add3A_1350 : i32 to index
      %swap3A_1362 = arith.constant 0 : index
      %swap3A_1363 = tpu.vector_load %arg7[%swap3A_1361, %swap3A_1362] {strides = array<i32>} : memref<64x64xf32, #tpu.memory_space<vmem>>, vector<16xf32>,
      tpu.vector_store %arg7[%swap3A_1361, %swap3A_1362], %gather3A_1360 {strides = array<i32>} : memref<64x64xf32, #tpu.memory_space<vmem>>, vector<16xf32>,
      %add3A_1364 = arith.constant 16 : i32
      %add3A_1365 = vector.broadcast %add3A_1364 : i32 to vector<16xi32>
      %add3A_1366 = arith.addi %iota3A, %add3A_1365 : vector<16xi32>
      %shift_right_logical3A_1367 = arith.constant 3 : i32
      %shift_right_logical3A_1368 = vector.broadcast %shift_right_logical3A_1367 : i32 to vector<16xi32>
      %shift_right_logical3A_1369 = arith.shrui %add3A_1366, %shift_right_logical3A_1368 : vector<16xi32>
      %and3A_1370 = arith.constant 7 : i32
      %and3A_1371 = vector.broadcast %and3A_1370 : i32 to vector<16xi32>
      %and3A_1372 = arith.andi %add3A_1366, %and3A_1371 : vector<16xi32>
      %gather3A_1373 = tpu.vector_load_idx %arg6[%broadcast_in_dim3A_1075, %broadcast_in_dim3A_1346, %shift_right_logical3A_1369, %and3A_1372, %broadcast_in_dim3A_1344] : memref<2x4x8x8x128xf32, #tpu.memory_space<vmem>>[vector<16xi32>, vector<16xi32>, vector<16xi32>, vector<16xi32>, vector<16xi32>], vector<16xf32>,
      %swap3A_1374 = arith.index_cast %add3A_1350 : i32 to index
      %swap3A_1375 = arith.constant 16 : index
      %swap3A_1376 = tpu.vector_load %arg7[%swap3A_1374, %swap3A_1375] {strides = array<i32>} : memref<64x64xf32, #tpu.memory_space<vmem>>, vector<16xf32>,
      tpu.vector_store %arg7[%swap3A_1374, %swap3A_1375], %gather3A_1373 {strides = array<i32>} : memref<64x64xf32, #tpu.memory_space<vmem>>, vector<16xf32>,
      %add3A_1377 = arith.constant 32 : i32
      %add3A_1378 = vector.broadcast %add3A_1377 : i32 to vector<16xi32>
      %add3A_1379 = arith.addi %iota3A, %add3A_1378 : vector<16xi32>
      %shift_right_logical3A_1380 = arith.constant 3 : i32
      %shift_right_logical3A_1381 = vector.broadcast %shift_right_logical3A_1380 : i32 to vector<16xi32>
      %shift_right_logical3A_1382 = arith.shrui %add3A_1379, %shift_right_logical3A_1381 : vector<16xi32>
      %and3A_1383 = arith.constant 7 : i32
      %and3A_1384 = vector.broadcast %and3A_1383 : i32 to vector<16xi32>
      %and3A_1385 = arith.andi %add3A_1379, %and3A_1384 : vector<16xi32>
      %gather3A_1386 = tpu.vector_load_idx %arg6[%broadcast_in_dim3A_1075, %broadcast_in_dim3A_1346, %shift_right_logical3A_1382, %and3A_1385, %broadcast_in_dim3A_1344] : memref<2x4x8x8x128xf32, #tpu.memory_space<vmem>>[vector<16xi32>, vector<16xi32>, vector<16xi32>, vector<16xi32>, vector<16xi32>], vector<16xf32>,
      %swap3A_1387 = arith.index_cast %add3A_1350 : i32 to index
      %swap3A_1388 = arith.constant 32 : index
      %swap3A_1389 = tpu.vector_load %arg7[%swap3A_1387, %swap3A_1388] {strides = array<i32>} : memref<64x64xf32, #tpu.memory_space<vmem>>, vector<16xf32>,
      tpu.vector_store %arg7[%swap3A_1387, %swap3A_1388], %gather3A_1386 {strides = array<i32>} : memref<64x64xf32, #tpu.memory_space<vmem>>, vector<16xf32>,
      %add3A_1390 = arith.constant 48 : i32
      %add3A_1391 = vector.broadcast %add3A_1390 : i32 to vector<16xi32>
      %add3A_1392 = arith.addi %iota3A, %add3A_1391 : vector<16xi32>
      %shift_right_logical3A_1393 = arith.constant 3 : i32
      %shift_right_logical3A_1394 = vector.broadcast %shift_right_logical3A_1393 : i32 to vector<16xi32>
      %shift_right_logical3A_1395 = arith.shrui %add3A_1392, %shift_right_logical3A_1394 : vector<16xi32>
      %and3A_1396 = arith.constant 7 : i32
      %and3A_1397 = vector.broadcast %and3A_1396 : i32 to vector<16xi32>
      %and3A_1398 = arith.andi %add3A_1392, %and3A_1397 : vector<16xi32>
      %gather3A_1399 = tpu.vector_load_idx %arg6[%broadcast_in_dim3A_1075, %broadcast_in_dim3A_1346, %shift_right_logical3A_1395, %and3A_1398, %broadcast_in_dim3A_1344] : memref<2x4x8x8x128xf32, #tpu.memory_space<vmem>>[vector<16xi32>, vector<16xi32>, vector<16xi32>, vector<16xi32>, vector<16xi32>], vector<16xf32>,
      %swap3A_1400 = arith.index_cast %add3A_1350 : i32 to index
      %swap3A_1401 = arith.constant 48 : index
      %swap3A_1402 = tpu.vector_load %arg7[%swap3A_1400, %swap3A_1401] {strides = array<i32>} : memref<64x64xf32, #tpu.memory_space<vmem>>, vector<16xf32>,
      tpu.vector_store %arg7[%swap3A_1400, %swap3A_1401], %gather3A_1399 {strides = array<i32>} : memref<64x64xf32, #tpu.memory_space<vmem>>, vector<16xf32>,
      %eq3A_1403 = arith.constant 15 : i32
      %eq3A_1404 = arith.cmpi eq, %rem3A_1076, %eq3A_1403 : i32
      %convert_element_type3A_1405 = arith.extui %eq3A_1404 : i1 to i32
      %cond3A_1406 = arith.constant 0 : i32
      %cond3A_1407 = arith.cmpi ne, %convert_element_type3A_1405, %cond3A_1406 : i32
      scf.if %cond3A_1407 {
        %div3A = arith.constant 16 : i32
        %div3A_1408 = arith.divsi %scan3A_557, %div3A : i32
        %mul3A_1409 = arith.constant 64 : i32
        %mul3A_1410 = arith.muli %div3A_1408, %mul3A_1409 : i32
        %add3A_1411 = arith.addi %mul3A_2, %mul3A_1410 : i32
        "tpu.region"() ({
          %run_scoped3A = tpu.sem_alloc : memref<!tpu.dma_semaphore, #tpu.memory_space<semaphore_mem>>
          %dma_start3A_1412 = arith.constant 0 : i32
          %dma_start3A_1413 = tpu.memref_slice %arg4[%add3A_1411, %dma_start3A_1412] : memref<16384x64xf32, #tpu.memory_space<hbm>> -> memref<64x64xf32, #tpu.memory_space<hbm>>
          %dma_start3A_1414 = arith.constant 0 : i32
          %dma_start3A_1415 = tpu.memref_slice %arg4[%add3A_1411, %dma_start3A_1414] : memref<16384x64xf32, #tpu.memory_space<hbm>> -> memref<64x64xf32, #tpu.memory_space<hbm>>
          tpu.enqueue_dma source(%arg7 : memref<64x64xf32, #tpu.memory_space<vmem>>) target(%dma_start3A_1415 : memref<64x64xf32, #tpu.memory_space<hbm>>) target_semaphore(%run_scoped3A : memref<!tpu.dma_semaphore, #tpu.memory_space<semaphore_mem>>)
          %dma_wait3A_1416 = arith.constant 0 : i32
          %dma_wait3A_1417 = tpu.memref_slice %arg4[%add3A_1411, %dma_wait3A_1416] : memref<16384x64xf32, #tpu.memory_space<hbm>> -> memref<64x64xf32, #tpu.memory_space<hbm>>
          %dma_wait3A_1418 = arith.constant 0 : i32
          %dma_wait3A_1419 = tpu.memref_slice %arg4[%add3A_1411, %dma_wait3A_1418] : memref<16384x64xf32, #tpu.memory_space<hbm>> -> memref<64x64xf32, #tpu.memory_space<hbm>>
          tpu.wait_dma2 semaphore(%run_scoped3A : memref<!tpu.dma_semaphore, #tpu.memory_space<semaphore_mem>>) src(%arg7 : memref<64x64xf32, #tpu.memory_space<vmem>>) dst(%dma_wait3A_1419 : memref<64x64xf32, #tpu.memory_space<hbm>>)
          tpu.yield
        }) : () -> ()
      } else {
      }
    }
    %scan3A_556 = arith.constant 128 : i32
    return
  }
}

</mosaic_0001>

<sc_bundles>
// kernel: kernel.3.cloned.1.call-start
scs
__scs_entry_jumppad:
0x0: {  	(pc) =	sbr.rel $0x88, $3  }
0x1: {  	(tag) =	ssettag $0x0;
	lr =	simm.s32 $0x1  }
0x2: {  	[smem:$0x3F9F] =	sst lr;
	_ =	strace $0xD0000000  }
0x3: {  	_ = 	snop  }
0x4: {  	_ = 	snop  }
0x5: {  	_ = 	snop  }
0x6: {  	_ = 	snop  }
0x7: {  	_ = 	snop  }
__scs_overlays_trampoline_lowered:
0x8: {  	[smem:$0x3FAE] =	sst s0  }
0x9: {  	[smem:$0x3FAF] =	sst s1  }
0xa: {  	[smem:$0x3FB0] =	sst s2  }
0xb: {  	[smem:$0x3FB1] =	sst s3  }
0xc: {  	[smem:$0x3FB2] =	sst s4  }
0xd: {  	[smem:$0x3FB3] =	sst s5  }
0xe: {  	[smem:$0x3FB4] =	sst s6  }
0xf: {  	[smem:$0x3FB5] =	sst s7  }
0x10: {  	[smem:$0x3FB6] =	sst s8  }
0x11: {  	[smem:$0x3FB7] =	sst s9;
	s0 =	simm.s32 @!p0 $0x0  }
0x12: {  	s1 =	sld [smem:$0x3F9D];
	s0 =	simm.s32 @p0 $0x1  }
0x13: {  	[smem:$0x3FB8] =	sst s0;
	s0 =	simm.s32 @!p1 $0x0  }
0x14: {  	s2 =	sld [smem:$0x3F9C];
	s0 =	simm.s32 @p1 $0x1  }
0x15: {  	[smem:$0x3FB9] =	sst s0;
	s0 =	simm.s32 @!p2 $0x0  }
0x16: {  	s3 =	sld [smem:$0x3FDB];
	s0 =	simm.s32 @p2 $0x1  }
0x17: {  	s4 =	simm.s32 $0x1BF5;
	[smem:$0x3FBB] =	sst s0  }
0x18: {  	s0 =	sld [smem:$0x3F9E];
	_ =	swait.ge [sflag:s4], $0x0  }
0x19: {  	s7 =	sld [smem:$0x3F9F]  }
0x1a: {  	s8 =	sadd.s32 $0xFFFFE003, lr  }
0x1b: {  	s9 =	sadd.s32 $0xFFFFFEF7, lr;
	s5 =	simm.s32 $0xFFFFFFFF;
	p2 =	slt.u32 s8, $0xFFFFF086  }
0x1c: {  	p1 =	slt.u32 s9, $0xF7A;
	s5 =	simm.s32 @!p2 $0x0  }
0x1d: {  	s5 =	simm.s32 @p1 $0x1;
	p0 =	seq.s32 s7, s2  }
0x1e: {  	s7 =	smul.u32 @!p0 $0xF7A, s2;
	p2 =	seq.s32 @!p0 s5, $0x0  }
0x1f: {  	s9 =	smul.u32 $0xF7A, s1;
	s8 =	simm.s32 @!p0 $0x1BF5;
	p2 =	por !p2, p0  }
0x20: {  	[sflag:s8] =	ssyncset.s32 @!p0 $0xFFFFF086;
	s6 =	sadd.s32 @!p0 s3, s7;
	s7 =	simm.s32 @!p0 $0x108  }
0x21: {  	s3 =	sadd.s32 s3, s9;
	s6 =	sadd.s32 @!p0 $0x88, s6;
	s7 =	simm.s32 @p2 $0x1082  }
0x22: {  	[simem:s7], [sflag:s8] =	dma.local @!p0 [hbm:s6], $0xF7A  }
0x23: {  	s9 =	sor.u32 $0xD0000000, s2;
	s6 =	simm.s32 $0x108;
	_ =	swait.ge @!p0 [sflag:s8], $0x0  }
0x24: {  	s3 =	sadd.s32 $0x88, s3;
	s6 =	simm.s32 @!p1 $0x1082;
	[sflag:s4] =	ssyncset.s32 $0xFFFFF086  }
0x25: {  	[simem:s6], [sflag:s4] =	dma.local [hbm:s3], $0xF7A  }
0x26: {  	[smem:$0x3F9F] =	sst s1;
	(tag) =	ssettag s2;
	_ =	strace s9  }
0x27: {  	s1 =	sld [smem:$0x3FAF]  }
0x28: {  	s2 =	sld [smem:$0x3FB0]  }
0x29: {  	s4 =	sld [smem:$0x3FB2]  }
0x2a: {  	p0 =	seq.s32 s5, $0x0;
	s5 =	sld [smem:$0x3FB3]  }
0x2b: {  	s6 =	sld [smem:$0x3FB4]  }
0x2c: {  	s7 =	sld [smem:$0x3FB5]  }
0x2d: {  	s3 =	simm.s32 $0x108;
	s8 =	sld [smem:$0x3FB6]  }
0x2e: {  	s3 =	simm.s32 @!p0 $0x1082;
	s9 =	sld [smem:$0x3FB7]  }
0x2f: {  	lr =	sadd.s32 s0, s3;
	s0 =	sld [smem:$0x3FAE]  }
0x30: {  	s3 =	sld [smem:$0x3FB1]  }
0x31: {  	[smem:$0x3FBA] =	sst s10  }
0x32: {  	s10 =	sld [smem:$0x3FB8];
	_ =	sdelay $0x3  }
0x33: {  	p0 =	seq.s32 s10, $0x1;
	s10 =	sld [smem:$0x3FBA];
	_ =	sdelay $0x3  }
0x34: {  	[smem:$0x3FBA] =	sst s10  }
0x35: {  	s10 =	sld [smem:$0x3FB9];
	_ =	sdelay $0x3  }
0x36: {  	p1 =	seq.s32 s10, $0x1;
	s10 =	sld [smem:$0x3FBA];
	_ =	sdelay $0x3  }
0x37: {  	[smem:$0x3FBA] =	sst s10  }
0x38: {  	s10 =	sld [smem:$0x3FBB]  }
0x39: {  	_ = 	snop;
	(pc) =	sbr.ind lr, $3  }
0x3a: {  	_ = 	snop  }
0x3b: {  	_ = 	snop  }
0x3c: {  	p2 =	seq.s32 s10, $0x1;
	s10 =	sld [smem:$0x3FBA]  }
0x3d: {  	_ =	shalt  }
0x3e: {  	_ =	shalt  }
0x3f: {  	_ =	shalt  }
0x40: {  	_ =	shalt  }
0x41: {  	_ =	shalt  }
0x42: {  	_ =	shalt  }
0x43: {  	_ =	shalt  }
0x44: {  	_ =	shalt  }
0x45: {  	_ =	shalt  }
0x46: {  	_ =	shalt  }
0x47: {  	_ =	shalt  }
0x48: {  	_ =	shalt  }
0x49: {  	_ =	shalt  }
0x4a: {  	_ =	shalt  }
0x4b: {  	_ =	shalt  }
0x4c: {  	_ =	shalt  }
0x4d: {  	_ =	shalt  }
0x4e: {  	_ =	shalt  }
0x4f: {  	_ =	shalt  }
0x50: {  	_ =	shalt  }
0x51: {  	_ =	shalt  }
0x52: {  	_ =	shalt  }
0x53: {  	_ =	shalt  }
0x54: {  	_ =	shalt  }
0x55: {  	_ =	shalt  }
0x56: {  	_ =	shalt  }
0x57: {  	_ =	shalt  }
0x58: {  	_ =	shalt  }
0x59: {  	_ =	shalt  }
0x5a: {  	_ =	shalt  }
0x5b: {  	_ =	shalt  }
0x5c: {  	_ =	shalt  }
0x5d: {  	_ =	shalt  }
0x5e: {  	_ =	shalt  }
0x5f: {  	_ =	shalt  }
0x60: {  	_ =	shalt  }
0x61: {  	_ =	shalt  }
0x62: {  	_ =	shalt  }
0x63: {  	_ =	shalt  }
0x64: {  	_ =	shalt  }
0x65: {  	_ =	shalt  }
0x66: {  	_ =	shalt  }
0x67: {  	_ =	shalt  }
0x68: {  	_ =	shalt  }
0x69: {  	_ =	shalt  }
0x6a: {  	_ =	shalt  }
0x6b: {  	_ =	shalt  }
0x6c: {  	_ =	shalt  }
0x6d: {  	_ =	shalt  }
0x6e: {  	_ =	shalt  }
0x6f: {  	_ =	shalt  }
0x70: {  	_ =	shalt  }
0x71: {  	_ =	shalt  }
0x72: {  	_ =	shalt  }
0x73: {  	_ =	shalt  }
0x74: {  	_ =	shalt  }
0x75: {  	_ =	shalt  }
0x76: {  	_ =	shalt  }
0x77: {  	_ =	shalt  }
0x78: {  	_ =	shalt  }
0x79: {  	_ =	shalt  }
0x7a: {  	_ =	shalt  }
0x7b: {  	_ =	shalt  }
0x7c: {  	_ =	shalt  }
0x7d: {  	_ =	shalt  }
0x7e: {  	_ =	shalt  }
0x7f: {  	_ =	shalt  }
0x80: {  	_ =	shalt  }
0x81: {  	_ =	shalt  }
0x82: {  	_ =	shalt  }
0x83: {  	_ =	shalt  }
0x84: {  	_ =	shalt  }
0x85: {  	_ =	shalt  }
0x86: {  	_ =	shalt  }
0x87: {  	_ =	shalt  }
.Lfunc_end0:
.L_simem_size_0:
called_computation_lowered:
.L_overlay_start_0:
0x88: {  	s2 =	sld [smem:$0x3FD9]  }
0x89: {  	s3 =	sld [smem:$0x3FFE];
	_ =	sdelay $0x1  }
0x8a: {  	s1 =	srdreg.scid  }
0x8b: {  	s0 =	sand.u32 $0x1, s1  }
0x8c: {  	s17 =	sshll.u32 s0, $0xA;
	s2 =	sadd.s32 s3, s2  }
0x8d: {  	s2 =	sadd.s32 s2, s17  }
0x8e: {  	[smem:$0x3FC6] =	sst s2  }
0x8f: {  	_ = 	snop  }
0x90: {  	s2 =	sld [smem:$0x3FC9]  }
0x91: {  	s18 =	sld [smem:$0x3FC8];
	(tm) =	ssettm $0x1  }
0x92: {  	s4 =	sld [smem:$0x3FFB];
	_ =	sdelay $0x3  }
0x93: {  	_ =	strace s4  }
0x94: {  	s4 =	sld [smem:$0x3FFC];
	_ =	sdelay $0x3  }
0x95: {  	_ =	strace s4  }
0x96: {  	s4 =	sld [smem:$0x3FFD];
	_ =	sdelay $0x3  }
0x97: {  	_ =	strace s4  }
0x98: {  	_ =	strace $0x8FFFFFFF  }
0x99: {  	s19 =	sld [smem:$0x3FDB];
	_ =	sdelay $0x1  }
0x9a: {  	s5 =	simm.s32 $_scs_section_size  }
0x9b: {  	s6 =	simm.s32 $_size__tile_overlayer_lowered;
	s7 =	simm.s32 $_tile_overlayer_lowered  }
0x9c: {  	s22 =	simm.s32 $0x1BFF;
	s21 =	sshll.u32 s7, $0x1;
	s4 =	sadd.s32 s5, s19  }
0x9d: {  	s8 =	simm.s32 $0x0;
	s20 =	sshll.u32 s6, $0x1;
	s6 =	sadd.s32 s21, s4  }
0x9e: {  	[timem:s8], [sflag:s22] =	dma.local [hbm:s6], s20  }
0x9f: {  	_ =	swait.ge [sflag:s22], s20  }
0xa0: {  	s5 =	ssub.s32 $0x0, s20;
	[sflag:s22] =	ssyncset.done $0x0  }
0xa1: {  	[sflag:s22] =	ssyncadd.s32 s5;
	_ =	sdelay $0x1  }
0xa2: {  	s23 =	simm.s32 $0x1B8B  }
0xa3: {  	_ =	swait.ge [sflag:s23], $0x1  }
0xa4: {  	[sflag:s23] =	ssyncset.done $0x0  }
0xa5: {  	s25 =	simm.s32 $0x1B8E;
	s24 =	sld [smem:$0x3FFE];
	[sflag:s23] =	ssyncadd.s32 $0xFFFFFFFF  }
0xa6: {  	s26 =	simm.s32 $execute0_lowered;
	[smem:$0x3FD2] =	sst s25  }
0xa7: {  	s6 =	sshll.u32 s26, $0x1;
	_ =	strace $0x80000046;
	[dreg:$0x1] =	wrdreg $0xFFFFFFFF  }
0xa8: {  	s28 =	simm.s32 $_size_execute0_lowered;
	s4 =	sadd.s32 s4, s6;
	[dreg:$0x0] =	wrdreg $0x0  }
0xa9: {  	s6 =	sshll.u32 s28, $0x1;
	[dreg:$0x2] =	wrdreg s4  }
0xaa: {  	[dreg:$0x3] =	wrdreg s6  }
0xab: {  	[dreg:$0x4] =	wrdreg $0xC0  }
0xac: {  	_ =	task [dreg:s8], $0x5FFFF  }
0xad: {  	[dreg:$0x1] =	wrdreg $0xFFFFFFFF  }
0xae: {  	[dreg:$0x0] =	wrdreg $0x60  }
0xaf: {  	[dreg:$0x2] =	wrdreg s18  }
0xb0: {  	[dreg:$0x3] =	wrdreg s2  }
0xb1: {  	[dreg:$0x4] =	wrdreg s24  }
0xb2: {  	[dreg:$0x5] =	wrdreg $0x9  }
0xb3: {  	_ =	task.clear_ibuf [dreg:s8], $0x6FFFF;
	_ =	strace $0x90000046  }
0xb4: {  	s29 =	simm.s32 $0x9;
	_ =	strace $0x80000048  }
0xb5: {  	_ =	swait.ge [sflag:s29], $0x1  }
0xb6: {  	[sflag:s29] =	ssyncadd.s32 $0xFFFFFFFF  }
0xb7: {  	_ =	strace $0x90000048  }
0xb8: {  	_ =	sfence  }
0xb9: {  	s30 =	sld [smem:$0x0];
	_ =	sdelay $0x2  }
0xba: {  	s31 =	sshll.u32 s1, $0xD;
	s1 =	sshrl.u32 s1, $0x2  }
0xbb: {  	s3 =	sand.u32 $0x4000, s31;
	s1 =	sadd.s32 s1, s30  }
0xbc: {  	s0 =	sor.u32 s3, s0;
	s1 =	sshll.u32 s1, $0x11  }
0xbd: {  	s0 =	sor.u32 s1, s0  }
0xbe: {  	s0 =	sadd.s32 $0x8F2B, s0  }
0xbf: {  	[sflag:s0] =	ssyncadd.remote.s32 $0x1  }
0xc0: {  	_ =	sfence.sel $0xFFFF  }
0xc1: {  	[dreg:$0x0] =	wrdreg $0xFFFFFFFF;
	(pc) =	sbr.abs _section_cstart, $3  }
0xc2: {  	[dreg:$0x1] =	wrdreg $0xFFFFFFFF  }
0xc3: {  	_ =	task.clear_ibuf [dreg:s8], $0x2FFFF;
	_ =	strace $0x9FFFFFFF  }
0xc4: {  	(tm) =	ssettm $0x7FFFFFFF  }
0xc5: {  	_ =	shalt  }
tec
execute0_lowered:
.L_overlay_start_1:
0x0: {  	(tag) =	ssettag $0x1  }
0x1: {  	s1 =	rddreg [dreg:$0x0]  }
0x2: {  	s0 =	rddreg [dreg:$0x1]  }
0x3: {  	s2 =	rddreg [dreg:$0x2]  }
0x4: {  	s3 =	srdreg.scid;
	s5 =	stileid.u32  }
0x5: {  	s7 =	simm.s32 $0x2;
	s8 =	simm.s32 $0x200;
	s29 =	simm.s32 $0x5200  }
0x6: {  	s30 =	simm.s32 $0x5600;
	s31 =	simm.s32 $0x5A00;
	s9 =	simm.s32 $0x6600  }
0x7: {  	s10 =	simm.s32 $0x6A00;
	s11 =	simm.s32 $0x6E00;
	s12 =	simm.s32 $0x7200  }
0x8: {  	v0 =	vlaneseq.u32;
	s13 =	simm.s32 $0x7600;
	s14 =	simm.s32 $0x7A00;
	s15 =	simm.s32 $0x7E00  }
0x9: {  	vm0 =	vmmov $0x1;
	s16 =	simm.s32 $0x1;
	s17 =	simm.s32 $0x0;
	s4 =	sand.u32 $0x1, s3;
	v1 =	vmul.u32 $0x80, v0  }
0xa: {  	vm1 =	vcmask $0x308;
	vm2 =	vcmask $0x70C;
	vm3 =	vcmask $0xB10;
	s3 =	simm.s32 $0x0;
	s5 =	sshll.u32 s5, $0xA;
	s6 =	sshll.u32 s4, $0x9  }
.Ltmp0:
0xb: {  	[smem:$0x7FF] =	sst s3;
	s5 =	sor.u32 s6, s5;
	v2 =	vor.u32 $0x800, v1;
	v3 =	vor.u32 $0x1000, v1;
	v4 =	vor.u32 $0x1800, v1;
	(pc) =	sbr.rel .LBB2_1-.Ltmp0, $4  }
0xc: {  	s4 =	ssub.s32 $0x2, s4;
	_ =	strace $0x80000047;
	v5 =	vor.u32 $0x2000, v1;
	v6 =	vor.u32 $0x2800, v1;
	v7 =	vor.u32 $0x3000, v1;
	s6 =	sshll.u32 s5, $0x4  }
0xd: {  	s28 =	sshrl.u32 s4, $0x1;
	v8 =	vor.u32 $0x3800, v1;
	v9 =	vor.u32 $0x4000, v1;
	v10 =	vor.u32 $0x4800, v1;
	s5 =	sshrl.u32 s5, $0x3;
	s2 =	sadd.s32 s6, s2  }
0xe: {  	v11 =	vor.u32 $0x5000, v1;
	v12 =	vor.u32 $0x5800, v1;
	v13 =	vor.u32 $0x6000, v1;
	s6 =	ssub.s32 s4, s28;
	s4 =	sadd.s32 s0, s5;
	s0 =	simm.s32 $0x5E00  }
0xf: {  	v14 =	vor.u32 $0x6800, v1;
	v15 =	vor.u32 $0x7000, v1;
	v16 =	vor.u32 $0x7800, v1;
	s5 =	sadd.s32 $0x400, s2;
	s6 =	smax.u32 s6, $0x1;
	s2 =	simm.s32 $0x6200  }
.LBB2_5:
0x10: {  	s17 =	sadd.s32 $0x1, s17  }
0x11: {  	p0 =	sne.s32 s17, s6  }
.Ltmp1:
0x12: {  	_ = 	snop;
	(pc) =	sbr.rel @!p0 .LBB2_6-.Ltmp1, $1  }
0x13: {  	_ =	sdelay $0x3  }
.LBB2_1:
0x14: {  	[tilespmem:s3], [sflag:$0x2] =	stream.linear.gather [hbm4b:s4+s3], $0x200, $0x38;
	[tilespmem:$0x12200] =	vst v63  }
0x15: {  	_ =	swait.ge [sflag:s7], $0x200  }
0x16: {  	[sflag:s7] =	ssyncset.done $0x0  }
0x17: {  	[sflag:s7] =	ssyncadd.s32 $0xFFFFFE00  }
0x18: {  	v17 =	vld [tilespmem:$0x0];
	_ =	sdelay $0x4  }
0x19: {  	v17 =	vnsel vm0, $0x0, v17  }
0x1a: {  	(xrf0) =	vadd.scan.msk.s32 $0xffff, v17;
	_ =	sdelay $0x5  }
0x1b: {  	v17, _, _ =	vpop (xrf0)  }
0x1c: {  	(v2sf) =	vpush v17, $0xF;
	_ =	sdelay $0xe  }
0x1d: {  	s18 =	spop (v2sf)  }
0x1e: {  	s18 =	sand.u32 $0xFFFFF80, s18  }
0x1f: {  	s18 =	sadd.s32 s1, s18  }
0x20: {  	[tilespmem:s8], [sflag:$0x1] =	stream.linear.gather [hbm4b:s18+s3], $0x400, $0x38;
	[tilespmem:$0x12200] =	vst v63  }
0x21: {  	s20 =	simm.s32 $0x600;
	s19 =	sadd.s32 $0xF4280, s18  }
0x22: {  	[tilespmem:s20], [sflag:$0x1] =	stream.linear.gather [hbm4b:s19+s3], $0x400, $0x38;
	[tilespmem:$0x12200] =	vst v63  }
0x23: {  	s23 =	simm.s32 $0xA00;
	s22 =	sadd.s32 $0x1E8500, s18  }
0x24: {  	[tilespmem:s23], [sflag:$0x1] =	stream.linear.gather [hbm4b:s22+s3], $0x400, $0x38;
	[tilespmem:$0x12200] =	vst v63  }
0x25: {  	s25 =	simm.s32 $0xE00;
	s24 =	sadd.s32 $0x2DC780, s18  }
0x26: {  	[tilespmem:s25], [sflag:$0x1] =	stream.linear.gather [hbm4b:s24+s3], $0x400, $0x38;
	[tilespmem:$0x12200] =	vst v63  }
0x27: {  	s28 =	simm.s32 $0x1200;
	s26 =	sadd.s32 $0x3D0A00, s18  }
0x28: {  	[tilespmem:s28], [sflag:$0x1] =	stream.linear.gather [hbm4b:s26+s3], $0x400, $0x38;
	[tilespmem:$0x12200] =	vst v63  }
0x29: {  	s21 =	sadd.s32 $0x4C4C80, s18;
	s22 =	simm.s32 $0x1600  }
0x2a: {  	[tilespmem:s22], [sflag:$0x1] =	stream.linear.gather [hbm4b:s21+s3], $0x400, $0x38;
	[tilespmem:$0x12200] =	vst v63  }
0x2b: {  	s23 =	sadd.s32 $0x5B8F00, s18;
	s24 =	simm.s32 $0x1A00  }
0x2c: {  	[tilespmem:s24], [sflag:$0x1] =	stream.linear.gather [hbm4b:s23+s3], $0x400, $0x38;
	[tilespmem:$0x12200] =	vst v63  }
0x2d: {  	s18 =	sadd.s32 $0x6AD180, s18;
	s25 =	simm.s32 $0x1E00  }
0x2e: {  	[tilespmem:s25], [sflag:$0x1] =	stream.linear.gather [hbm4b:s18+s3], $0x400, $0x38;
	[tilespmem:$0x12200] =	vst v63  }
0x2f: {  	v17 =	vld [tilespmem:$0x0];
	_ =	sdelay $0x4  }
0x30: {  	v17 =	vsel vm1, $0x0, v17  }
0x31: {  	(xrf0) =	vadd.scan.msk.s32 $0xffff, v17;
	_ =	sdelay $0x5  }
0x32: {  	v17, _, _ =	vpop (xrf0)  }
0x33: {  	(v2sf) =	vpush v17, $0xF;
	_ =	sdelay $0xe  }
0x34: {  	s26 =	spop (v2sf)  }
0x35: {  	s18 =	sand.u32 $0xFFFFF80, s26  }
0x36: {  	s28 =	simm.s32 $0x2200;
	s18 =	sadd.s32 s1, s18  }
0x37: {  	[tilespmem:s28], [sflag:$0x1] =	stream.linear.gather [hbm4b:s18+s3], $0x400, $0x38;
	[tilespmem:$0x12200] =	vst v63  }
0x38: {  	s21 =	simm.s32 $0x2600;
	s20 =	sadd.s32 $0xF4280, s18  }
0x39: {  	[tilespmem:s21], [sflag:$0x1] =	stream.linear.gather [hbm4b:s20+s3], $0x400, $0x38;
	[tilespmem:$0x12200] =	vst v63  }
0x3a: {  	s23 =	simm.s32 $0x2A00;
	s22 =	sadd.s32 $0x1E8500, s18  }
0x3b: {  	[tilespmem:s23], [sflag:$0x1] =	stream.linear.gather [hbm4b:s22+s3], $0x400, $0x38;
	[tilespmem:$0x12200] =	vst v63  }
0x3c: {  	s25 =	simm.s32 $0x2E00;
	s24 =	sadd.s32 $0x2DC780, s18  }
0x3d: {  	[tilespmem:s25], [sflag:$0x1] =	stream.linear.gather [hbm4b:s24+s3], $0x400, $0x38;
	[tilespmem:$0x12200] =	vst v63  }
0x3e: {  	s26 =	sadd.s32 $0x3D0A00, s18;
	s28 =	simm.s32 $0x3200  }
0x3f: {  	[tilespmem:s28], [sflag:$0x1] =	stream.linear.gather [hbm4b:s26+s3], $0x400, $0x38;
	[tilespmem:$0x12200] =	vst v63  }
0x40: {  	s21 =	sadd.s32 $0x4C4C80, s18;
	s22 =	simm.s32 $0x3600  }
0x41: {  	[tilespmem:s22], [sflag:$0x1] =	stream.linear.gather [hbm4b:s21+s3], $0x400, $0x38;
	[tilespmem:$0x12200] =	vst v63  }
0x42: {  	s23 =	sadd.s32 $0x5B8F00, s18;
	s24 =	simm.s32 $0x3A00  }
0x43: {  	[tilespmem:s24], [sflag:$0x1] =	stream.linear.gather [hbm4b:s23+s3], $0x400, $0x38;
	[tilespmem:$0x12200] =	vst v63  }
0x44: {  	s18 =	sadd.s32 $0x6AD180, s18;
	s25 =	simm.s32 $0x3E00  }
0x45: {  	[tilespmem:s25], [sflag:$0x1] =	stream.linear.gather [hbm4b:s18+s3], $0x400, $0x38;
	[tilespmem:$0x12200] =	vst v63  }
0x46: {  	v17 =	vld [tilespmem:$0x0];
	_ =	sdelay $0x4  }
0x47: {  	v17 =	vsel vm2, $0x0, v17  }
0x48: {  	(xrf0) =	vadd.scan.msk.s32 $0xffff, v17;
	_ =	sdelay $0x5  }
0x49: {  	v17, _, _ =	vpop (xrf0)  }
0x4a: {  	(v2sf) =	vpush v17, $0xF;
	_ =	sdelay $0xe  }
0x4b: {  	s26 =	spop (v2sf)  }
0x4c: {  	s18 =	sand.u32 $0xFFFFF80, s26  }
0x4d: {  	s28 =	simm.s32 $0x4200;
	s18 =	sadd.s32 s1, s18  }
0x4e: {  	[tilespmem:s28], [sflag:$0x1] =	stream.linear.gather [hbm4b:s18+s3], $0x400, $0x38;
	[tilespmem:$0x12200] =	vst v63  }
0x4f: {  	s21 =	simm.s32 $0x4600;
	s20 =	sadd.s32 $0xF4280, s18  }
0x50: {  	[tilespmem:s21], [sflag:$0x1] =	stream.linear.gather [hbm4b:s20+s3], $0x400, $0x38;
	[tilespmem:$0x12200] =	vst v63  }
0x51: {  	s23 =	simm.s32 $0x4A00;
	s22 =	sadd.s32 $0x1E8500, s18  }
0x52: {  	[tilespmem:s23], [sflag:$0x1] =	stream.linear.gather [hbm4b:s22+s3], $0x400, $0x38;
	[tilespmem:$0x12200] =	vst v63  }
0x53: {  	s25 =	simm.s32 $0x4E00;
	s24 =	sadd.s32 $0x2DC780, s18  }
0x54: {  	[tilespmem:s25], [sflag:$0x1] =	stream.linear.gather [hbm4b:s24+s3], $0x400, $0x38;
	[tilespmem:$0x12200] =	vst v63  }
0x55: {  	s26 =	sadd.s32 $0x3D0A00, s18  }
0x56: {  	[tilespmem:s29], [sflag:$0x1] =	stream.linear.gather [hbm4b:s26+s3], $0x400, $0x38;
	[tilespmem:$0x12200] =	vst v63  }
0x57: {  	s28 =	sadd.s32 $0x4C4C80, s18  }
0x58: {  	[tilespmem:s30], [sflag:$0x1] =	stream.linear.gather [hbm4b:s28+s3], $0x400, $0x38;
	[tilespmem:$0x12200] =	vst v63  }
0x59: {  	s20 =	sadd.s32 $0x5B8F00, s18  }
0x5a: {  	[tilespmem:s31], [sflag:$0x1] =	stream.linear.gather [hbm4b:s20+s3], $0x400, $0x38;
	[tilespmem:$0x12200] =	vst v63  }
0x5b: {  	s18 =	sadd.s32 $0x6AD180, s18  }
0x5c: {  	[tilespmem:s0], [sflag:$0x1] =	stream.linear.gather [hbm4b:s18+s3], $0x400, $0x38;
	[tilespmem:$0x12200] =	vst v63  }
0x5d: {  	v17 =	vld [tilespmem:$0x0];
	_ =	sdelay $0x4  }
0x5e: {  	v17 =	vsel vm3, $0x0, v17  }
0x5f: {  	(xrf0) =	vadd.scan.msk.s32 $0xffff, v17;
	_ =	sdelay $0x5  }
0x60: {  	v17, _, _ =	vpop (xrf0)  }
0x61: {  	(v2sf) =	vpush v17, $0xF;
	_ =	sdelay $0xe  }
0x62: {  	s21 =	spop (v2sf)  }
0x63: {  	s18 =	sand.u32 $0xFFFFF80, s21  }
0x64: {  	s18 =	sadd.s32 s1, s18  }
0x65: {  	[tilespmem:s2], [sflag:$0x1] =	stream.linear.gather [hbm4b:s18+s3], $0x400, $0x38;
	[tilespmem:$0x12200] =	vst v63  }
0x66: {  	s22 =	sadd.s32 $0xF4280, s18  }
0x67: {  	[tilespmem:s9], [sflag:$0x1] =	stream.linear.gather [hbm4b:s22+s3], $0x400, $0x38;
	[tilespmem:$0x12200] =	vst v63  }
0x68: {  	s23 =	sadd.s32 $0x1E8500, s18  }
0x69: {  	[tilespmem:s10], [sflag:$0x1] =	stream.linear.gather [hbm4b:s23+s3], $0x400, $0x38;
	[tilespmem:$0x12200] =	vst v63  }
0x6a: {  	s24 =	sadd.s32 $0x2DC780, s18  }
0x6b: {  	[tilespmem:s11], [sflag:$0x1] =	stream.linear.gather [hbm4b:s24+s3], $0x400, $0x38;
	[tilespmem:$0x12200] =	vst v63  }
0x6c: {  	s25 =	sadd.s32 $0x3D0A00, s18  }
0x6d: {  	[tilespmem:s12], [sflag:$0x1] =	stream.linear.gather [hbm4b:s25+s3], $0x400, $0x38;
	[tilespmem:$0x12200] =	vst v63  }
0x6e: {  	s26 =	sadd.s32 $0x4C4C80, s18  }
0x6f: {  	[tilespmem:s13], [sflag:$0x1] =	stream.linear.gather [hbm4b:s26+s3], $0x400, $0x38;
	[tilespmem:$0x12200] =	vst v63  }
.Ltmp2:
0x70: {  	s28 =	sadd.s32 $0x5B8F00, s18;
	(pc) =	sbr.rel .LBB2_2-.Ltmp2, $4  }
0x71: {  	[tilespmem:s14], [sflag:$0x1] =	stream.linear.gather [hbm4b:s28+s3], $0x400, $0x38;
	[tilespmem:$0x12200] =	vst v63  }
0x72: {  	s19 =	simm.s32 $0x0;
	s18 =	sadd.s32 $0x6AD180, s18  }
0x73: {  	[tilespmem:s15], [sflag:$0x1] =	stream.linear.gather [hbm4b:s18+s3], $0x400, $0x38;
	[tilespmem:$0x12200] =	vst v63  }
0x74: {  	s20 =	simm.s32 $0x0;
	s21 =	simm.s32 $0x0;
	s18 =	simm.s32 $0x8000  }
.LBB2_4:
0x75: {  	_ =	swait.ge [sflag:s16], $0x400  }
0x76: {  	[sflag:s16] =	ssyncset.done $0x0  }
0x77: {  	[sflag:s16] =	ssyncadd.s32 $0xFFFFFC00  }
0x78: {  	_ =	swait.ge [sflag:s16], $0x400  }
0x79: {  	[sflag:s16] =	ssyncset.done $0x0  }
0x7a: {  	[sflag:s16] =	ssyncadd.s32 $0xFFFFFC00  }
0x7b: {  	_ =	swait.ge [sflag:s16], $0x400  }
0x7c: {  	[sflag:s16] =	ssyncset.done $0x0  }
0x7d: {  	[sflag:s16] =	ssyncadd.s32 $0xFFFFFC00  }
0x7e: {  	_ =	swait.ge [sflag:s16], $0x400  }
0x7f: {  	[sflag:s16] =	ssyncset.done $0x0  }
0x80: {  	[sflag:s16] =	ssyncadd.s32 $0xFFFFFC00  }
0x81: {  	_ =	swait.ge [sflag:s16], $0x400  }
0x82: {  	[sflag:s16] =	ssyncset.done $0x0  }
0x83: {  	[sflag:s16] =	ssyncadd.s32 $0xFFFFFC00  }
0x84: {  	_ =	swait.ge [sflag:s16], $0x400  }
0x85: {  	[sflag:s16] =	ssyncset.done $0x0  }
0x86: {  	[sflag:s16] =	ssyncadd.s32 $0xFFFFFC00  }
0x87: {  	_ =	swait.ge [sflag:s16], $0x400  }
0x88: {  	[sflag:s16] =	ssyncset.done $0x0  }
0x89: {  	[sflag:s16] =	ssyncadd.s32 $0xFFFFFC00  }
0x8a: {  	_ =	swait.ge [sflag:s16], $0x400  }
0x8b: {  	[sflag:s16] =	ssyncset.done $0x0  }
0x8c: {  	[sflag:s16] =	ssyncadd.s32 $0xFFFFFC00  }
0x8d: {  	_ =	swait.ge [sflag:s16], $0x400  }
0x8e: {  	[sflag:s16] =	ssyncset.done $0x0  }
0x8f: {  	[sflag:s16] =	ssyncadd.s32 $0xFFFFFC00  }
0x90: {  	_ =	swait.ge [sflag:s16], $0x400  }
0x91: {  	[sflag:s16] =	ssyncset.done $0x0  }
0x92: {  	[sflag:s16] =	ssyncadd.s32 $0xFFFFFC00  }
0x93: {  	_ =	swait.ge [sflag:s16], $0x400  }
0x94: {  	[sflag:s16] =	ssyncset.done $0x0  }
0x95: {  	[sflag:s16] =	ssyncadd.s32 $0xFFFFFC00  }
0x96: {  	_ =	swait.ge [sflag:s16], $0x400  }
0x97: {  	[sflag:s16] =	ssyncset.done $0x0  }
0x98: {  	[sflag:s16] =	ssyncadd.s32 $0xFFFFFC00  }
0x99: {  	_ =	swait.ge [sflag:s16], $0x400  }
0x9a: {  	[sflag:s16] =	ssyncset.done $0x0  }
0x9b: {  	[sflag:s16] =	ssyncadd.s32 $0xFFFFFC00  }
0x9c: {  	_ =	swait.ge [sflag:s16], $0x400  }
0x9d: {  	[sflag:s16] =	ssyncset.done $0x0  }
0x9e: {  	[sflag:s16] =	ssyncadd.s32 $0xFFFFFC00  }
0x9f: {  	_ =	swait.ge [sflag:s16], $0x400  }
0xa0: {  	[sflag:s16] =	ssyncset.done $0x0  }
0xa1: {  	[sflag:s16] =	ssyncadd.s32 $0xFFFFFC00  }
0xa2: {  	_ =	swait.ge [sflag:s16], $0x400  }
0xa3: {  	[sflag:s16] =	ssyncset.done $0x0  }
0xa4: {  	[sflag:s16] =	ssyncadd.s32 $0xFFFFFC00  }
0xa5: {  	_ =	swait.ge [sflag:s16], $0x400  }
0xa6: {  	[sflag:s16] =	ssyncset.done $0x0  }
0xa7: {  	[sflag:s16] =	ssyncadd.s32 $0xFFFFFC00  }
0xa8: {  	_ =	swait.ge [sflag:s16], $0x400  }
0xa9: {  	[sflag:s16] =	ssyncset.done $0x0  }
0xaa: {  	[sflag:s16] =	ssyncadd.s32 $0xFFFFFC00  }
0xab: {  	_ =	swait.ge [sflag:s16], $0x400  }
0xac: {  	[sflag:s16] =	ssyncset.done $0x0  }
0xad: {  	[sflag:s16] =	ssyncadd.s32 $0xFFFFFC00  }
0xae: {  	_ =	swait.ge [sflag:s16], $0x400  }
0xaf: {  	[sflag:s16] =	ssyncset.done $0x0  }
0xb0: {  	[sflag:s16] =	ssyncadd.s32 $0xFFFFFC00  }
0xb1: {  	_ =	swait.ge [sflag:s16], $0x400  }
0xb2: {  	[sflag:s16] =	ssyncset.done $0x0  }
0xb3: {  	[sflag:s16] =	ssyncadd.s32 $0xFFFFFC00  }
0xb4: {  	_ =	swait.ge [sflag:s16], $0x400  }
0xb5: {  	[sflag:s16] =	ssyncset.done $0x0  }
0xb6: {  	[sflag:s16] =	ssyncadd.s32 $0xFFFFFC00  }
0xb7: {  	_ =	swait.ge [sflag:s16], $0x400  }
0xb8: {  	[sflag:s16] =	ssyncset.done $0x0  }
0xb9: {  	[sflag:s16] =	ssyncadd.s32 $0xFFFFFC00  }
0xba: {  	_ =	swait.ge [sflag:s16], $0x400  }
0xbb: {  	[sflag:s16] =	ssyncset.done $0x0  }
0xbc: {  	[sflag:s16] =	ssyncadd.s32 $0xFFFFFC00  }
0xbd: {  	_ =	swait.ge [sflag:s16], $0x400  }
0xbe: {  	[sflag:s16] =	ssyncset.done $0x0  }
0xbf: {  	[sflag:s16] =	ssyncadd.s32 $0xFFFFFC00  }
0xc0: {  	_ =	swait.ge [sflag:s16], $0x400  }
0xc1: {  	[sflag:s16] =	ssyncset.done $0x0  }
0xc2: {  	[sflag:s16] =	ssyncadd.s32 $0xFFFFFC00  }
0xc3: {  	_ =	swait.ge [sflag:s16], $0x400  }
0xc4: {  	[sflag:s16] =	ssyncset.done $0x0  }
0xc5: {  	[sflag:s16] =	ssyncadd.s32 $0xFFFFFC00  }
0xc6: {  	_ =	swait.ge [sflag:s16], $0x400  }
0xc7: {  	[sflag:s16] =	ssyncset.done $0x0  }
0xc8: {  	[sflag:s16] =	ssyncadd.s32 $0xFFFFFC00  }
0xc9: {  	_ =	swait.ge [sflag:s16], $0x400  }
0xca: {  	[sflag:s16] =	ssyncset.done $0x0  }
0xcb: {  	[sflag:s16] =	ssyncadd.s32 $0xFFFFFC00  }
0xcc: {  	_ =	swait.ge [sflag:s16], $0x400  }
0xcd: {  	[sflag:s16] =	ssyncset.done $0x0  }
0xce: {  	[sflag:s16] =	ssyncadd.s32 $0xFFFFFC00  }
0xcf: {  	_ =	swait.ge [sflag:s16], $0x400  }
0xd0: {  	[sflag:s16] =	ssyncset.done $0x0  }
0xd1: {  	[sflag:s16] =	ssyncadd.s32 $0xFFFFFC00  }
0xd2: {  	_ =	swait.ge [sflag:s16], $0x400  }
0xd3: {  	[sflag:s16] =	ssyncset.done $0x0  }
0xd4: {  	s24 =	sand.u32 $0x1F0, s20;
	[sflag:s16] =	ssyncadd.s32 $0xFFFFFC00  }
0xd5: {  	v17 =	vld [tilespmem:s24+$0x0];
	_ =	sdelay $0x1  }
0xd6: {  	s25 =	sand.u32 $0xC, s20  }
0xd7: {  	v18 =	vmov s25  }
0xd8: {  	vm4 =	veq.s32 v18, v0  }
0xd9: {  	v17 =	vnsel vm4, $0x0, v17  }
0xda: {  	(xrf0) =	vadd.scan.msk.s32 $0xffff, v17;
	_ =	sdelay $0x5  }
0xdb: {  	v17, _, _ =	vpop (xrf0)  }
0xdc: {  	(v2sf) =	vpush v17, $0xF;
	_ =	sdelay $0xe  }
0xdd: {  	s23 =	sshll.u32 s21, $0xF;
	s22 =	spop (v2sf)  }
0xde: {  	s26 =	sand.u32 $0x8000, s23;
	s22 =	sand.u32 $0x7F, s22  }
0xdf: {  	s28 =	sor.u32 s26, s22  }
0xe0: {  	v17 =	vor.u32 s28, v1;
	_ =	sdelay $0x4  }
0xe1: {  	v17 =	vld.idx.msk [tilespmem:v17+s8+$0x0], $0xffff  }
0xe2: {  	v18 =	vor.u32 s28, v2;
	_ =	sdelay $0x1  }
0xe3: {  	s23 =	sand.u32 $0xF, s21  }
0xe4: {  	s22 =	sshll.u32 s23, $0x9  }
0xe5: {  	[tilespmem:s22+$0x10200] =	vst v17  }
0xe6: {  	v17 =	vld.idx.msk [tilespmem:v18+s8+$0x0], $0xffff  }
0xe7: {  	v18 =	vor.u32 s28, v3;
	_ =	sdelay $0x3  }
0xe8: {  	[tilespmem:s22+$0x10210] =	vst v17  }
0xe9: {  	v17 =	vld.idx.msk [tilespmem:v18+s8+$0x0], $0xffff  }
0xea: {  	v18 =	vor.u32 s28, v4;
	_ =	sdelay $0x3  }
0xeb: {  	[tilespmem:s22+$0x10220] =	vst v17  }
0xec: {  	v17 =	vld.idx.msk [tilespmem:v18+s8+$0x0], $0xffff;
	_ =	sdelay $0x4  }
0xed: {  	[tilespmem:s22+$0x10230] =	vst v17  }
0xee: {  	v17 =	vld [tilespmem:s24+$0x0];
	_ =	sdelay $0x1  }
0xef: {  	s28 =	sor.u32 $0x1, s25  }
0xf0: {  	v18 =	vmov s28  }
0xf1: {  	vm4 =	veq.s32 v18, v0  }
0xf2: {  	v17 =	vnsel vm4, $0x0, v17  }
0xf3: {  	(xrf0) =	vadd.scan.msk.s32 $0xffff, v17;
	_ =	sdelay $0x5  }
0xf4: {  	v17, _, _ =	vpop (xrf0)  }
0xf5: {  	(v2sf) =	vpush v17, $0xF;
	_ =	sdelay $0xe  }
0xf6: {  	s28 =	spop (v2sf)  }
0xf7: {  	s28 =	sand.u32 $0x7F, s28  }
0xf8: {  	s28 =	sor.u32 s26, s28  }
0xf9: {  	v17 =	vor.u32 s28, v5;
	_ =	sdelay $0x4  }
0xfa: {  	v17 =	vld.idx.msk [tilespmem:v17+s8+$0x0], $0xffff  }
0xfb: {  	v18 =	vor.u32 s28, v6;
	_ =	sdelay $0x3  }
0xfc: {  	[tilespmem:s22+$0x10280] =	vst v17  }
0xfd: {  	v17 =	vld.idx.msk [tilespmem:v18+s8+$0x0], $0xffff  }
0xfe: {  	v18 =	vor.u32 s28, v7;
	_ =	sdelay $0x3  }
0xff: {  	[tilespmem:s22+$0x10290] =	vst v17  }
0x100: {  	v17 =	vld.idx.msk [tilespmem:v18+s8+$0x0], $0xffff  }
0x101: {  	v18 =	vor.u32 s28, v8;
	_ =	sdelay $0x3  }
0x102: {  	[tilespmem:s22+$0x102A0] =	vst v17  }
0x103: {  	v17 =	vld.idx.msk [tilespmem:v18+s8+$0x0], $0xffff;
	_ =	sdelay $0x4  }
0x104: {  	[tilespmem:s22+$0x102B0] =	vst v17  }
0x105: {  	v17 =	vld [tilespmem:s24+$0x0];
	_ =	sdelay $0x1  }
0x106: {  	s28 =	sor.u32 $0x2, s25  }
0x107: {  	v18 =	vmov s28  }
0x108: {  	vm4 =	veq.s32 v18, v0  }
0x109: {  	v17 =	vnsel vm4, $0x0, v17  }
0x10a: {  	(xrf0) =	vadd.scan.msk.s32 $0xffff, v17;
	_ =	sdelay $0x5  }
0x10b: {  	v17, _, _ =	vpop (xrf0)  }
0x10c: {  	(v2sf) =	vpush v17, $0xF;
	_ =	sdelay $0xe  }
0x10d: {  	s28 =	spop (v2sf)  }
0x10e: {  	s28 =	sand.u32 $0x7F, s28  }
0x10f: {  	s28 =	sor.u32 s26, s28  }
0x110: {  	v17 =	vor.u32 s28, v9;
	_ =	sdelay $0x4  }
0x111: {  	v17 =	vld.idx.msk [tilespmem:v17+s8+$0x0], $0xffff  }
0x112: {  	v18 =	vor.u32 s28, v10;
	_ =	sdelay $0x3  }
0x113: {  	[tilespmem:s22+$0x10300] =	vst v17  }
0x114: {  	v17 =	vld.idx.msk [tilespmem:v18+s8+$0x0], $0xffff  }
0x115: {  	v18 =	vor.u32 s28, v11;
	_ =	sdelay $0x3  }
0x116: {  	[tilespmem:s22+$0x10310] =	vst v17  }
0x117: {  	v17 =	vld.idx.msk [tilespmem:v18+s8+$0x0], $0xffff  }
0x118: {  	v18 =	vor.u32 s28, v12;
	_ =	sdelay $0x3  }
0x119: {  	[tilespmem:s22+$0x10320] =	vst v17  }
0x11a: {  	v17 =	vld.idx.msk [tilespmem:v18+s8+$0x0], $0xffff;
	_ =	sdelay $0x4  }
0x11b: {  	[tilespmem:s22+$0x10330] =	vst v17  }
0x11c: {  	v17 =	vld [tilespmem:s24+$0x0];
	_ =	sdelay $0x1  }
0x11d: {  	s25 =	sor.u32 $0x3, s25  }
0x11e: {  	v18 =	vmov s25  }
0x11f: {  	vm4 =	veq.s32 v18, v0  }
0x120: {  	v17 =	vnsel vm4, $0x0, v17  }
0x121: {  	(xrf0) =	vadd.scan.msk.s32 $0xffff, v17;
	_ =	sdelay $0x5  }
0x122: {  	v17, _, _ =	vpop (xrf0)  }
0x123: {  	(v2sf) =	vpush v17, $0xF;
	_ =	sdelay $0xe  }
0x124: {  	s28 =	spop (v2sf)  }
0x125: {  	s24 =	sand.u32 $0x7F, s28  }
0x126: {  	s24 =	sor.u32 s26, s24  }
0x127: {  	v17 =	vor.u32 s24, v13;
	_ =	sdelay $0x4  }
0x128: {  	v17 =	vld.idx.msk [tilespmem:v17+s8+$0x0], $0xffff  }
0x129: {  	v18 =	vor.u32 s24, v14;
	_ =	sdelay $0x3  }
0x12a: {  	[tilespmem:s22+$0x10380] =	vst v17  }
0x12b: {  	v17 =	vld.idx.msk [tilespmem:v18+s8+$0x0], $0xffff  }
0x12c: {  	v18 =	vor.u32 s24, v15;
	_ =	sdelay $0x3  }
0x12d: {  	[tilespmem:s22+$0x10390] =	vst v17  }
0x12e: {  	v17 =	vld.idx.msk [tilespmem:v18+s8+$0x0], $0xffff  }
0x12f: {  	v18 =	vor.u32 s24, v16;
	_ =	sdelay $0x3  }
0x130: {  	[tilespmem:s22+$0x103A0] =	vst v17  }
0x131: {  	v17 =	vld.idx.msk [tilespmem:v18+s8+$0x0], $0xffff;
	_ =	sdelay $0x2  }
0x132: {  	p0 =	sne.s32 s23, $0xF  }
0x133: {  	s23 =	sand.u32 @!p0 $0x1C00, s19  }
0x134: {  	s24 =	simm.s32 @!p0 $0x10200;
	[tilespmem:s22+$0x103B0] =	vst v17;
	s22 =	sadd.s32 @!p0 s23, s5;
	s23 =	simm.s32 @!p0 $0x0  }
0x135: {  	[hbm4b:s22+s23] =	stream.linear.scatter @!p0 [tilespmem:s24], [sflag:$0x2], $0x2000, $0x38;
	[tilespmem:$0x12200] =	vst v63  }
0x136: {  	s22 =	simm.s32 @!p0 $0x2  }
0x137: {  	_ =	swait.ge @!p0 [sflag:s22], $0x2000  }
0x138: {  	s20 =	sadd.s32 $0x4, s20;
	[sflag:s22] =	ssyncset.done @!p0 $0x0  }
0x139: {  	[sflag:s22] =	ssyncadd.s32 @!p0 $0xFFFFE000;
	p0 =	sne.s32 s20, $0x200  }
.Ltmp3:
0x13a: {  	_ = 	snop;
	(pc) =	sbr.rel @!p0 .LBB2_5-.Ltmp3, $2  }
0x13b: {  	_ =	sdelay $0x2  }
0x13c: {  	s18 =	sadd.s32 $0x8000, s18;
	s21 =	sadd.s32 $0x1, s21;
	s19 =	sadd.s32 $0x40, s19  }
.LBB2_2:
0x13d: {  	p0 =	seq.s32 s20, $0x1FC  }
.Ltmp4:
0x13e: {  	_ = 	snop;
	(pc) =	sbr.rel @p0 .LBB2_4-.Ltmp4, $1  }
0x13f: {  	_ =	sdelay $0x3  }
0x140: {  	s22 =	sadd.s32 $0x4, s20  }
0x141: {  	s23 =	sand.u32 $0x3F0, s22  }
0x142: {  	v17 =	vld [tilespmem:s23+$0x0];
	_ =	sdelay $0x1  }
0x143: {  	s24 =	sand.u32 $0xC, s22  }
0x144: {  	v18 =	vmov s24  }
0x145: {  	vm4 =	veq.s32 v18, v0  }
0x146: {  	v17 =	vnsel vm4, $0x0, v17  }
0x147: {  	(xrf0) =	vadd.scan.msk.s32 $0xffff, v17;
	_ =	sdelay $0x5  }
0x148: {  	v17, _, _ =	vpop (xrf0)  }
0x149: {  	(v2sf) =	vpush v17, $0xF;
	_ =	sdelay $0xe  }
0x14a: {  	s25 =	spop (v2sf)  }
0x14b: {  	s22 =	sand.u32 $0x8000, s18;
	s25 =	sand.u32 $0xFFFFF80, s25  }
0x14c: {  	s26 =	sor.u32 $0x200, s22;
	s25 =	sadd.s32 s1, s25  }
0x14d: {  	[tilespmem:s26], [sflag:$0x1] =	stream.linear.gather [hbm4b:s25+s3], $0x400, $0x38;
	[tilespmem:$0x12200] =	vst v63  }
0x14e: {  	s26 =	sor.u32 $0x600, s22;
	s28 =	sadd.s32 $0xF4280, s25  }
0x14f: {  	[tilespmem:s26], [sflag:$0x1] =	stream.linear.gather [hbm4b:s28+s3], $0x400, $0x38;
	[tilespmem:$0x12200] =	vst v63  }
0x150: {  	s26 =	sor.u32 $0xA00, s22;
	s28 =	sadd.s32 $0x1E8500, s25  }
0x151: {  	[tilespmem:s26], [sflag:$0x1] =	stream.linear.gather [hbm4b:s28+s3], $0x400, $0x38;
	[tilespmem:$0x12200] =	vst v63  }
0x152: {  	s26 =	sor.u32 $0xE00, s22;
	s28 =	sadd.s32 $0x2DC780, s25  }
0x153: {  	[tilespmem:s26], [sflag:$0x1] =	stream.linear.gather [hbm4b:s28+s3], $0x400, $0x38;
	[tilespmem:$0x12200] =	vst v63  }
0x154: {  	s26 =	sor.u32 $0x1200, s22;
	s28 =	sadd.s32 $0x3D0A00, s25  }
0x155: {  	[tilespmem:s26], [sflag:$0x1] =	stream.linear.gather [hbm4b:s28+s3], $0x400, $0x38;
	[tilespmem:$0x12200] =	vst v63  }
0x156: {  	s26 =	sor.u32 $0x1600, s22;
	s28 =	sadd.s32 $0x4C4C80, s25  }
0x157: {  	[tilespmem:s26], [sflag:$0x1] =	stream.linear.gather [hbm4b:s28+s3], $0x400, $0x38;
	[tilespmem:$0x12200] =	vst v63  }
0x158: {  	s26 =	sor.u32 $0x1A00, s22;
	s28 =	sadd.s32 $0x5B8F00, s25  }
0x159: {  	[tilespmem:s26], [sflag:$0x1] =	stream.linear.gather [hbm4b:s28+s3], $0x400, $0x38;
	[tilespmem:$0x12200] =	vst v63  }
0x15a: {  	s25 =	sadd.s32 $0x6AD180, s25;
	s28 =	sor.u32 $0x1E00, s22  }
0x15b: {  	[tilespmem:s28], [sflag:$0x1] =	stream.linear.gather [hbm4b:s25+s3], $0x400, $0x38;
	[tilespmem:$0x12200] =	vst v63  }
0x15c: {  	v17 =	vld [tilespmem:s23+$0x0];
	_ =	sdelay $0x1  }
0x15d: {  	s28 =	sor.u32 $0x1, s24  }
0x15e: {  	v18 =	vmov s28  }
0x15f: {  	vm4 =	veq.s32 v18, v0  }
0x160: {  	v17 =	vnsel vm4, $0x0, v17  }
0x161: {  	(xrf0) =	vadd.scan.msk.s32 $0xffff, v17;
	_ =	sdelay $0x5  }
0x162: {  	v17, _, _ =	vpop (xrf0)  }
0x163: {  	(v2sf) =	vpush v17, $0xF;
	_ =	sdelay $0xe  }
0x164: {  	s26 =	spop (v2sf)  }
0x165: {  	s25 =	sand.u32 $0xFFFFF80, s26  }
0x166: {  	s28 =	sor.u32 $0x2200, s22;
	s25 =	sadd.s32 s1, s25  }
0x167: {  	[tilespmem:s28], [sflag:$0x1] =	stream.linear.gather [hbm4b:s25+s3], $0x400, $0x38;
	[tilespmem:$0x12200] =	vst v63  }
0x168: {  	s26 =	sor.u32 $0x2600, s22;
	s28 =	sadd.s32 $0xF4280, s25  }
0x169: {  	[tilespmem:s26], [sflag:$0x1] =	stream.linear.gather [hbm4b:s28+s3], $0x400, $0x38;
	[tilespmem:$0x12200] =	vst v63  }
0x16a: {  	s26 =	sor.u32 $0x2A00, s22;
	s28 =	sadd.s32 $0x1E8500, s25  }
0x16b: {  	[tilespmem:s26], [sflag:$0x1] =	stream.linear.gather [hbm4b:s28+s3], $0x400, $0x38;
	[tilespmem:$0x12200] =	vst v63  }
0x16c: {  	s26 =	sor.u32 $0x2E00, s22;
	s28 =	sadd.s32 $0x2DC780, s25  }
0x16d: {  	[tilespmem:s26], [sflag:$0x1] =	stream.linear.gather [hbm4b:s28+s3], $0x400, $0x38;
	[tilespmem:$0x12200] =	vst v63  }
0x16e: {  	s26 =	sor.u32 $0x3200, s22;
	s28 =	sadd.s32 $0x3D0A00, s25  }
0x16f: {  	[tilespmem:s26], [sflag:$0x1] =	stream.linear.gather [hbm4b:s28+s3], $0x400, $0x38;
	[tilespmem:$0x12200] =	vst v63  }
0x170: {  	s26 =	sor.u32 $0x3600, s22;
	s28 =	sadd.s32 $0x4C4C80, s25  }
0x171: {  	[tilespmem:s26], [sflag:$0x1] =	stream.linear.gather [hbm4b:s28+s3], $0x400, $0x38;
	[tilespmem:$0x12200] =	vst v63  }
0x172: {  	s26 =	sor.u32 $0x3A00, s22;
	s28 =	sadd.s32 $0x5B8F00, s25  }
0x173: {  	[tilespmem:s26], [sflag:$0x1] =	stream.linear.gather [hbm4b:s28+s3], $0x400, $0x38;
	[tilespmem:$0x12200] =	vst v63  }
0x174: {  	s25 =	sadd.s32 $0x6AD180, s25;
	s28 =	sor.u32 $0x3E00, s22  }
0x175: {  	[tilespmem:s28], [sflag:$0x1] =	stream.linear.gather [hbm4b:s25+s3], $0x400, $0x38;
	[tilespmem:$0x12200] =	vst v63  }
0x176: {  	v17 =	vld [tilespmem:s23+$0x0];
	_ =	sdelay $0x1  }
0x177: {  	s28 =	sor.u32 $0x2, s24  }
0x178: {  	v18 =	vmov s28  }
0x179: {  	vm4 =	veq.s32 v18, v0  }
0x17a: {  	v17 =	vnsel vm4, $0x0, v17  }
0x17b: {  	(xrf0) =	vadd.scan.msk.s32 $0xffff, v17;
	_ =	sdelay $0x5  }
0x17c: {  	v17, _, _ =	vpop (xrf0)  }
0x17d: {  	(v2sf) =	vpush v17, $0xF;
	_ =	sdelay $0xe  }
0x17e: {  	s26 =	spop (v2sf)  }
0x17f: {  	s25 =	sand.u32 $0xFFFFF80, s26  }
0x180: {  	s28 =	sor.u32 $0x4200, s22;
	s25 =	sadd.s32 s1, s25  }
0x181: {  	[tilespmem:s28], [sflag:$0x1] =	stream.linear.gather [hbm4b:s25+s3], $0x400, $0x38;
	[tilespmem:$0x12200] =	vst v63  }
0x182: {  	s26 =	sor.u32 $0x4600, s22;
	s28 =	sadd.s32 $0xF4280, s25  }
0x183: {  	[tilespmem:s26], [sflag:$0x1] =	stream.linear.gather [hbm4b:s28+s3], $0x400, $0x38;
	[tilespmem:$0x12200] =	vst v63  }
0x184: {  	s26 =	sor.u32 $0x4A00, s22;
	s28 =	sadd.s32 $0x1E8500, s25  }
0x185: {  	[tilespmem:s26], [sflag:$0x1] =	stream.linear.gather [hbm4b:s28+s3], $0x400, $0x38;
	[tilespmem:$0x12200] =	vst v63  }
0x186: {  	s26 =	sor.u32 $0x4E00, s22;
	s28 =	sadd.s32 $0x2DC780, s25  }
0x187: {  	[tilespmem:s26], [sflag:$0x1] =	stream.linear.gather [hbm4b:s28+s3], $0x400, $0x38;
	[tilespmem:$0x12200] =	vst v63  }
0x188: {  	s26 =	sor.u32 $0x5200, s22;
	s28 =	sadd.s32 $0x3D0A00, s25  }
0x189: {  	[tilespmem:s26], [sflag:$0x1] =	stream.linear.gather [hbm4b:s28+s3], $0x400, $0x38;
	[tilespmem:$0x12200] =	vst v63  }
0x18a: {  	s26 =	sor.u32 $0x5600, s22;
	s28 =	sadd.s32 $0x4C4C80, s25  }
0x18b: {  	[tilespmem:s26], [sflag:$0x1] =	stream.linear.gather [hbm4b:s28+s3], $0x400, $0x38;
	[tilespmem:$0x12200] =	vst v63  }
0x18c: {  	s26 =	sor.u32 $0x5A00, s22;
	s28 =	sadd.s32 $0x5B8F00, s25  }
0x18d: {  	[tilespmem:s26], [sflag:$0x1] =	stream.linear.gather [hbm4b:s28+s3], $0x400, $0x38;
	[tilespmem:$0x12200] =	vst v63  }
0x18e: {  	s25 =	sadd.s32 $0x6AD180, s25;
	s28 =	sor.u32 $0x5E00, s22  }
0x18f: {  	[tilespmem:s28], [sflag:$0x1] =	stream.linear.gather [hbm4b:s25+s3], $0x400, $0x38;
	[tilespmem:$0x12200] =	vst v63  }
0x190: {  	v17 =	vld [tilespmem:s23+$0x0];
	_ =	sdelay $0x1  }
0x191: {  	s28 =	sor.u32 $0x3, s24  }
0x192: {  	v18 =	vmov s28  }
0x193: {  	vm4 =	veq.s32 v18, v0  }
0x194: {  	v17 =	vnsel vm4, $0x0, v17  }
0x195: {  	(xrf0) =	vadd.scan.msk.s32 $0xffff, v17;
	_ =	sdelay $0x5  }
0x196: {  	v17, _, _ =	vpop (xrf0)  }
0x197: {  	(v2sf) =	vpush v17, $0xF;
	_ =	sdelay $0xe  }
0x198: {  	s24 =	spop (v2sf)  }
0x199: {  	s23 =	sand.u32 $0xFFFFF80, s24  }
0x19a: {  	s25 =	sor.u32 $0x6200, s22;
	s23 =	sadd.s32 s1, s23  }
0x19b: {  	[tilespmem:s25], [sflag:$0x1] =	stream.linear.gather [hbm4b:s23+s3], $0x400, $0x38;
	[tilespmem:$0x12200] =	vst v63  }
0x19c: {  	s26 =	sor.u32 $0x6600, s22;
	s28 =	sadd.s32 $0xF4280, s23  }
0x19d: {  	[tilespmem:s26], [sflag:$0x1] =	stream.linear.gather [hbm4b:s28+s3], $0x400, $0x38;
	[tilespmem:$0x12200] =	vst v63  }
0x19e: {  	s26 =	sor.u32 $0x6A00, s22;
	s28 =	sadd.s32 $0x1E8500, s23  }
0x19f: {  	[tilespmem:s26], [sflag:$0x1] =	stream.linear.gather [hbm4b:s28+s3], $0x400, $0x38;
	[tilespmem:$0x12200] =	vst v63  }
0x1a0: {  	s26 =	sor.u32 $0x6E00, s22;
	s28 =	sadd.s32 $0x2DC780, s23  }
0x1a1: {  	[tilespmem:s26], [sflag:$0x1] =	stream.linear.gather [hbm4b:s28+s3], $0x400, $0x38;
	[tilespmem:$0x12200] =	vst v63  }
0x1a2: {  	s26 =	sor.u32 $0x7200, s22;
	s28 =	sadd.s32 $0x3D0A00, s23  }
0x1a3: {  	[tilespmem:s26], [sflag:$0x1] =	stream.linear.gather [hbm4b:s28+s3], $0x400, $0x38;
	[tilespmem:$0x12200] =	vst v63  }
0x1a4: {  	s26 =	sor.u32 $0x7600, s22;
	s28 =	sadd.s32 $0x4C4C80, s23  }
0x1a5: {  	[tilespmem:s26], [sflag:$0x1] =	stream.linear.gather [hbm4b:s28+s3], $0x400, $0x38;
	[tilespmem:$0x12200] =	vst v63  }
.Ltmp5:
0x1a6: {  	_ = 	snop;
	(pc) =	sbr.rel .LBB2_4-.Ltmp5, $4  }
0x1a7: {  	s26 =	sor.u32 $0x7A00, s22;
	s28 =	sadd.s32 $0x5B8F00, s23  }
0x1a8: {  	[tilespmem:s26], [sflag:$0x1] =	stream.linear.gather [hbm4b:s28+s3], $0x400, $0x38;
	[tilespmem:$0x12200] =	vst v63  }
0x1a9: {  	s22 =	sor.u32 $0x7E00, s22;
	s23 =	sadd.s32 $0x6AD180, s23  }
0x1aa: {  	[tilespmem:s22], [sflag:$0x1] =	stream.linear.gather [hbm4b:s23+s3], $0x400, $0x38;
	[tilespmem:$0x12200] =	vst v63  }
.LBB2_6:
0x1ab: {  	_ =	sfence.sel $0x180000  }
0x1ac: {  	[bflag:$0x0] =	sbarrier.arrive $0xFFFF  }
0x1ad: {  	_ =	strace $0x90000047  }
0x1ae: {  	s0 =	stileid.u32;
	[bflag:$0x2] =	sbarrier.arrive $0xFFFF  }
0x1af: {  	p0 =	sne.s32 s0, $0x0;
	s0 =	rddreg [dreg:$0x3]  }
0x1b0: {  	s0 =	sadd.s32 @!p0 $0x100000, s0  }
0x1b1: {  	[sflag:s0] =	ssyncadd.tile.s32 @!p0 $0x1;
	_ =	shalt  }
.Lfunc_end2:
_tile_overlayer_lowered:
.L_overlay_start_2:
0x1b2: {  	(tag) =	ssettag $0x2  }
0x1b3: {  	s0 =	rddreg [dreg:$0x0];
	s2 =	stileid.u32  }
0x1b4: {  	s1 =	rddreg [dreg:$0x1];
	p0 =	sne.s32 s2, $0x0  }
0x1b5: {  	s3 =	rddreg [dreg:$0x2];
	[bflag:$0x3] =	sbarrier.arrive $0xFFFF;
	s2 =	simm.s32 @!p0 $0x1C02  }
0x1b6: {  	[timem:s3], [sflag:s2] =	dma.local @!p0 [hbm:s0], s1  }
0x1b7: {  	s0 =	simm.s32 @!p0 $0x2  }
0x1b8: {  	_ =	swait.ge @!p0 [sflag:s0], s1  }
0x1b9: {  	s1 =	ssub.s32 @!p0 $0x0, s1;
	[sflag:s0] =	ssyncset.done @!p0 $0x0  }
0x1ba: {  	[sflag:s0] =	ssyncadd.s32 @!p0 s1  }
0x1bb: {  	[bflag:$0x3] =	sbarrier.arrive $0xFFFF  }
0x1bc: {  	_ =	shalt  }

</sc_bundles>
